<compile_context>
chip_gen: v7x
topology: tpu7x:2x2x1
jax: 0.10.2.dev20260603
libtpu: 0.0.44.dev20260713+nightly
codegen_flags: <defaults>
</compile_context>

<pallas_src>
import functools
import math

import jax
import jax.numpy as jnp
from jax import lax
from jax.experimental import pallas as pl
from jax.experimental.pallas import tpu as pltpu
from jax.experimental.pallas import tpu_sc as plsc

_K = 10
_POS_PENALTY = 1.2
_NW = 32
_SC_ROWS = 512
_ROW_BLOCK = 256
_W = [1.0 / math.log2(j + 2.0) for j in range(_K)]
_NEG_BIG = float(-3.4028235e38)

_NET8 = [
    (0, 1), (2, 3), (4, 5), (6, 7),
    (0, 2), (1, 3), (4, 6), (5, 7),
    (1, 2), (5, 6), (0, 4), (1, 5),
    (2, 6), (3, 7), (2, 4), (3, 5),
    (1, 2), (3, 4), (5, 6),
]



def _sort_dir(v, descending):
    return plsc.sort_key_val(v, v, descending=descending)[0]


def _top16_tree(vs, descending=True):
    if len(vs) == 1:
        return _sort_dir(vs[0], descending)
    mid = len(vs) // 2
    left = _top16_tree(vs[:mid], descending=False)
    right = _top16_tree(vs[mid:], descending=True)
    return _sort_dir(jnp.maximum(left, right), descending)


def _row_top16(rows_v, off, nv, rem, lane, neginf):
    vs = [rows_v[pl.ds(off + i * 16, 16)] for i in range(nv - 1)]
    vlast = rows_v[pl.ds(off + (nv - 1) * 16, 16)]
    vs.append(jnp.where(lane < rem, vlast, neginf))
    return _top16_tree(vs, descending=True)


def _make_sc_topk(s_rows, n):
    rpw = s_rows // _NW
    chunk = rpw if rpw <= 32 else rpw // ((rpw + 31) // 32)
    nchunk = rpw // chunk
    assert chunk * nchunk == rpw
    nv = (n + 15) // 16
    padrow = nv * 16
    rem = n - (nv - 1) * 16
    mesh = plsc.VectorSubcoreMesh(core_axis_name="c", subcore_axis_name="s")

    @functools.partial(
        pl.kernel,
        out_type=jax.ShapeDtypeStruct((s_rows * 16,), jnp.float32),
        mesh=mesh,
        scratch_types=[
            pltpu.VMEM((chunk * padrow,), jnp.float32),
            pltpu.VMEM((chunk * padrow,), jnp.float32),
            pltpu.VMEM((chunk * 16,), jnp.float32),
            pltpu.SemaphoreType.DMA,
            pltpu.SemaphoreType.DMA,
        ],
        compiler_params=pltpu.CompilerParams(needs_layout_passes=False),
    )
    def sc_topk(neg_hbm, out_hbm, rows_a, rows_b, top_v2, sem_a, sem_b):
        wid = lax.axis_index("s") * 2 + lax.axis_index("c")
        base = wid * rpw
        lane = lax.iota(jnp.int32, 16)
        neginf = jnp.full((16,), -jnp.inf, jnp.float32)
        bufs = [rows_a, rows_b]
        sems = [sem_a, sem_b]

        def issue(ci, buf, sem):
            return [
                pltpu.async_copy(
                    neg_hbm.at[pl.ds((base + ci * chunk + r) * n, n)],
                    buf.at[pl.ds(r * padrow, n)],
                    sem,
                )
                for r in range(chunk)
            ]

        pend = issue(0, bufs[0], sems[0])
        for ci in range(nchunk):
            for d in pend:
                d.wait()
            if ci + 1 < nchunk:
                pend = issue(ci + 1, bufs[(ci + 1) % 2], sems[(ci + 1) % 2])
            buf = bufs[ci % 2]

            def row_body(r2, carry, buf=buf):
                for u in range(2):
                    r = r2 * 2 + u
                    top_v2[pl.ds(r * 16, 16)] = _row_top16(
                        buf, r * padrow, nv, rem, lane, neginf
                    )
                return carry

            lax.fori_loop(0, chunk // 2, row_body, 0)
            pltpu.sync_copy(
                top_v2,
                out_hbm.at[pl.ds((base + ci * chunk) * 16, chunk * 16)],
            )

    return sc_topk



def _tc_topk_loss(x, pos):
    r, c = x.shape
    nq = c // 128
    lane = jax.lax.broadcasted_iota(jnp.int32, (r, 128), 1)
    xs = [x[:, i * 128:(i + 1) * 128] for i in range(nq)]
    s = []
    for i in range(nq):
        bits = jax.lax.bitcast_convert_type(xs[i], jnp.int32)
        pk = (bits & ~jnp.int32(1023)) | ((c - 1 - i * 128) - lane)
        s.append(jax.lax.bitcast_convert_type(pk, jnp.float32))
    for a, b in _NET8:
        hi = jnp.maximum(s[a], s[b])
        lo = jnp.minimum(s[a], s[b])
        s[a], s[b] = hi, lo
    tm = jnp.full((r, 128), _NEG_BIG, jnp.float32)
    m0p = None
    for j in range(_K):
        km = jnp.max(s[0], axis=1, keepdims=True)
        if j == 0:
            m0p = km
        qmax = min(nq - 1, _K - 1 - j)
        if qmax > 0:
            pop = s[0] == km
            for q in range(qmax):
                s[q] = jnp.where(pop, s[q + 1], s[q])
            if j + 8 < _K:
                s[nq - 1] = jnp.where(pop, _NEG_BIG, s[nq - 1])
        tm = jnp.where(lane == j, km, tm)
    tb = jax.lax.bitcast_convert_type(tm, jnp.int32) & ~jnp.int32(1023)
    tm = jax.lax.bitcast_convert_type(tb, jnp.float32)
    m0b = jax.lax.bitcast_convert_type(m0p, jnp.int32) & ~jnp.int32(1023)
    m0 = jax.lax.bitcast_convert_type(m0b, jnp.float32)
    wv = jnp.zeros((1, 128), jnp.float32)
    lane1 = jax.lax.broadcasted_iota(jnp.int32, (1, 128), 1)
    for j in range(_K):
        wv = wv + _W[j] * jnp.where(lane1 == j, 1.0, 0.0)
    z = tm - pos
    sp = jnp.maximum(z, 0.0) + jnp.log1p(jnp.exp(-jnp.abs(z)))
    pen = jnp.where(pos < m0, _POS_PENALTY, 1.0)
    return jnp.sum(jnp.sum(sp * wv, axis=1, keepdims=True) * pen)


def _pad_lanes(x):
    r, n = x.shape
    c = ((n + 127) // 128) * 128
    if c == n:
        return x
    return jnp.concatenate(
        [x, jnp.full((r, c - n), _NEG_BIG, jnp.float32)], axis=1
    )


def _tc_body(pos_ref, neg_hbm, out_ref, buf, sem):
    i = pl.program_id(0)
    nsteps = pl.num_programs(0)

    def start(step, slot):
        pltpu.make_async_copy(
            neg_hbm.at[:, pl.ds((step + _SC_ROWS // _ROW_BLOCK) * _ROW_BLOCK, _ROW_BLOCK)],
            buf.at[slot], sem.at[slot],
        ).start()

    @pl.when(i == 0)
    def _():
        start(0, 0)

    @pl.when(i + 1 < nsteps)
    def _():
        start(i + 1, (i + 1) % 2)

    slot = i % 2
    pltpu.make_async_copy(
        neg_hbm.at[:, pl.ds((i + _SC_ROWS // _ROW_BLOCK) * _ROW_BLOCK, _ROW_BLOCK)],
        buf.at[slot], sem.at[slot],
    ).wait()
    x = _pad_lanes(jnp.transpose(buf[slot]))
    pos = pos_ref[...]
    r, c = x.shape
    nq = c // 128
    lane = jax.lax.broadcasted_iota(jnp.int32, (r, 128), 1)
    xs = [x[:, i * 128:(i + 1) * 128] for i in range(nq)]
    s = []
    for i in range(nq):
        bits = jax.lax.bitcast_convert_type(xs[i], jnp.int32)
        pk = (bits & ~jnp.int32(1023)) | ((c - 1 - i * 128) - lane)
        s.append(jax.lax.bitcast_convert_type(pk, jnp.float32))
    for a, b in _NET8:
        hi = jnp.maximum(s[a], s[b])
        lo = jnp.minimum(s[a], s[b])
        s[a], s[b] = hi, lo
    tm = jnp.full((r, 128), _NEG_BIG, jnp.float32)
    m0p = None
    for j in range(_K):
        km = jnp.max(s[0], axis=1, keepdims=True)
        if j == 0:
            m0p = km
        qmax = min(nq - 1, _K - 1 - j)
        if qmax > 0:
            pop = s[0] == km
            for q in range(qmax):
                s[q] = jnp.where(pop, s[q + 1], s[q])
            if j + 8 < _K:
                s[nq - 1] = jnp.where(pop, _NEG_BIG, s[nq - 1])
        tm = jnp.where(lane == j, km, tm)
    tb = jax.lax.bitcast_convert_type(tm, jnp.int32) & ~jnp.int32(1023)
    tm = jax.lax.bitcast_convert_type(tb, jnp.float32)
    m0b = jax.lax.bitcast_convert_type(m0p, jnp.int32) & ~jnp.int32(1023)
    m0 = jax.lax.bitcast_convert_type(m0b, jnp.float32)
    wv = jnp.zeros((1, 128), jnp.float32)
    lane1 = jax.lax.broadcasted_iota(jnp.int32, (1, 128), 1)
    for j in range(_K):
        wv = wv + _W[j] * jnp.where(lane1 == j, 1.0, 0.0)
    z = tm - pos
    sp = jnp.maximum(z, 0.0) + jnp.log1p(jnp.exp(-jnp.abs(z)))
    pen = jnp.where(pos < m0, _POS_PENALTY, 1.0)
    blk = jnp.sum(jnp.sum(sp * wv, axis=1, keepdims=True) * pen)

    @pl.when(pl.program_id(0) == 0)
    def _():
        out_ref[0, 0] = 0.0

    out_ref[0, 0] += blk


def _sc_loss_body(pos_lo_ref, topk_ref, out_ref):
    x = topk_ref[...]
    pos = pos_lo_ref[...]
    b, c = x.shape
    jl = lax.broadcasted_iota(jnp.int32, (b, c), 1)
    wv = jnp.where(
        jl < _K, 1.0 / (jnp.log2(jl.astype(jnp.float32) + 2.0)), 0.0
    )
    z = x - pos
    sp = jnp.maximum(z, 0.0) + jnp.log1p(jnp.exp(-jnp.abs(z)))
    m0 = jnp.max(x, axis=1, keepdims=True)
    pen = jnp.where(pos < m0, _POS_PENALTY, 1.0)
    out_ref[0, 0] = jnp.sum(sp * wv * pen)


def kernel(pos, neg):
    if pos.ndim == 1:
        pos = pos[:, None]
    b, n = neg.shape
    k = min(_K, n)
    s_rows = _SC_ROWS
    off = s_rows // _ROW_BLOCK

    topk = _make_sc_topk(s_rows, n)(
        neg[:s_rows].reshape(-1)
    ).reshape(s_rows, 16)

    grid = (b - s_rows) // _ROW_BLOCK
    tc_sum = pl.pallas_call(
        _tc_body,
        grid=(grid,),
        in_specs=[
            pl.BlockSpec((_ROW_BLOCK, 1), lambda i: (i + off, 0)),
            pl.BlockSpec(memory_space=pl.ANY),
        ],
        out_specs=pl.BlockSpec(memory_space=pltpu.SMEM),
        out_shape=jax.ShapeDtypeStruct((1, 1), jnp.float32),
        scratch_shapes=[
            pltpu.VMEM((2, n, _ROW_BLOCK), jnp.float32),
            pltpu.SemaphoreType.DMA((2,)),
        ],
    )(pos, jnp.transpose(neg))

    sc_sum = pl.pallas_call(
        _sc_loss_body,
        out_specs=pl.BlockSpec(memory_space=pltpu.SMEM),
        out_shape=jax.ShapeDtypeStruct((1, 1), jnp.float32),
    )(pos[:s_rows], topk)
    return (tc_sum[0, 0] + sc_sum[0, 0]) / (b * k)

# --- scband reference (transcript-rebuilt; emitter-appended) ---
"""Pipeline reference for scband-top-kndgbprloss-68470368632900 (READ-ONLY COPY).

The authoritative reference and input builder live on the scoring server;
editing this copy changes nothing except your own understanding.
"""

import jax, jax.numpy as jnp
import numpy as np

K_PARAM = 10
POS_PENALTY = 1.2

def setup_inputs(seed: int = 0) -> dict:
    key = jax.random.key(seed)
    k1, k2 = jax.random.split(key)
    pos = jax.random.normal(k1, (4096, 1), dtype=jnp.float32)
    neg = jax.random.normal(k2, (4096, 1000), dtype=jnp.float32)
    return {"pos": pos, "neg": neg}

def reference(pos, neg):
    B, N = neg.shape
    if pos.ndim == 1:
        pos = pos[:, None]
    K = min(K_PARAM, N)
    topk_vals, topk_inds = jax.lax.top_k(neg, K)
    positions = jnp.arange(K, dtype=jnp.float32)
    ndcg_weights = 1.0 / jnp.log2(positions + 2.0)
    ndcg_weights = jnp.broadcast_to(ndcg_weights[None, :], (B, K))
    pos_exp = jnp.broadcast_to(pos, topk_vals.shape)
    diff = pos_exp - topk_vals
    bpr_loss = -jax.nn.log_sigmoid(diff)
    weighted_loss = bpr_loss * ndcg_weights
    max_topk = jnp.max(topk_vals, axis=1, keepdims=True)
    pos_penalty_mask = (pos < max_topk).astype(jnp.float32) * (POS_PENALTY - 1.0) + 1.0
    weighted_loss = weighted_loss * pos_penalty_mask
    return jnp.mean(weighted_loss)

if __name__ == "__main__":
    import jax
    _d = setup_inputs()
    print(jax.jit(kernel)(*tuple(_d.values())))

</pallas_src>

<mosaic_0001>
#map = affine_map<(d0, d1) -> (0)>
module attributes {stable_mosaic.version = 14 : i64} {
  func.func @sc_topk(%arg0: i32, %arg1: i32, %arg2: memref<512000xf32, #tpu.memory_space<hbm>>, %arg3: memref<8192xf32, #tpu.memory_space<hbm>>, %arg4: memref<16128xf32, #tpu.memory_space<vmem>>, %arg5: memref<16128xf32, #tpu.memory_space<vmem>>, %arg6: memref<256xf32, #tpu.memory_space<vmem>>, %arg7: memref<!tpu.dma_semaphore, #tpu.memory_space<semaphore_mem>>, %arg8: memref<!tpu.dma_semaphore, #tpu.memory_space<semaphore_mem>>) attributes {dimension_semantics = [#tpu.dimension_semantics<core_parallel>, #tpu.dimension_semantics<subcore_parallel>], iteration_bounds = array<i64: 2, 16>, scalar_prefetch = 0 : i64, scratch_operands = 5 : i64, tpu.core_type = #tpu.core_type<sc_vector_subcore>, window_params = [{transform_indices = #map}, {transform_indices = #map}]} {
    %mul3A = arith.constant 2 : i32
    %mul3A_0 = arith.muli %arg1, %mul3A : i32
    %add3A = arith.addi %mul3A_0, %arg0 : i32
    %mul3A_1 = arith.constant 16 : i32
    %mul3A_2 = arith.muli %add3A, %mul3A_1 : i32
    %iota3A = tpu.iota {dimensions = array<i32: 0>} : vector<16xi32>
    %broadcast_in_dim3A = arith.constant 0xFF800000 : f32
    %broadcast_in_dim3A_3 = vector.broadcast %broadcast_in_dim3A : f32 to vector<16xf32>
    %add3A_4 = arith.constant 0 : i32
    %add3A_5 = arith.addi %mul3A_2, %add3A_4 : i32
    %add3A_6 = arith.constant 0 : i32
    %add3A_7 = arith.addi %add3A_5, %add3A_6 : i32
    %mul3A_8 = arith.constant 1000 : i32
    %mul3A_9 = arith.muli %add3A_7, %mul3A_8 : i32
    %dma_start3A = arith.constant 0 : i32
    %dma_start3A_10 = tpu.memref_slice %arg4[%dma_start3A] : memref<16128xf32, #tpu.memory_space<vmem>> -> memref<1000xf32, #tpu.memory_space<vmem>>
    %dma_start3A_11 = tpu.memref_slice %arg2[%mul3A_9] : memref<512000xf32, #tpu.memory_space<hbm>> -> memref<1000xf32, #tpu.memory_space<hbm>>
    %dma_start3A_12 = arith.constant 0 : i32
    %dma_start3A_13 = tpu.memref_slice %arg4[%dma_start3A_12] : memref<16128xf32, #tpu.memory_space<vmem>> -> memref<1000xf32, #tpu.memory_space<vmem>>
    %dma_start3A_14 = tpu.memref_slice %arg2[%mul3A_9] : memref<512000xf32, #tpu.memory_space<hbm>> -> memref<1000xf32, #tpu.memory_space<hbm>>
    tpu.enqueue_dma source(%dma_start3A_14 : memref<1000xf32, #tpu.memory_space<hbm>>) target(%dma_start3A_13 : memref<1000xf32, #tpu.memory_space<vmem>>) target_semaphore(%arg7 : memref<!tpu.dma_semaphore, #tpu.memory_space<semaphore_mem>>)
    %add3A_15 = arith.constant 0 : i32
    %add3A_16 = arith.addi %mul3A_2, %add3A_15 : i32
    %add3A_17 = arith.constant 1 : i32
    %add3A_18 = arith.addi %add3A_16, %add3A_17 : i32
    %mul3A_19 = arith.constant 1000 : i32
    %mul3A_20 = arith.muli %add3A_18, %mul3A_19 : i32
    %dma_start3A_21 = arith.constant 1008 : i32
    %dma_start3A_22 = tpu.memref_slice %arg4[%dma_start3A_21] : memref<16128xf32, #tpu.memory_space<vmem>> -> memref<1000xf32, #tpu.memory_space<vmem>>
    %dma_start3A_23 = tpu.memref_slice %arg2[%mul3A_20] : memref<512000xf32, #tpu.memory_space<hbm>> -> memref<1000xf32, #tpu.memory_space<hbm>>
    %dma_start3A_24 = arith.constant 1008 : i32
    %dma_start3A_25 = tpu.memref_slice %arg4[%dma_start3A_24] : memref<16128xf32, #tpu.memory_space<vmem>> -> memref<1000xf32, #tpu.memory_space<vmem>>
    %dma_start3A_26 = tpu.memref_slice %arg2[%mul3A_20] : memref<512000xf32, #tpu.memory_space<hbm>> -> memref<1000xf32, #tpu.memory_space<hbm>>
    tpu.enqueue_dma source(%dma_start3A_26 : memref<1000xf32, #tpu.memory_space<hbm>>) target(%dma_start3A_25 : memref<1000xf32, #tpu.memory_space<vmem>>) target_semaphore(%arg7 : memref<!tpu.dma_semaphore, #tpu.memory_space<semaphore_mem>>)
    %add3A_27 = arith.constant 0 : i32
    %add3A_28 = arith.addi %mul3A_2, %add3A_27 : i32
    %add3A_29 = arith.constant 2 : i32
    %add3A_30 = arith.addi %add3A_28, %add3A_29 : i32
    %mul3A_31 = arith.constant 1000 : i32
    %mul3A_32 = arith.muli %add3A_30, %mul3A_31 : i32
    %dma_start3A_33 = arith.constant 2016 : i32
    %dma_start3A_34 = tpu.memref_slice %arg4[%dma_start3A_33] : memref<16128xf32, #tpu.memory_space<vmem>> -> memref<1000xf32, #tpu.memory_space<vmem>>
    %dma_start3A_35 = tpu.memref_slice %arg2[%mul3A_32] : memref<512000xf32, #tpu.memory_space<hbm>> -> memref<1000xf32, #tpu.memory_space<hbm>>
    %dma_start3A_36 = arith.constant 2016 : i32
    %dma_start3A_37 = tpu.memref_slice %arg4[%dma_start3A_36] : memref<16128xf32, #tpu.memory_space<vmem>> -> memref<1000xf32, #tpu.memory_space<vmem>>
    %dma_start3A_38 = tpu.memref_slice %arg2[%mul3A_32] : memref<512000xf32, #tpu.memory_space<hbm>> -> memref<1000xf32, #tpu.memory_space<hbm>>
    tpu.enqueue_dma source(%dma_start3A_38 : memref<1000xf32, #tpu.memory_space<hbm>>) target(%dma_start3A_37 : memref<1000xf32, #tpu.memory_space<vmem>>) target_semaphore(%arg7 : memref<!tpu.dma_semaphore, #tpu.memory_space<semaphore_mem>>)
    %add3A_39 = arith.constant 0 : i32
    %add3A_40 = arith.addi %mul3A_2, %add3A_39 : i32
    %add3A_41 = arith.constant 3 : i32
    %add3A_42 = arith.addi %add3A_40, %add3A_41 : i32
    %mul3A_43 = arith.constant 1000 : i32
    %mul3A_44 = arith.muli %add3A_42, %mul3A_43 : i32
    %dma_start3A_45 = arith.constant 3024 : i32
    %dma_start3A_46 = tpu.memref_slice %arg4[%dma_start3A_45] : memref<16128xf32, #tpu.memory_space<vmem>> -> memref<1000xf32, #tpu.memory_space<vmem>>
    %dma_start3A_47 = tpu.memref_slice %arg2[%mul3A_44] : memref<512000xf32, #tpu.memory_space<hbm>> -> memref<1000xf32, #tpu.memory_space<hbm>>
    %dma_start3A_48 = arith.constant 3024 : i32
    %dma_start3A_49 = tpu.memref_slice %arg4[%dma_start3A_48] : memref<16128xf32, #tpu.memory_space<vmem>> -> memref<1000xf32, #tpu.memory_space<vmem>>
    %dma_start3A_50 = tpu.memref_slice %arg2[%mul3A_44] : memref<512000xf32, #tpu.memory_space<hbm>> -> memref<1000xf32, #tpu.memory_space<hbm>>
    tpu.enqueue_dma source(%dma_start3A_50 : memref<1000xf32, #tpu.memory_space<hbm>>) target(%dma_start3A_49 : memref<1000xf32, #tpu.memory_space<vmem>>) target_semaphore(%arg7 : memref<!tpu.dma_semaphore, #tpu.memory_space<semaphore_mem>>)
    %add3A_51 = arith.constant 0 : i32
    %add3A_52 = arith.addi %mul3A_2, %add3A_51 : i32
    %add3A_53 = arith.constant 4 : i32
    %add3A_54 = arith.addi %add3A_52, %add3A_53 : i32
    %mul3A_55 = arith.constant 1000 : i32
    %mul3A_56 = arith.muli %add3A_54, %mul3A_55 : i32
    %dma_start3A_57 = arith.constant 4032 : i32
    %dma_start3A_58 = tpu.memref_slice %arg4[%dma_start3A_57] : memref<16128xf32, #tpu.memory_space<vmem>> -> memref<1000xf32, #tpu.memory_space<vmem>>
    %dma_start3A_59 = tpu.memref_slice %arg2[%mul3A_56] : memref<512000xf32, #tpu.memory_space<hbm>> -> memref<1000xf32, #tpu.memory_space<hbm>>
    %dma_start3A_60 = arith.constant 4032 : i32
    %dma_start3A_61 = tpu.memref_slice %arg4[%dma_start3A_60] : memref<16128xf32, #tpu.memory_space<vmem>> -> memref<1000xf32, #tpu.memory_space<vmem>>
    %dma_start3A_62 = tpu.memref_slice %arg2[%mul3A_56] : memref<512000xf32, #tpu.memory_space<hbm>> -> memref<1000xf32, #tpu.memory_space<hbm>>
    tpu.enqueue_dma source(%dma_start3A_62 : memref<1000xf32, #tpu.memory_space<hbm>>) target(%dma_start3A_61 : memref<1000xf32, #tpu.memory_space<vmem>>) target_semaphore(%arg7 : memref<!tpu.dma_semaphore, #tpu.memory_space<semaphore_mem>>)
    %add3A_63 = arith.constant 0 : i32
    %add3A_64 = arith.addi %mul3A_2, %add3A_63 : i32
    %add3A_65 = arith.constant 5 : i32
    %add3A_66 = arith.addi %add3A_64, %add3A_65 : i32
    %mul3A_67 = arith.constant 1000 : i32
    %mul3A_68 = arith.muli %add3A_66, %mul3A_67 : i32
    %dma_start3A_69 = arith.constant 5040 : i32
    %dma_start3A_70 = tpu.memref_slice %arg4[%dma_start3A_69] : memref<16128xf32, #tpu.memory_space<vmem>> -> memref<1000xf32, #tpu.memory_space<vmem>>
    %dma_start3A_71 = tpu.memref_slice %arg2[%mul3A_68] : memref<512000xf32, #tpu.memory_space<hbm>> -> memref<1000xf32, #tpu.memory_space<hbm>>
    %dma_start3A_72 = arith.constant 5040 : i32
    %dma_start3A_73 = tpu.memref_slice %arg4[%dma_start3A_72] : memref<16128xf32, #tpu.memory_space<vmem>> -> memref<1000xf32, #tpu.memory_space<vmem>>
    %dma_start3A_74 = tpu.memref_slice %arg2[%mul3A_68] : memref<512000xf32, #tpu.memory_space<hbm>> -> memref<1000xf32, #tpu.memory_space<hbm>>
    tpu.enqueue_dma source(%dma_start3A_74 : memref<1000xf32, #tpu.memory_space<hbm>>) target(%dma_start3A_73 : memref<1000xf32, #tpu.memory_space<vmem>>) target_semaphore(%arg7 : memref<!tpu.dma_semaphore, #tpu.memory_space<semaphore_mem>>)
    %add3A_75 = arith.constant 0 : i32
    %add3A_76 = arith.addi %mul3A_2, %add3A_75 : i32
    %add3A_77 = arith.constant 6 : i32
    %add3A_78 = arith.addi %add3A_76, %add3A_77 : i32
    %mul3A_79 = arith.constant 1000 : i32
    %mul3A_80 = arith.muli %add3A_78, %mul3A_79 : i32
    %dma_start3A_81 = arith.constant 6048 : i32
    %dma_start3A_82 = tpu.memref_slice %arg4[%dma_start3A_81] : memref<16128xf32, #tpu.memory_space<vmem>> -> memref<1000xf32, #tpu.memory_space<vmem>>
    %dma_start3A_83 = tpu.memref_slice %arg2[%mul3A_80] : memref<512000xf32, #tpu.memory_space<hbm>> -> memref<1000xf32, #tpu.memory_space<hbm>>
    %dma_start3A_84 = arith.constant 6048 : i32
    %dma_start3A_85 = tpu.memref_slice %arg4[%dma_start3A_84] : memref<16128xf32, #tpu.memory_space<vmem>> -> memref<1000xf32, #tpu.memory_space<vmem>>
    %dma_start3A_86 = tpu.memref_slice %arg2[%mul3A_80] : memref<512000xf32, #tpu.memory_space<hbm>> -> memref<1000xf32, #tpu.memory_space<hbm>>
    tpu.enqueue_dma source(%dma_start3A_86 : memref<1000xf32, #tpu.memory_space<hbm>>) target(%dma_start3A_85 : memref<1000xf32, #tpu.memory_space<vmem>>) target_semaphore(%arg7 : memref<!tpu.dma_semaphore, #tpu.memory_space<semaphore_mem>>)
    %add3A_87 = arith.constant 0 : i32
    %add3A_88 = arith.addi %mul3A_2, %add3A_87 : i32
    %add3A_89 = arith.constant 7 : i32
    %add3A_90 = arith.addi %add3A_88, %add3A_89 : i32
    %mul3A_91 = arith.constant 1000 : i32
    %mul3A_92 = arith.muli %add3A_90, %mul3A_91 : i32
    %dma_start3A_93 = arith.constant 7056 : i32
    %dma_start3A_94 = tpu.memref_slice %arg4[%dma_start3A_93] : memref<16128xf32, #tpu.memory_space<vmem>> -> memref<1000xf32, #tpu.memory_space<vmem>>
    %dma_start3A_95 = tpu.memref_slice %arg2[%mul3A_92] : memref<512000xf32, #tpu.memory_space<hbm>> -> memref<1000xf32, #tpu.memory_space<hbm>>
    %dma_start3A_96 = arith.constant 7056 : i32
    %dma_start3A_97 = tpu.memref_slice %arg4[%dma_start3A_96] : memref<16128xf32, #tpu.memory_space<vmem>> -> memref<1000xf32, #tpu.memory_space<vmem>>
    %dma_start3A_98 = tpu.memref_slice %arg2[%mul3A_92] : memref<512000xf32, #tpu.memory_space<hbm>> -> memref<1000xf32, #tpu.memory_space<hbm>>
    tpu.enqueue_dma source(%dma_start3A_98 : memref<1000xf32, #tpu.memory_space<hbm>>) target(%dma_start3A_97 : memref<1000xf32, #tpu.memory_space<vmem>>) target_semaphore(%arg7 : memref<!tpu.dma_semaphore, #tpu.memory_space<semaphore_mem>>)
    %add3A_99 = arith.constant 0 : i32
    %add3A_100 = arith.addi %mul3A_2, %add3A_99 : i32
    %add3A_101 = arith.constant 8 : i32
    %add3A_102 = arith.addi %add3A_100, %add3A_101 : i32
    %mul3A_103 = arith.constant 1000 : i32
    %mul3A_104 = arith.muli %add3A_102, %mul3A_103 : i32
    %dma_start3A_105 = arith.constant 8064 : i32
    %dma_start3A_106 = tpu.memref_slice %arg4[%dma_start3A_105] : memref<16128xf32, #tpu.memory_space<vmem>> -> memref<1000xf32, #tpu.memory_space<vmem>>
    %dma_start3A_107 = tpu.memref_slice %arg2[%mul3A_104] : memref<512000xf32, #tpu.memory_space<hbm>> -> memref<1000xf32, #tpu.memory_space<hbm>>
    %dma_start3A_108 = arith.constant 8064 : i32
    %dma_start3A_109 = tpu.memref_slice %arg4[%dma_start3A_108] : memref<16128xf32, #tpu.memory_space<vmem>> -> memref<1000xf32, #tpu.memory_space<vmem>>
    %dma_start3A_110 = tpu.memref_slice %arg2[%mul3A_104] : memref<512000xf32, #tpu.memory_space<hbm>> -> memref<1000xf32, #tpu.memory_space<hbm>>
    tpu.enqueue_dma source(%dma_start3A_110 : memref<1000xf32, #tpu.memory_space<hbm>>) target(%dma_start3A_109 : memref<1000xf32, #tpu.memory_space<vmem>>) target_semaphore(%arg7 : memref<!tpu.dma_semaphore, #tpu.memory_space<semaphore_mem>>)
    %add3A_111 = arith.constant 0 : i32
    %add3A_112 = arith.addi %mul3A_2, %add3A_111 : i32
    %add3A_113 = arith.constant 9 : i32
    %add3A_114 = arith.addi %add3A_112, %add3A_113 : i32
    %mul3A_115 = arith.constant 1000 : i32
    %mul3A_116 = arith.muli %add3A_114, %mul3A_115 : i32
    %dma_start3A_117 = arith.constant 9072 : i32
    %dma_start3A_118 = tpu.memref_slice %arg4[%dma_start3A_117] : memref<16128xf32, #tpu.memory_space<vmem>> -> memref<1000xf32, #tpu.memory_space<vmem>>
    %dma_start3A_119 = tpu.memref_slice %arg2[%mul3A_116] : memref<512000xf32, #tpu.memory_space<hbm>> -> memref<1000xf32, #tpu.memory_space<hbm>>
    %dma_start3A_120 = arith.constant 9072 : i32
    %dma_start3A_121 = tpu.memref_slice %arg4[%dma_start3A_120] : memref<16128xf32, #tpu.memory_space<vmem>> -> memref<1000xf32, #tpu.memory_space<vmem>>
    %dma_start3A_122 = tpu.memref_slice %arg2[%mul3A_116] : memref<512000xf32, #tpu.memory_space<hbm>> -> memref<1000xf32, #tpu.memory_space<hbm>>
    tpu.enqueue_dma source(%dma_start3A_122 : memref<1000xf32, #tpu.memory_space<hbm>>) target(%dma_start3A_121 : memref<1000xf32, #tpu.memory_space<vmem>>) target_semaphore(%arg7 : memref<!tpu.dma_semaphore, #tpu.memory_space<semaphore_mem>>)
    %add3A_123 = arith.constant 0 : i32
    %add3A_124 = arith.addi %mul3A_2, %add3A_123 : i32
    %add3A_125 = arith.constant 10 : i32
    %add3A_126 = arith.addi %add3A_124, %add3A_125 : i32
    %mul3A_127 = arith.constant 1000 : i32
    %mul3A_128 = arith.muli %add3A_126, %mul3A_127 : i32
    %dma_start3A_129 = arith.constant 10080 : i32
    %dma_start3A_130 = tpu.memref_slice %arg4[%dma_start3A_129] : memref<16128xf32, #tpu.memory_space<vmem>> -> memref<1000xf32, #tpu.memory_space<vmem>>
    %dma_start3A_131 = tpu.memref_slice %arg2[%mul3A_128] : memref<512000xf32, #tpu.memory_space<hbm>> -> memref<1000xf32, #tpu.memory_space<hbm>>
    %dma_start3A_132 = arith.constant 10080 : i32
    %dma_start3A_133 = tpu.memref_slice %arg4[%dma_start3A_132] : memref<16128xf32, #tpu.memory_space<vmem>> -> memref<1000xf32, #tpu.memory_space<vmem>>
    %dma_start3A_134 = tpu.memref_slice %arg2[%mul3A_128] : memref<512000xf32, #tpu.memory_space<hbm>> -> memref<1000xf32, #tpu.memory_space<hbm>>
    tpu.enqueue_dma source(%dma_start3A_134 : memref<1000xf32, #tpu.memory_space<hbm>>) target(%dma_start3A_133 : memref<1000xf32, #tpu.memory_space<vmem>>) target_semaphore(%arg7 : memref<!tpu.dma_semaphore, #tpu.memory_space<semaphore_mem>>)
    %add3A_135 = arith.constant 0 : i32
    %add3A_136 = arith.addi %mul3A_2, %add3A_135 : i32
    %add3A_137 = arith.constant 11 : i32
    %add3A_138 = arith.addi %add3A_136, %add3A_137 : i32
    %mul3A_139 = arith.constant 1000 : i32
    %mul3A_140 = arith.muli %add3A_138, %mul3A_139 : i32
    %dma_start3A_141 = arith.constant 11088 : i32
    %dma_start3A_142 = tpu.memref_slice %arg4[%dma_start3A_141] : memref<16128xf32, #tpu.memory_space<vmem>> -> memref<1000xf32, #tpu.memory_space<vmem>>
    %dma_start3A_143 = tpu.memref_slice %arg2[%mul3A_140] : memref<512000xf32, #tpu.memory_space<hbm>> -> memref<1000xf32, #tpu.memory_space<hbm>>
    %dma_start3A_144 = arith.constant 11088 : i32
    %dma_start3A_145 = tpu.memref_slice %arg4[%dma_start3A_144] : memref<16128xf32, #tpu.memory_space<vmem>> -> memref<1000xf32, #tpu.memory_space<vmem>>
    %dma_start3A_146 = tpu.memref_slice %arg2[%mul3A_140] : memref<512000xf32, #tpu.memory_space<hbm>> -> memref<1000xf32, #tpu.memory_space<hbm>>
    tpu.enqueue_dma source(%dma_start3A_146 : memref<1000xf32, #tpu.memory_space<hbm>>) target(%dma_start3A_145 : memref<1000xf32, #tpu.memory_space<vmem>>) target_semaphore(%arg7 : memref<!tpu.dma_semaphore, #tpu.memory_space<semaphore_mem>>)
    %add3A_147 = arith.constant 0 : i32
    %add3A_148 = arith.addi %mul3A_2, %add3A_147 : i32
    %add3A_149 = arith.constant 12 : i32
    %add3A_150 = arith.addi %add3A_148, %add3A_149 : i32
    %mul3A_151 = arith.constant 1000 : i32
    %mul3A_152 = arith.muli %add3A_150, %mul3A_151 : i32
    %dma_start3A_153 = arith.constant 12096 : i32
    %dma_start3A_154 = tpu.memref_slice %arg4[%dma_start3A_153] : memref<16128xf32, #tpu.memory_space<vmem>> -> memref<1000xf32, #tpu.memory_space<vmem>>
    %dma_start3A_155 = tpu.memref_slice %arg2[%mul3A_152] : memref<512000xf32, #tpu.memory_space<hbm>> -> memref<1000xf32, #tpu.memory_space<hbm>>
    %dma_start3A_156 = arith.constant 12096 : i32
    %dma_start3A_157 = tpu.memref_slice %arg4[%dma_start3A_156] : memref<16128xf32, #tpu.memory_space<vmem>> -> memref<1000xf32, #tpu.memory_space<vmem>>
    %dma_start3A_158 = tpu.memref_slice %arg2[%mul3A_152] : memref<512000xf32, #tpu.memory_space<hbm>> -> memref<1000xf32, #tpu.memory_space<hbm>>
    tpu.enqueue_dma source(%dma_start3A_158 : memref<1000xf32, #tpu.memory_space<hbm>>) target(%dma_start3A_157 : memref<1000xf32, #tpu.memory_space<vmem>>) target_semaphore(%arg7 : memref<!tpu.dma_semaphore, #tpu.memory_space<semaphore_mem>>)
    %add3A_159 = arith.constant 0 : i32
    %add3A_160 = arith.addi %mul3A_2, %add3A_159 : i32
    %add3A_161 = arith.constant 13 : i32
    %add3A_162 = arith.addi %add3A_160, %add3A_161 : i32
    %mul3A_163 = arith.constant 1000 : i32
    %mul3A_164 = arith.muli %add3A_162, %mul3A_163 : i32
    %dma_start3A_165 = arith.constant 13104 : i32
    %dma_start3A_166 = tpu.memref_slice %arg4[%dma_start3A_165] : memref<16128xf32, #tpu.memory_space<vmem>> -> memref<1000xf32, #tpu.memory_space<vmem>>
    %dma_start3A_167 = tpu.memref_slice %arg2[%mul3A_164] : memref<512000xf32, #tpu.memory_space<hbm>> -> memref<1000xf32, #tpu.memory_space<hbm>>
    %dma_start3A_168 = arith.constant 13104 : i32
    %dma_start3A_169 = tpu.memref_slice %arg4[%dma_start3A_168] : memref<16128xf32, #tpu.memory_space<vmem>> -> memref<1000xf32, #tpu.memory_space<vmem>>
    %dma_start3A_170 = tpu.memref_slice %arg2[%mul3A_164] : memref<512000xf32, #tpu.memory_space<hbm>> -> memref<1000xf32, #tpu.memory_space<hbm>>
    tpu.enqueue_dma source(%dma_start3A_170 : memref<1000xf32, #tpu.memory_space<hbm>>) target(%dma_start3A_169 : memref<1000xf32, #tpu.memory_space<vmem>>) target_semaphore(%arg7 : memref<!tpu.dma_semaphore, #tpu.memory_space<semaphore_mem>>)
    %add3A_171 = arith.constant 0 : i32
    %add3A_172 = arith.addi %mul3A_2, %add3A_171 : i32
    %add3A_173 = arith.constant 14 : i32
    %add3A_174 = arith.addi %add3A_172, %add3A_173 : i32
    %mul3A_175 = arith.constant 1000 : i32
    %mul3A_176 = arith.muli %add3A_174, %mul3A_175 : i32
    %dma_start3A_177 = arith.constant 14112 : i32
    %dma_start3A_178 = tpu.memref_slice %arg4[%dma_start3A_177] : memref<16128xf32, #tpu.memory_space<vmem>> -> memref<1000xf32, #tpu.memory_space<vmem>>
    %dma_start3A_179 = tpu.memref_slice %arg2[%mul3A_176] : memref<512000xf32, #tpu.memory_space<hbm>> -> memref<1000xf32, #tpu.memory_space<hbm>>
    %dma_start3A_180 = arith.constant 14112 : i32
    %dma_start3A_181 = tpu.memref_slice %arg4[%dma_start3A_180] : memref<16128xf32, #tpu.memory_space<vmem>> -> memref<1000xf32, #tpu.memory_space<vmem>>
    %dma_start3A_182 = tpu.memref_slice %arg2[%mul3A_176] : memref<512000xf32, #tpu.memory_space<hbm>> -> memref<1000xf32, #tpu.memory_space<hbm>>
    tpu.enqueue_dma source(%dma_start3A_182 : memref<1000xf32, #tpu.memory_space<hbm>>) target(%dma_start3A_181 : memref<1000xf32, #tpu.memory_space<vmem>>) target_semaphore(%arg7 : memref<!tpu.dma_semaphore, #tpu.memory_space<semaphore_mem>>)
    %add3A_183 = arith.constant 0 : i32
    %add3A_184 = arith.addi %mul3A_2, %add3A_183 : i32
    %add3A_185 = arith.constant 15 : i32
    %add3A_186 = arith.addi %add3A_184, %add3A_185 : i32
    %mul3A_187 = arith.constant 1000 : i32
    %mul3A_188 = arith.muli %add3A_186, %mul3A_187 : i32
    %dma_start3A_189 = arith.constant 15120 : i32
    %dma_start3A_190 = tpu.memref_slice %arg4[%dma_start3A_189] : memref<16128xf32, #tpu.memory_space<vmem>> -> memref<1000xf32, #tpu.memory_space<vmem>>
    %dma_start3A_191 = tpu.memref_slice %arg2[%mul3A_188] : memref<512000xf32, #tpu.memory_space<hbm>> -> memref<1000xf32, #tpu.memory_space<hbm>>
    %dma_start3A_192 = arith.constant 15120 : i32
    %dma_start3A_193 = tpu.memref_slice %arg4[%dma_start3A_192] : memref<16128xf32, #tpu.memory_space<vmem>> -> memref<1000xf32, #tpu.memory_space<vmem>>
    %dma_start3A_194 = tpu.memref_slice %arg2[%mul3A_188] : memref<512000xf32, #tpu.memory_space<hbm>> -> memref<1000xf32, #tpu.memory_space<hbm>>
    tpu.enqueue_dma source(%dma_start3A_194 : memref<1000xf32, #tpu.memory_space<hbm>>) target(%dma_start3A_193 : memref<1000xf32, #tpu.memory_space<vmem>>) target_semaphore(%arg7 : memref<!tpu.dma_semaphore, #tpu.memory_space<semaphore_mem>>)
    %dma_wait3A = arith.constant 0 : i32
    %dma_wait3A_195 = tpu.memref_slice %arg4[%dma_wait3A] : memref<16128xf32, #tpu.memory_space<vmem>> -> memref<1000xf32, #tpu.memory_space<vmem>>
    %dma_wait3A_196 = tpu.memref_slice %arg2[%mul3A_9] : memref<512000xf32, #tpu.memory_space<hbm>> -> memref<1000xf32, #tpu.memory_space<hbm>>
    %dma_wait3A_197 = arith.constant 0 : i32
    %dma_wait3A_198 = tpu.memref_slice %arg4[%dma_wait3A_197] : memref<16128xf32, #tpu.memory_space<vmem>> -> memref<1000xf32, #tpu.memory_space<vmem>>
    %dma_wait3A_199 = tpu.memref_slice %arg2[%mul3A_9] : memref<512000xf32, #tpu.memory_space<hbm>> -> memref<1000xf32, #tpu.memory_space<hbm>>
    tpu.wait_dma2 semaphore(%arg7 : memref<!tpu.dma_semaphore, #tpu.memory_space<semaphore_mem>>) src(%dma_wait3A_199 : memref<1000xf32, #tpu.memory_space<hbm>>) dst(%dma_wait3A_198 : memref<1000xf32, #tpu.memory_space<vmem>>)
    %dma_wait3A_200 = arith.constant 1008 : i32
    %dma_wait3A_201 = tpu.memref_slice %arg4[%dma_wait3A_200] : memref<16128xf32, #tpu.memory_space<vmem>> -> memref<1000xf32, #tpu.memory_space<vmem>>
    %dma_wait3A_202 = tpu.memref_slice %arg2[%mul3A_20] : memref<512000xf32, #tpu.memory_space<hbm>> -> memref<1000xf32, #tpu.memory_space<hbm>>
    %dma_wait3A_203 = arith.constant 1008 : i32
    %dma_wait3A_204 = tpu.memref_slice %arg4[%dma_wait3A_203] : memref<16128xf32, #tpu.memory_space<vmem>> -> memref<1000xf32, #tpu.memory_space<vmem>>
    %dma_wait3A_205 = tpu.memref_slice %arg2[%mul3A_20] : memref<512000xf32, #tpu.memory_space<hbm>> -> memref<1000xf32, #tpu.memory_space<hbm>>
    tpu.wait_dma2 semaphore(%arg7 : memref<!tpu.dma_semaphore, #tpu.memory_space<semaphore_mem>>) src(%dma_wait3A_205 : memref<1000xf32, #tpu.memory_space<hbm>>) dst(%dma_wait3A_204 : memref<1000xf32, #tpu.memory_space<vmem>>)
    %dma_wait3A_206 = arith.constant 2016 : i32
    %dma_wait3A_207 = tpu.memref_slice %arg4[%dma_wait3A_206] : memref<16128xf32, #tpu.memory_space<vmem>> -> memref<1000xf32, #tpu.memory_space<vmem>>
    %dma_wait3A_208 = tpu.memref_slice %arg2[%mul3A_32] : memref<512000xf32, #tpu.memory_space<hbm>> -> memref<1000xf32, #tpu.memory_space<hbm>>
    %dma_wait3A_209 = arith.constant 2016 : i32
    %dma_wait3A_210 = tpu.memref_slice %arg4[%dma_wait3A_209] : memref<16128xf32, #tpu.memory_space<vmem>> -> memref<1000xf32, #tpu.memory_space<vmem>>
    %dma_wait3A_211 = tpu.memref_slice %arg2[%mul3A_32] : memref<512000xf32, #tpu.memory_space<hbm>> -> memref<1000xf32, #tpu.memory_space<hbm>>
    tpu.wait_dma2 semaphore(%arg7 : memref<!tpu.dma_semaphore, #tpu.memory_space<semaphore_mem>>) src(%dma_wait3A_211 : memref<1000xf32, #tpu.memory_space<hbm>>) dst(%dma_wait3A_210 : memref<1000xf32, #tpu.memory_space<vmem>>)
    %dma_wait3A_212 = arith.constant 3024 : i32
    %dma_wait3A_213 = tpu.memref_slice %arg4[%dma_wait3A_212] : memref<16128xf32, #tpu.memory_space<vmem>> -> memref<1000xf32, #tpu.memory_space<vmem>>
    %dma_wait3A_214 = tpu.memref_slice %arg2[%mul3A_44] : memref<512000xf32, #tpu.memory_space<hbm>> -> memref<1000xf32, #tpu.memory_space<hbm>>
    %dma_wait3A_215 = arith.constant 3024 : i32
    %dma_wait3A_216 = tpu.memref_slice %arg4[%dma_wait3A_215] : memref<16128xf32, #tpu.memory_space<vmem>> -> memref<1000xf32, #tpu.memory_space<vmem>>
    %dma_wait3A_217 = tpu.memref_slice %arg2[%mul3A_44] : memref<512000xf32, #tpu.memory_space<hbm>> -> memref<1000xf32, #tpu.memory_space<hbm>>
    tpu.wait_dma2 semaphore(%arg7 : memref<!tpu.dma_semaphore, #tpu.memory_space<semaphore_mem>>) src(%dma_wait3A_217 : memref<1000xf32, #tpu.memory_space<hbm>>) dst(%dma_wait3A_216 : memref<1000xf32, #tpu.memory_space<vmem>>)
    %dma_wait3A_218 = arith.constant 4032 : i32
    %dma_wait3A_219 = tpu.memref_slice %arg4[%dma_wait3A_218] : memref<16128xf32, #tpu.memory_space<vmem>> -> memref<1000xf32, #tpu.memory_space<vmem>>
    %dma_wait3A_220 = tpu.memref_slice %arg2[%mul3A_56] : memref<512000xf32, #tpu.memory_space<hbm>> -> memref<1000xf32, #tpu.memory_space<hbm>>
    %dma_wait3A_221 = arith.constant 4032 : i32
    %dma_wait3A_222 = tpu.memref_slice %arg4[%dma_wait3A_221] : memref<16128xf32, #tpu.memory_space<vmem>> -> memref<1000xf32, #tpu.memory_space<vmem>>
    %dma_wait3A_223 = tpu.memref_slice %arg2[%mul3A_56] : memref<512000xf32, #tpu.memory_space<hbm>> -> memref<1000xf32, #tpu.memory_space<hbm>>
    tpu.wait_dma2 semaphore(%arg7 : memref<!tpu.dma_semaphore, #tpu.memory_space<semaphore_mem>>) src(%dma_wait3A_223 : memref<1000xf32, #tpu.memory_space<hbm>>) dst(%dma_wait3A_222 : memref<1000xf32, #tpu.memory_space<vmem>>)
    %dma_wait3A_224 = arith.constant 5040 : i32
    %dma_wait3A_225 = tpu.memref_slice %arg4[%dma_wait3A_224] : memref<16128xf32, #tpu.memory_space<vmem>> -> memref<1000xf32, #tpu.memory_space<vmem>>
    %dma_wait3A_226 = tpu.memref_slice %arg2[%mul3A_68] : memref<512000xf32, #tpu.memory_space<hbm>> -> memref<1000xf32, #tpu.memory_space<hbm>>
    %dma_wait3A_227 = arith.constant 5040 : i32
    %dma_wait3A_228 = tpu.memref_slice %arg4[%dma_wait3A_227] : memref<16128xf32, #tpu.memory_space<vmem>> -> memref<1000xf32, #tpu.memory_space<vmem>>
    %dma_wait3A_229 = tpu.memref_slice %arg2[%mul3A_68] : memref<512000xf32, #tpu.memory_space<hbm>> -> memref<1000xf32, #tpu.memory_space<hbm>>
    tpu.wait_dma2 semaphore(%arg7 : memref<!tpu.dma_semaphore, #tpu.memory_space<semaphore_mem>>) src(%dma_wait3A_229 : memref<1000xf32, #tpu.memory_space<hbm>>) dst(%dma_wait3A_228 : memref<1000xf32, #tpu.memory_space<vmem>>)
    %dma_wait3A_230 = arith.constant 6048 : i32
    %dma_wait3A_231 = tpu.memref_slice %arg4[%dma_wait3A_230] : memref<16128xf32, #tpu.memory_space<vmem>> -> memref<1000xf32, #tpu.memory_space<vmem>>
    %dma_wait3A_232 = tpu.memref_slice %arg2[%mul3A_80] : memref<512000xf32, #tpu.memory_space<hbm>> -> memref<1000xf32, #tpu.memory_space<hbm>>
    %dma_wait3A_233 = arith.constant 6048 : i32
    %dma_wait3A_234 = tpu.memref_slice %arg4[%dma_wait3A_233] : memref<16128xf32, #tpu.memory_space<vmem>> -> memref<1000xf32, #tpu.memory_space<vmem>>
    %dma_wait3A_235 = tpu.memref_slice %arg2[%mul3A_80] : memref<512000xf32, #tpu.memory_space<hbm>> -> memref<1000xf32, #tpu.memory_space<hbm>>
    tpu.wait_dma2 semaphore(%arg7 : memref<!tpu.dma_semaphore, #tpu.memory_space<semaphore_mem>>) src(%dma_wait3A_235 : memref<1000xf32, #tpu.memory_space<hbm>>) dst(%dma_wait3A_234 : memref<1000xf32, #tpu.memory_space<vmem>>)
    %dma_wait3A_236 = arith.constant 7056 : i32
    %dma_wait3A_237 = tpu.memref_slice %arg4[%dma_wait3A_236] : memref<16128xf32, #tpu.memory_space<vmem>> -> memref<1000xf32, #tpu.memory_space<vmem>>
    %dma_wait3A_238 = tpu.memref_slice %arg2[%mul3A_92] : memref<512000xf32, #tpu.memory_space<hbm>> -> memref<1000xf32, #tpu.memory_space<hbm>>
    %dma_wait3A_239 = arith.constant 7056 : i32
    %dma_wait3A_240 = tpu.memref_slice %arg4[%dma_wait3A_239] : memref<16128xf32, #tpu.memory_space<vmem>> -> memref<1000xf32, #tpu.memory_space<vmem>>
    %dma_wait3A_241 = tpu.memref_slice %arg2[%mul3A_92] : memref<512000xf32, #tpu.memory_space<hbm>> -> memref<1000xf32, #tpu.memory_space<hbm>>
    tpu.wait_dma2 semaphore(%arg7 : memref<!tpu.dma_semaphore, #tpu.memory_space<semaphore_mem>>) src(%dma_wait3A_241 : memref<1000xf32, #tpu.memory_space<hbm>>) dst(%dma_wait3A_240 : memref<1000xf32, #tpu.memory_space<vmem>>)
    %dma_wait3A_242 = arith.constant 8064 : i32
    %dma_wait3A_243 = tpu.memref_slice %arg4[%dma_wait3A_242] : memref<16128xf32, #tpu.memory_space<vmem>> -> memref<1000xf32, #tpu.memory_space<vmem>>
    %dma_wait3A_244 = tpu.memref_slice %arg2[%mul3A_104] : memref<512000xf32, #tpu.memory_space<hbm>> -> memref<1000xf32, #tpu.memory_space<hbm>>
    %dma_wait3A_245 = arith.constant 8064 : i32
    %dma_wait3A_246 = tpu.memref_slice %arg4[%dma_wait3A_245] : memref<16128xf32, #tpu.memory_space<vmem>> -> memref<1000xf32, #tpu.memory_space<vmem>>
    %dma_wait3A_247 = tpu.memref_slice %arg2[%mul3A_104] : memref<512000xf32, #tpu.memory_space<hbm>> -> memref<1000xf32, #tpu.memory_space<hbm>>
    tpu.wait_dma2 semaphore(%arg7 : memref<!tpu.dma_semaphore, #tpu.memory_space<semaphore_mem>>) src(%dma_wait3A_247 : memref<1000xf32, #tpu.memory_space<hbm>>) dst(%dma_wait3A_246 : memref<1000xf32, #tpu.memory_space<vmem>>)
    %dma_wait3A_248 = arith.constant 9072 : i32
    %dma_wait3A_249 = tpu.memref_slice %arg4[%dma_wait3A_248] : memref<16128xf32, #tpu.memory_space<vmem>> -> memref<1000xf32, #tpu.memory_space<vmem>>
    %dma_wait3A_250 = tpu.memref_slice %arg2[%mul3A_116] : memref<512000xf32, #tpu.memory_space<hbm>> -> memref<1000xf32, #tpu.memory_space<hbm>>
    %dma_wait3A_251 = arith.constant 9072 : i32
    %dma_wait3A_252 = tpu.memref_slice %arg4[%dma_wait3A_251] : memref<16128xf32, #tpu.memory_space<vmem>> -> memref<1000xf32, #tpu.memory_space<vmem>>
    %dma_wait3A_253 = tpu.memref_slice %arg2[%mul3A_116] : memref<512000xf32, #tpu.memory_space<hbm>> -> memref<1000xf32, #tpu.memory_space<hbm>>
    tpu.wait_dma2 semaphore(%arg7 : memref<!tpu.dma_semaphore, #tpu.memory_space<semaphore_mem>>) src(%dma_wait3A_253 : memref<1000xf32, #tpu.memory_space<hbm>>) dst(%dma_wait3A_252 : memref<1000xf32, #tpu.memory_space<vmem>>)
    %dma_wait3A_254 = arith.constant 10080 : i32
    %dma_wait3A_255 = tpu.memref_slice %arg4[%dma_wait3A_254] : memref<16128xf32, #tpu.memory_space<vmem>> -> memref<1000xf32, #tpu.memory_space<vmem>>
    %dma_wait3A_256 = tpu.memref_slice %arg2[%mul3A_128] : memref<512000xf32, #tpu.memory_space<hbm>> -> memref<1000xf32, #tpu.memory_space<hbm>>
    %dma_wait3A_257 = arith.constant 10080 : i32
    %dma_wait3A_258 = tpu.memref_slice %arg4[%dma_wait3A_257] : memref<16128xf32, #tpu.memory_space<vmem>> -> memref<1000xf32, #tpu.memory_space<vmem>>
    %dma_wait3A_259 = tpu.memref_slice %arg2[%mul3A_128] : memref<512000xf32, #tpu.memory_space<hbm>> -> memref<1000xf32, #tpu.memory_space<hbm>>
    tpu.wait_dma2 semaphore(%arg7 : memref<!tpu.dma_semaphore, #tpu.memory_space<semaphore_mem>>) src(%dma_wait3A_259 : memref<1000xf32, #tpu.memory_space<hbm>>) dst(%dma_wait3A_258 : memref<1000xf32, #tpu.memory_space<vmem>>)
    %dma_wait3A_260 = arith.constant 11088 : i32
    %dma_wait3A_261 = tpu.memref_slice %arg4[%dma_wait3A_260] : memref<16128xf32, #tpu.memory_space<vmem>> -> memref<1000xf32, #tpu.memory_space<vmem>>
    %dma_wait3A_262 = tpu.memref_slice %arg2[%mul3A_140] : memref<512000xf32, #tpu.memory_space<hbm>> -> memref<1000xf32, #tpu.memory_space<hbm>>
    %dma_wait3A_263 = arith.constant 11088 : i32
    %dma_wait3A_264 = tpu.memref_slice %arg4[%dma_wait3A_263] : memref<16128xf32, #tpu.memory_space<vmem>> -> memref<1000xf32, #tpu.memory_space<vmem>>
    %dma_wait3A_265 = tpu.memref_slice %arg2[%mul3A_140] : memref<512000xf32, #tpu.memory_space<hbm>> -> memref<1000xf32, #tpu.memory_space<hbm>>
    tpu.wait_dma2 semaphore(%arg7 : memref<!tpu.dma_semaphore, #tpu.memory_space<semaphore_mem>>) src(%dma_wait3A_265 : memref<1000xf32, #tpu.memory_space<hbm>>) dst(%dma_wait3A_264 : memref<1000xf32, #tpu.memory_space<vmem>>)
    %dma_wait3A_266 = arith.constant 12096 : i32
    %dma_wait3A_267 = tpu.memref_slice %arg4[%dma_wait3A_266] : memref<16128xf32, #tpu.memory_space<vmem>> -> memref<1000xf32, #tpu.memory_space<vmem>>
    %dma_wait3A_268 = tpu.memref_slice %arg2[%mul3A_152] : memref<512000xf32, #tpu.memory_space<hbm>> -> memref<1000xf32, #tpu.memory_space<hbm>>
    %dma_wait3A_269 = arith.constant 12096 : i32
    %dma_wait3A_270 = tpu.memref_slice %arg4[%dma_wait3A_269] : memref<16128xf32, #tpu.memory_space<vmem>> -> memref<1000xf32, #tpu.memory_space<vmem>>
    %dma_wait3A_271 = tpu.memref_slice %arg2[%mul3A_152] : memref<512000xf32, #tpu.memory_space<hbm>> -> memref<1000xf32, #tpu.memory_space<hbm>>
    tpu.wait_dma2 semaphore(%arg7 : memref<!tpu.dma_semaphore, #tpu.memory_space<semaphore_mem>>) src(%dma_wait3A_271 : memref<1000xf32, #tpu.memory_space<hbm>>) dst(%dma_wait3A_270 : memref<1000xf32, #tpu.memory_space<vmem>>)
    %dma_wait3A_272 = arith.constant 13104 : i32
    %dma_wait3A_273 = tpu.memref_slice %arg4[%dma_wait3A_272] : memref<16128xf32, #tpu.memory_space<vmem>> -> memref<1000xf32, #tpu.memory_space<vmem>>
    %dma_wait3A_274 = tpu.memref_slice %arg2[%mul3A_164] : memref<512000xf32, #tpu.memory_space<hbm>> -> memref<1000xf32, #tpu.memory_space<hbm>>
    %dma_wait3A_275 = arith.constant 13104 : i32
    %dma_wait3A_276 = tpu.memref_slice %arg4[%dma_wait3A_275] : memref<16128xf32, #tpu.memory_space<vmem>> -> memref<1000xf32, #tpu.memory_space<vmem>>
    %dma_wait3A_277 = tpu.memref_slice %arg2[%mul3A_164] : memref<512000xf32, #tpu.memory_space<hbm>> -> memref<1000xf32, #tpu.memory_space<hbm>>
    tpu.wait_dma2 semaphore(%arg7 : memref<!tpu.dma_semaphore, #tpu.memory_space<semaphore_mem>>) src(%dma_wait3A_277 : memref<1000xf32, #tpu.memory_space<hbm>>) dst(%dma_wait3A_276 : memref<1000xf32, #tpu.memory_space<vmem>>)
    %dma_wait3A_278 = arith.constant 14112 : i32
    %dma_wait3A_279 = tpu.memref_slice %arg4[%dma_wait3A_278] : memref<16128xf32, #tpu.memory_space<vmem>> -> memref<1000xf32, #tpu.memory_space<vmem>>
    %dma_wait3A_280 = tpu.memref_slice %arg2[%mul3A_176] : memref<512000xf32, #tpu.memory_space<hbm>> -> memref<1000xf32, #tpu.memory_space<hbm>>
    %dma_wait3A_281 = arith.constant 14112 : i32
    %dma_wait3A_282 = tpu.memref_slice %arg4[%dma_wait3A_281] : memref<16128xf32, #tpu.memory_space<vmem>> -> memref<1000xf32, #tpu.memory_space<vmem>>
    %dma_wait3A_283 = tpu.memref_slice %arg2[%mul3A_176] : memref<512000xf32, #tpu.memory_space<hbm>> -> memref<1000xf32, #tpu.memory_space<hbm>>
    tpu.wait_dma2 semaphore(%arg7 : memref<!tpu.dma_semaphore, #tpu.memory_space<semaphore_mem>>) src(%dma_wait3A_283 : memref<1000xf32, #tpu.memory_space<hbm>>) dst(%dma_wait3A_282 : memref<1000xf32, #tpu.memory_space<vmem>>)
    %dma_wait3A_284 = arith.constant 15120 : i32
    %dma_wait3A_285 = tpu.memref_slice %arg4[%dma_wait3A_284] : memref<16128xf32, #tpu.memory_space<vmem>> -> memref<1000xf32, #tpu.memory_space<vmem>>
    %dma_wait3A_286 = tpu.memref_slice %arg2[%mul3A_188] : memref<512000xf32, #tpu.memory_space<hbm>> -> memref<1000xf32, #tpu.memory_space<hbm>>
    %dma_wait3A_287 = arith.constant 15120 : i32
    %dma_wait3A_288 = tpu.memref_slice %arg4[%dma_wait3A_287] : memref<16128xf32, #tpu.memory_space<vmem>> -> memref<1000xf32, #tpu.memory_space<vmem>>
    %dma_wait3A_289 = tpu.memref_slice %arg2[%mul3A_188] : memref<512000xf32, #tpu.memory_space<hbm>> -> memref<1000xf32, #tpu.memory_space<hbm>>
    tpu.wait_dma2 semaphore(%arg7 : memref<!tpu.dma_semaphore, #tpu.memory_space<semaphore_mem>>) src(%dma_wait3A_289 : memref<1000xf32, #tpu.memory_space<hbm>>) dst(%dma_wait3A_288 : memref<1000xf32, #tpu.memory_space<vmem>>)
    %scan3A = arith.constant 0 : i32
    %scan3A_290 = arith.constant 0 : i32
    %scan3A_291 = arith.constant 8 : i32
    %scan3A_292 = arith.addi %scan3A_290, %scan3A_291 : i32
    %scan3A_293 = arith.constant 1 : i32
    scf.for %scan3A_299 = %scan3A_290 to %scan3A_292 step %scan3A_293  : i32 {
      %mul3A_300 = arith.constant 2 : i32
      %mul3A_301 = arith.muli %scan3A_299, %mul3A_300 : i32
      %add3A_302 = arith.constant 0 : i32
      %add3A_303 = arith.addi %mul3A_301, %add3A_302 : i32
      %mul3A_304 = arith.constant 1008 : i32
      %mul3A_305 = arith.muli %add3A_303, %mul3A_304 : i32
      %add3A_306 = arith.constant 0 : i32
      %add3A_307 = arith.addi %mul3A_305, %add3A_306 : i32
      %get3A = arith.index_cast %add3A_307 : i32 to index
      %get3A_308 = tpu.vector_load %arg4[%get3A] {strides = array<i32>} : memref<16128xf32, #tpu.memory_space<vmem>>, vector<16xf32>,
      %add3A_309 = arith.constant 16 : i32
      %add3A_310 = arith.addi %mul3A_305, %add3A_309 : i32
      %get3A_311 = arith.index_cast %add3A_310 : i32 to index
      %get3A_312 = tpu.vector_load %arg4[%get3A_311] {strides = array<i32>} : memref<16128xf32, #tpu.memory_space<vmem>>, vector<16xf32>,
      %add3A_313 = arith.constant 32 : i32
      %add3A_314 = arith.addi %mul3A_305, %add3A_313 : i32
      %get3A_315 = arith.index_cast %add3A_314 : i32 to index
      %get3A_316 = tpu.vector_load %arg4[%get3A_315] {strides = array<i32>} : memref<16128xf32, #tpu.memory_space<vmem>>, vector<16xf32>,
      %add3A_317 = arith.constant 48 : i32
      %add3A_318 = arith.addi %mul3A_305, %add3A_317 : i32
      %get3A_319 = arith.index_cast %add3A_318 : i32 to index
      %get3A_320 = tpu.vector_load %arg4[%get3A_319] {strides = array<i32>} : memref<16128xf32, #tpu.memory_space<vmem>>, vector<16xf32>,
      %add3A_321 = arith.constant 64 : i32
      %add3A_322 = arith.addi %mul3A_305, %add3A_321 : i32
      %get3A_323 = arith.index_cast %add3A_322 : i32 to index
      %get3A_324 = tpu.vector_load %arg4[%get3A_323] {strides = array<i32>} : memref<16128xf32, #tpu.memory_space<vmem>>, vector<16xf32>,
      %add3A_325 = arith.constant 80 : i32
      %add3A_326 = arith.addi %mul3A_305, %add3A_325 : i32
      %get3A_327 = arith.index_cast %add3A_326 : i32 to index
      %get3A_328 = tpu.vector_load %arg4[%get3A_327] {strides = array<i32>} : memref<16128xf32, #tpu.memory_space<vmem>>, vector<16xf32>,
      %add3A_329 = arith.constant 96 : i32
      %add3A_330 = arith.addi %mul3A_305, %add3A_329 : i32
      %get3A_331 = arith.index_cast %add3A_330 : i32 to index
      %get3A_332 = tpu.vector_load %arg4[%get3A_331] {strides = array<i32>} : memref<16128xf32, #tpu.memory_space<vmem>>, vector<16xf32>,
      %add3A_333 = arith.constant 112 : i32
      %add3A_334 = arith.addi %mul3A_305, %add3A_333 : i32
      %get3A_335 = arith.index_cast %add3A_334 : i32 to index
      %get3A_336 = tpu.vector_load %arg4[%get3A_335] {strides = array<i32>} : memref<16128xf32, #tpu.memory_space<vmem>>, vector<16xf32>,
      %add3A_337 = arith.constant 128 : i32
      %add3A_338 = arith.addi %mul3A_305, %add3A_337 : i32
      %get3A_339 = arith.index_cast %add3A_338 : i32 to index
      %get3A_340 = tpu.vector_load %arg4[%get3A_339] {strides = array<i32>} : memref<16128xf32, #tpu.memory_space<vmem>>, vector<16xf32>,
      %add3A_341 = arith.constant 144 : i32
      %add3A_342 = arith.addi %mul3A_305, %add3A_341 : i32
      %get3A_343 = arith.index_cast %add3A_342 : i32 to index
      %get3A_344 = tpu.vector_load %arg4[%get3A_343] {strides = array<i32>} : memref<16128xf32, #tpu.memory_space<vmem>>, vector<16xf32>,
      %add3A_345 = arith.constant 160 : i32
      %add3A_346 = arith.addi %mul3A_305, %add3A_345 : i32
      %get3A_347 = arith.index_cast %add3A_346 : i32 to index
      %get3A_348 = tpu.vector_load %arg4[%get3A_347] {strides = array<i32>} : memref<16128xf32, #tpu.memory_space<vmem>>, vector<16xf32>,
      %add3A_349 = arith.constant 176 : i32
      %add3A_350 = arith.addi %mul3A_305, %add3A_349 : i32
      %get3A_351 = arith.index_cast %add3A_350 : i32 to index
      %get3A_352 = tpu.vector_load %arg4[%get3A_351] {strides = array<i32>} : memref<16128xf32, #tpu.memory_space<vmem>>, vector<16xf32>,
      %add3A_353 = arith.constant 192 : i32
      %add3A_354 = arith.addi %mul3A_305, %add3A_353 : i32
      %get3A_355 = arith.index_cast %add3A_354 : i32 to index
      %get3A_356 = tpu.vector_load %arg4[%get3A_355] {strides = array<i32>} : memref<16128xf32, #tpu.memory_space<vmem>>, vector<16xf32>,
      %add3A_357 = arith.constant 208 : i32
      %add3A_358 = arith.addi %mul3A_305, %add3A_357 : i32
      %get3A_359 = arith.index_cast %add3A_358 : i32 to index
      %get3A_360 = tpu.vector_load %arg4[%get3A_359] {strides = array<i32>} : memref<16128xf32, #tpu.memory_space<vmem>>, vector<16xf32>,
      %add3A_361 = arith.constant 224 : i32
      %add3A_362 = arith.addi %mul3A_305, %add3A_361 : i32
      %get3A_363 = arith.index_cast %add3A_362 : i32 to index
      %get3A_364 = tpu.vector_load %arg4[%get3A_363] {strides = array<i32>} : memref<16128xf32, #tpu.memory_space<vmem>>, vector<16xf32>,
      %add3A_365 = arith.constant 240 : i32
      %add3A_366 = arith.addi %mul3A_305, %add3A_365 : i32
      %get3A_367 = arith.index_cast %add3A_366 : i32 to index
      %get3A_368 = tpu.vector_load %arg4[%get3A_367] {strides = array<i32>} : memref<16128xf32, #tpu.memory_space<vmem>>, vector<16xf32>,
      %add3A_369 = arith.constant 256 : i32
      %add3A_370 = arith.addi %mul3A_305, %add3A_369 : i32
      %get3A_371 = arith.index_cast %add3A_370 : i32 to index
      %get3A_372 = tpu.vector_load %arg4[%get3A_371] {strides = array<i32>} : memref<16128xf32, #tpu.memory_space<vmem>>, vector<16xf32>,
      %add3A_373 = arith.constant 272 : i32
      %add3A_374 = arith.addi %mul3A_305, %add3A_373 : i32
      %get3A_375 = arith.index_cast %add3A_374 : i32 to index
      %get3A_376 = tpu.vector_load %arg4[%get3A_375] {strides = array<i32>} : memref<16128xf32, #tpu.memory_space<vmem>>, vector<16xf32>,
      %add3A_377 = arith.constant 288 : i32
      %add3A_378 = arith.addi %mul3A_305, %add3A_377 : i32
      %get3A_379 = arith.index_cast %add3A_378 : i32 to index
      %get3A_380 = tpu.vector_load %arg4[%get3A_379] {strides = array<i32>} : memref<16128xf32, #tpu.memory_space<vmem>>, vector<16xf32>,
      %add3A_381 = arith.constant 304 : i32
      %add3A_382 = arith.addi %mul3A_305, %add3A_381 : i32
      %get3A_383 = arith.index_cast %add3A_382 : i32 to index
      %get3A_384 = tpu.vector_load %arg4[%get3A_383] {strides = array<i32>} : memref<16128xf32, #tpu.memory_space<vmem>>, vector<16xf32>,
      %add3A_385 = arith.constant 320 : i32
      %add3A_386 = arith.addi %mul3A_305, %add3A_385 : i32
      %get3A_387 = arith.index_cast %add3A_386 : i32 to index
      %get3A_388 = tpu.vector_load %arg4[%get3A_387] {strides = array<i32>} : memref<16128xf32, #tpu.memory_space<vmem>>, vector<16xf32>,
      %add3A_389 = arith.constant 336 : i32
      %add3A_390 = arith.addi %mul3A_305, %add3A_389 : i32
      %get3A_391 = arith.index_cast %add3A_390 : i32 to index
      %get3A_392 = tpu.vector_load %arg4[%get3A_391] {strides = array<i32>} : memref<16128xf32, #tpu.memory_space<vmem>>, vector<16xf32>,
      %add3A_393 = arith.constant 352 : i32
      %add3A_394 = arith.addi %mul3A_305, %add3A_393 : i32
      %get3A_395 = arith.index_cast %add3A_394 : i32 to index
      %get3A_396 = tpu.vector_load %arg4[%get3A_395] {strides = array<i32>} : memref<16128xf32, #tpu.memory_space<vmem>>, vector<16xf32>,
      %add3A_397 = arith.constant 368 : i32
      %add3A_398 = arith.addi %mul3A_305, %add3A_397 : i32
      %get3A_399 = arith.index_cast %add3A_398 : i32 to index
      %get3A_400 = tpu.vector_load %arg4[%get3A_399] {strides = array<i32>} : memref<16128xf32, #tpu.memory_space<vmem>>, vector<16xf32>,
      %add3A_401 = arith.constant 384 : i32
      %add3A_402 = arith.addi %mul3A_305, %add3A_401 : i32
      %get3A_403 = arith.index_cast %add3A_402 : i32 to index
      %get3A_404 = tpu.vector_load %arg4[%get3A_403] {strides = array<i32>} : memref<16128xf32, #tpu.memory_space<vmem>>, vector<16xf32>,
      %add3A_405 = arith.constant 400 : i32
      %add3A_406 = arith.addi %mul3A_305, %add3A_405 : i32
      %get3A_407 = arith.index_cast %add3A_406 : i32 to index
      %get3A_408 = tpu.vector_load %arg4[%get3A_407] {strides = array<i32>} : memref<16128xf32, #tpu.memory_space<vmem>>, vector<16xf32>,
      %add3A_409 = arith.constant 416 : i32
      %add3A_410 = arith.addi %mul3A_305, %add3A_409 : i32
      %get3A_411 = arith.index_cast %add3A_410 : i32 to index
      %get3A_412 = tpu.vector_load %arg4[%get3A_411] {strides = array<i32>} : memref<16128xf32, #tpu.memory_space<vmem>>, vector<16xf32>,
      %add3A_413 = arith.constant 432 : i32
      %add3A_414 = arith.addi %mul3A_305, %add3A_413 : i32
      %get3A_415 = arith.index_cast %add3A_414 : i32 to index
      %get3A_416 = tpu.vector_load %arg4[%get3A_415] {strides = array<i32>} : memref<16128xf32, #tpu.memory_space<vmem>>, vector<16xf32>,
      %add3A_417 = arith.constant 448 : i32
      %add3A_418 = arith.addi %mul3A_305, %add3A_417 : i32
      %get3A_419 = arith.index_cast %add3A_418 : i32 to index
      %get3A_420 = tpu.vector_load %arg4[%get3A_419] {strides = array<i32>} : memref<16128xf32, #tpu.memory_space<vmem>>, vector<16xf32>,
      %add3A_421 = arith.constant 464 : i32
      %add3A_422 = arith.addi %mul3A_305, %add3A_421 : i32
      %get3A_423 = arith.index_cast %add3A_422 : i32 to index
      %get3A_424 = tpu.vector_load %arg4[%get3A_423] {strides = array<i32>} : memref<16128xf32, #tpu.memory_space<vmem>>, vector<16xf32>,
      %add3A_425 = arith.constant 480 : i32
      %add3A_426 = arith.addi %mul3A_305, %add3A_425 : i32
      %get3A_427 = arith.index_cast %add3A_426 : i32 to index
      %get3A_428 = tpu.vector_load %arg4[%get3A_427] {strides = array<i32>} : memref<16128xf32, #tpu.memory_space<vmem>>, vector<16xf32>,
      %add3A_429 = arith.constant 496 : i32
      %add3A_430 = arith.addi %mul3A_305, %add3A_429 : i32
      %get3A_431 = arith.index_cast %add3A_430 : i32 to index
      %get3A_432 = tpu.vector_load %arg4[%get3A_431] {strides = array<i32>} : memref<16128xf32, #tpu.memory_space<vmem>>, vector<16xf32>,
      %add3A_433 = arith.constant 512 : i32
      %add3A_434 = arith.addi %mul3A_305, %add3A_433 : i32
      %get3A_435 = arith.index_cast %add3A_434 : i32 to index
      %get3A_436 = tpu.vector_load %arg4[%get3A_435] {strides = array<i32>} : memref<16128xf32, #tpu.memory_space<vmem>>, vector<16xf32>,
      %add3A_437 = arith.constant 528 : i32
      %add3A_438 = arith.addi %mul3A_305, %add3A_437 : i32
      %get3A_439 = arith.index_cast %add3A_438 : i32 to index
      %get3A_440 = tpu.vector_load %arg4[%get3A_439] {strides = array<i32>} : memref<16128xf32, #tpu.memory_space<vmem>>, vector<16xf32>,
      %add3A_441 = arith.constant 544 : i32
      %add3A_442 = arith.addi %mul3A_305, %add3A_441 : i32
      %get3A_443 = arith.index_cast %add3A_442 : i32 to index
      %get3A_444 = tpu.vector_load %arg4[%get3A_443] {strides = array<i32>} : memref<16128xf32, #tpu.memory_space<vmem>>, vector<16xf32>,
      %add3A_445 = arith.constant 560 : i32
      %add3A_446 = arith.addi %mul3A_305, %add3A_445 : i32
      %get3A_447 = arith.index_cast %add3A_446 : i32 to index
      %get3A_448 = tpu.vector_load %arg4[%get3A_447] {strides = array<i32>} : memref<16128xf32, #tpu.memory_space<vmem>>, vector<16xf32>,
      %add3A_449 = arith.constant 576 : i32
      %add3A_450 = arith.addi %mul3A_305, %add3A_449 : i32
      %get3A_451 = arith.index_cast %add3A_450 : i32 to index
      %get3A_452 = tpu.vector_load %arg4[%get3A_451] {strides = array<i32>} : memref<16128xf32, #tpu.memory_space<vmem>>, vector<16xf32>,
      %add3A_453 = arith.constant 592 : i32
      %add3A_454 = arith.addi %mul3A_305, %add3A_453 : i32
      %get3A_455 = arith.index_cast %add3A_454 : i32 to index
      %get3A_456 = tpu.vector_load %arg4[%get3A_455] {strides = array<i32>} : memref<16128xf32, #tpu.memory_space<vmem>>, vector<16xf32>,
      %add3A_457 = arith.constant 608 : i32
      %add3A_458 = arith.addi %mul3A_305, %add3A_457 : i32
      %get3A_459 = arith.index_cast %add3A_458 : i32 to index
      %get3A_460 = tpu.vector_load %arg4[%get3A_459] {strides = array<i32>} : memref<16128xf32, #tpu.memory_space<vmem>>, vector<16xf32>,
      %add3A_461 = arith.constant 624 : i32
      %add3A_462 = arith.addi %mul3A_305, %add3A_461 : i32
      %get3A_463 = arith.index_cast %add3A_462 : i32 to index
      %get3A_464 = tpu.vector_load %arg4[%get3A_463] {strides = array<i32>} : memref<16128xf32, #tpu.memory_space<vmem>>, vector<16xf32>,
      %add3A_465 = arith.constant 640 : i32
      %add3A_466 = arith.addi %mul3A_305, %add3A_465 : i32
      %get3A_467 = arith.index_cast %add3A_466 : i32 to index
      %get3A_468 = tpu.vector_load %arg4[%get3A_467] {strides = array<i32>} : memref<16128xf32, #tpu.memory_space<vmem>>, vector<16xf32>,
      %add3A_469 = arith.constant 656 : i32
      %add3A_470 = arith.addi %mul3A_305, %add3A_469 : i32
      %get3A_471 = arith.index_cast %add3A_470 : i32 to index
      %get3A_472 = tpu.vector_load %arg4[%get3A_471] {strides = array<i32>} : memref<16128xf32, #tpu.memory_space<vmem>>, vector<16xf32>,
      %add3A_473 = arith.constant 672 : i32
      %add3A_474 = arith.addi %mul3A_305, %add3A_473 : i32
      %get3A_475 = arith.index_cast %add3A_474 : i32 to index
      %get3A_476 = tpu.vector_load %arg4[%get3A_475] {strides = array<i32>} : memref<16128xf32, #tpu.memory_space<vmem>>, vector<16xf32>,
      %add3A_477 = arith.constant 688 : i32
      %add3A_478 = arith.addi %mul3A_305, %add3A_477 : i32
      %get3A_479 = arith.index_cast %add3A_478 : i32 to index
      %get3A_480 = tpu.vector_load %arg4[%get3A_479] {strides = array<i32>} : memref<16128xf32, #tpu.memory_space<vmem>>, vector<16xf32>,
      %add3A_481 = arith.constant 704 : i32
      %add3A_482 = arith.addi %mul3A_305, %add3A_481 : i32
      %get3A_483 = arith.index_cast %add3A_482 : i32 to index
      %get3A_484 = tpu.vector_load %arg4[%get3A_483] {strides = array<i32>} : memref<16128xf32, #tpu.memory_space<vmem>>, vector<16xf32>,
      %add3A_485 = arith.constant 720 : i32
      %add3A_486 = arith.addi %mul3A_305, %add3A_485 : i32
      %get3A_487 = arith.index_cast %add3A_486 : i32 to index
      %get3A_488 = tpu.vector_load %arg4[%get3A_487] {strides = array<i32>} : memref<16128xf32, #tpu.memory_space<vmem>>, vector<16xf32>,
      %add3A_489 = arith.constant 736 : i32
      %add3A_490 = arith.addi %mul3A_305, %add3A_489 : i32
      %get3A_491 = arith.index_cast %add3A_490 : i32 to index
      %get3A_492 = tpu.vector_load %arg4[%get3A_491] {strides = array<i32>} : memref<16128xf32, #tpu.memory_space<vmem>>, vector<16xf32>,
      %add3A_493 = arith.constant 752 : i32
      %add3A_494 = arith.addi %mul3A_305, %add3A_493 : i32
      %get3A_495 = arith.index_cast %add3A_494 : i32 to index
      %get3A_496 = tpu.vector_load %arg4[%get3A_495] {strides = array<i32>} : memref<16128xf32, #tpu.memory_space<vmem>>, vector<16xf32>,
      %add3A_497 = arith.constant 768 : i32
      %add3A_498 = arith.addi %mul3A_305, %add3A_497 : i32
      %get3A_499 = arith.index_cast %add3A_498 : i32 to index
      %get3A_500 = tpu.vector_load %arg4[%get3A_499] {strides = array<i32>} : memref<16128xf32, #tpu.memory_space<vmem>>, vector<16xf32>,
      %add3A_501 = arith.constant 784 : i32
      %add3A_502 = arith.addi %mul3A_305, %add3A_501 : i32
      %get3A_503 = arith.index_cast %add3A_502 : i32 to index
      %get3A_504 = tpu.vector_load %arg4[%get3A_503] {strides = array<i32>} : memref<16128xf32, #tpu.memory_space<vmem>>, vector<16xf32>,
      %add3A_505 = arith.constant 800 : i32
      %add3A_506 = arith.addi %mul3A_305, %add3A_505 : i32
      %get3A_507 = arith.index_cast %add3A_506 : i32 to index
      %get3A_508 = tpu.vector_load %arg4[%get3A_507] {strides = array<i32>} : memref<16128xf32, #tpu.memory_space<vmem>>, vector<16xf32>,
      %add3A_509 = arith.constant 816 : i32
      %add3A_510 = arith.addi %mul3A_305, %add3A_509 : i32
      %get3A_511 = arith.index_cast %add3A_510 : i32 to index
      %get3A_512 = tpu.vector_load %arg4[%get3A_511] {strides = array<i32>} : memref<16128xf32, #tpu.memory_space<vmem>>, vector<16xf32>,
      %add3A_513 = arith.constant 832 : i32
      %add3A_514 = arith.addi %mul3A_305, %add3A_513 : i32
      %get3A_515 = arith.index_cast %add3A_514 : i32 to index
      %get3A_516 = tpu.vector_load %arg4[%get3A_515] {strides = array<i32>} : memref<16128xf32, #tpu.memory_space<vmem>>, vector<16xf32>,
      %add3A_517 = arith.constant 848 : i32
      %add3A_518 = arith.addi %mul3A_305, %add3A_517 : i32
      %get3A_519 = arith.index_cast %add3A_518 : i32 to index
      %get3A_520 = tpu.vector_load %arg4[%get3A_519] {strides = array<i32>} : memref<16128xf32, #tpu.memory_space<vmem>>, vector<16xf32>,
      %add3A_521 = arith.constant 864 : i32
      %add3A_522 = arith.addi %mul3A_305, %add3A_521 : i32
      %get3A_523 = arith.index_cast %add3A_522 : i32 to index
      %get3A_524 = tpu.vector_load %arg4[%get3A_523] {strides = array<i32>} : memref<16128xf32, #tpu.memory_space<vmem>>, vector<16xf32>,
      %add3A_525 = arith.constant 880 : i32
      %add3A_526 = arith.addi %mul3A_305, %add3A_525 : i32
      %get3A_527 = arith.index_cast %add3A_526 : i32 to index
      %get3A_528 = tpu.vector_load %arg4[%get3A_527] {strides = array<i32>} : memref<16128xf32, #tpu.memory_space<vmem>>, vector<16xf32>,
      %add3A_529 = arith.constant 896 : i32
      %add3A_530 = arith.addi %mul3A_305, %add3A_529 : i32
      %get3A_531 = arith.index_cast %add3A_530 : i32 to index
      %get3A_532 = tpu.vector_load %arg4[%get3A_531] {strides = array<i32>} : memref<16128xf32, #tpu.memory_space<vmem>>, vector<16xf32>,
      %add3A_533 = arith.constant 912 : i32
      %add3A_534 = arith.addi %mul3A_305, %add3A_533 : i32
      %get3A_535 = arith.index_cast %add3A_534 : i32 to index
      %get3A_536 = tpu.vector_load %arg4[%get3A_535] {strides = array<i32>} : memref<16128xf32, #tpu.memory_space<vmem>>, vector<16xf32>,
      %add3A_537 = arith.constant 928 : i32
      %add3A_538 = arith.addi %mul3A_305, %add3A_537 : i32
      %get3A_539 = arith.index_cast %add3A_538 : i32 to index
      %get3A_540 = tpu.vector_load %arg4[%get3A_539] {strides = array<i32>} : memref<16128xf32, #tpu.memory_space<vmem>>, vector<16xf32>,
      %add3A_541 = arith.constant 944 : i32
      %add3A_542 = arith.addi %mul3A_305, %add3A_541 : i32
      %get3A_543 = arith.index_cast %add3A_542 : i32 to index
      %get3A_544 = tpu.vector_load %arg4[%get3A_543] {strides = array<i32>} : memref<16128xf32, #tpu.memory_space<vmem>>, vector<16xf32>,
      %add3A_545 = arith.constant 960 : i32
      %add3A_546 = arith.addi %mul3A_305, %add3A_545 : i32
      %get3A_547 = arith.index_cast %add3A_546 : i32 to index
      %get3A_548 = tpu.vector_load %arg4[%get3A_547] {strides = array<i32>} : memref<16128xf32, #tpu.memory_space<vmem>>, vector<16xf32>,
      %add3A_549 = arith.constant 976 : i32
      %add3A_550 = arith.addi %mul3A_305, %add3A_549 : i32
      %get3A_551 = arith.index_cast %add3A_550 : i32 to index
      %get3A_552 = tpu.vector_load %arg4[%get3A_551] {strides = array<i32>} : memref<16128xf32, #tpu.memory_space<vmem>>, vector<16xf32>,
      %add3A_553 = arith.constant 992 : i32
      %add3A_554 = arith.addi %mul3A_305, %add3A_553 : i32
      %get3A_555 = arith.index_cast %add3A_554 : i32 to index
      %get3A_556 = tpu.vector_load %arg4[%get3A_555] {strides = array<i32>} : memref<16128xf32, #tpu.memory_space<vmem>>, vector<16xf32>,
      %lt3A = arith.constant 8 : i32
      %lt3A_557 = vector.broadcast %lt3A : i32 to vector<16xi32>
      %lt3A_558 = arith.cmpi slt, %iota3A, %lt3A_557 : vector<16xi32>
      %select_n3A = arith.select %lt3A_558, %get3A_556, %broadcast_in_dim3A_3 : vector<16xi1>, vector<16xf32>
      %masked_sort3A = arith.constant dense<true> : vector<16xi1>
      %masked_sort3A_559, %masked_sort3A_560, %masked_sort3A_561 = tpu.sort %get3A_308, %get3A_308 masked %masked_sort3A : (vector<16xf32>, vector<16xf32>, vector<16xi1>) -> (vector<16xi1>, vector<16xf32>, vector<16xf32>)
      %masked_sort3A_562 = arith.constant dense<true> : vector<16xi1>
      %masked_sort3A_563, %masked_sort3A_564, %masked_sort3A_565 = tpu.sort %get3A_312, %get3A_312 masked %masked_sort3A_562 : (vector<16xf32>, vector<16xf32>, vector<16xi1>) -> (vector<16xi1>, vector<16xf32>, vector<16xf32>)
      %masked_sort3A_566 = arith.constant dense<true> : vector<16xi1>
      %masked_sort3A_567, %masked_sort3A_568, %masked_sort3A_569 = tpu.sort %get3A_316, %get3A_316 masked %masked_sort3A_566 {descending = true} : (vector<16xf32>, vector<16xf32>, vector<16xi1>) -> (vector<16xi1>, vector<16xf32>, vector<16xf32>)
      %max3A = arith.maximumf %masked_sort3A_564, %masked_sort3A_568 : vector<16xf32>
      %masked_sort3A_570 = arith.constant dense<true> : vector<16xi1>
      %masked_sort3A_571, %masked_sort3A_572, %masked_sort3A_573 = tpu.sort %max3A, %max3A masked %masked_sort3A_570 {descending = true} : (vector<16xf32>, vector<16xf32>, vector<16xi1>) -> (vector<16xi1>, vector<16xf32>, vector<16xf32>)
      %max3A_574 = arith.maximumf %masked_sort3A_560, %masked_sort3A_572 : vector<16xf32>
      %masked_sort3A_575 = arith.constant dense<true> : vector<16xi1>
      %masked_sort3A_576, %masked_sort3A_577, %masked_sort3A_578 = tpu.sort %max3A_574, %max3A_574 masked %masked_sort3A_575 : (vector<16xf32>, vector<16xf32>, vector<16xi1>) -> (vector<16xi1>, vector<16xf32>, vector<16xf32>)
      %masked_sort3A_579 = arith.constant dense<true> : vector<16xi1>
      %masked_sort3A_580, %masked_sort3A_581, %masked_sort3A_582 = tpu.sort %get3A_320, %get3A_320 masked %masked_sort3A_579 : (vector<16xf32>, vector<16xf32>, vector<16xi1>) -> (vector<16xi1>, vector<16xf32>, vector<16xf32>)
      %masked_sort3A_583 = arith.constant dense<true> : vector<16xi1>
      %masked_sort3A_584, %masked_sort3A_585, %masked_sort3A_586 = tpu.sort %get3A_324, %get3A_324 masked %masked_sort3A_583 {descending = true} : (vector<16xf32>, vector<16xf32>, vector<16xi1>) -> (vector<16xi1>, vector<16xf32>, vector<16xf32>)
      %max3A_587 = arith.maximumf %masked_sort3A_581, %masked_sort3A_585 : vector<16xf32>
      %masked_sort3A_588 = arith.constant dense<true> : vector<16xi1>
      %masked_sort3A_589, %masked_sort3A_590, %masked_sort3A_591 = tpu.sort %max3A_587, %max3A_587 masked %masked_sort3A_588 : (vector<16xf32>, vector<16xf32>, vector<16xi1>) -> (vector<16xi1>, vector<16xf32>, vector<16xf32>)
      %masked_sort3A_592 = arith.constant dense<true> : vector<16xi1>
      %masked_sort3A_593, %masked_sort3A_594, %masked_sort3A_595 = tpu.sort %get3A_328, %get3A_328 masked %masked_sort3A_592 : (vector<16xf32>, vector<16xf32>, vector<16xi1>) -> (vector<16xi1>, vector<16xf32>, vector<16xf32>)
      %masked_sort3A_596 = arith.constant dense<true> : vector<16xi1>
      %masked_sort3A_597, %masked_sort3A_598, %masked_sort3A_599 = tpu.sort %get3A_332, %get3A_332 masked %masked_sort3A_596 {descending = true} : (vector<16xf32>, vector<16xf32>, vector<16xi1>) -> (vector<16xi1>, vector<16xf32>, vector<16xf32>)
      %max3A_600 = arith.maximumf %masked_sort3A_594, %masked_sort3A_598 : vector<16xf32>
      %masked_sort3A_601 = arith.constant dense<true> : vector<16xi1>
      %masked_sort3A_602, %masked_sort3A_603, %masked_sort3A_604 = tpu.sort %max3A_600, %max3A_600 masked %masked_sort3A_601 {descending = true} : (vector<16xf32>, vector<16xf32>, vector<16xi1>) -> (vector<16xi1>, vector<16xf32>, vector<16xf32>)
      %max3A_605 = arith.maximumf %masked_sort3A_590, %masked_sort3A_603 : vector<16xf32>
      %masked_sort3A_606 = arith.constant dense<true> : vector<16xi1>
      %masked_sort3A_607, %masked_sort3A_608, %masked_sort3A_609 = tpu.sort %max3A_605, %max3A_605 masked %masked_sort3A_606 {descending = true} : (vector<16xf32>, vector<16xf32>, vector<16xi1>) -> (vector<16xi1>, vector<16xf32>, vector<16xf32>)
      %max3A_610 = arith.maximumf %masked_sort3A_577, %masked_sort3A_608 : vector<16xf32>
      %masked_sort3A_611 = arith.constant dense<true> : vector<16xi1>
      %masked_sort3A_612, %masked_sort3A_613, %masked_sort3A_614 = tpu.sort %max3A_610, %max3A_610 masked %masked_sort3A_611 : (vector<16xf32>, vector<16xf32>, vector<16xi1>) -> (vector<16xi1>, vector<16xf32>, vector<16xf32>)
      %masked_sort3A_615 = arith.constant dense<true> : vector<16xi1>
      %masked_sort3A_616, %masked_sort3A_617, %masked_sort3A_618 = tpu.sort %get3A_336, %get3A_336 masked %masked_sort3A_615 : (vector<16xf32>, vector<16xf32>, vector<16xi1>) -> (vector<16xi1>, vector<16xf32>, vector<16xf32>)
      %masked_sort3A_619 = arith.constant dense<true> : vector<16xi1>
      %masked_sort3A_620, %masked_sort3A_621, %masked_sort3A_622 = tpu.sort %get3A_340, %get3A_340 masked %masked_sort3A_619 {descending = true} : (vector<16xf32>, vector<16xf32>, vector<16xi1>) -> (vector<16xi1>, vector<16xf32>, vector<16xf32>)
      %max3A_623 = arith.maximumf %masked_sort3A_617, %masked_sort3A_621 : vector<16xf32>
      %masked_sort3A_624 = arith.constant dense<true> : vector<16xi1>
      %masked_sort3A_625, %masked_sort3A_626, %masked_sort3A_627 = tpu.sort %max3A_623, %max3A_623 masked %masked_sort3A_624 : (vector<16xf32>, vector<16xf32>, vector<16xi1>) -> (vector<16xi1>, vector<16xf32>, vector<16xf32>)
      %masked_sort3A_628 = arith.constant dense<true> : vector<16xi1>
      %masked_sort3A_629, %masked_sort3A_630, %masked_sort3A_631 = tpu.sort %get3A_344, %get3A_344 masked %masked_sort3A_628 : (vector<16xf32>, vector<16xf32>, vector<16xi1>) -> (vector<16xi1>, vector<16xf32>, vector<16xf32>)
      %masked_sort3A_632 = arith.constant dense<true> : vector<16xi1>
      %masked_sort3A_633, %masked_sort3A_634, %masked_sort3A_635 = tpu.sort %get3A_348, %get3A_348 masked %masked_sort3A_632 {descending = true} : (vector<16xf32>, vector<16xf32>, vector<16xi1>) -> (vector<16xi1>, vector<16xf32>, vector<16xf32>)
      %max3A_636 = arith.maximumf %masked_sort3A_630, %masked_sort3A_634 : vector<16xf32>
      %masked_sort3A_637 = arith.constant dense<true> : vector<16xi1>
      %masked_sort3A_638, %masked_sort3A_639, %masked_sort3A_640 = tpu.sort %max3A_636, %max3A_636 masked %masked_sort3A_637 {descending = true} : (vector<16xf32>, vector<16xf32>, vector<16xi1>) -> (vector<16xi1>, vector<16xf32>, vector<16xf32>)
      %max3A_641 = arith.maximumf %masked_sort3A_626, %masked_sort3A_639 : vector<16xf32>
      %masked_sort3A_642 = arith.constant dense<true> : vector<16xi1>
      %masked_sort3A_643, %masked_sort3A_644, %masked_sort3A_645 = tpu.sort %max3A_641, %max3A_641 masked %masked_sort3A_642 : (vector<16xf32>, vector<16xf32>, vector<16xi1>) -> (vector<16xi1>, vector<16xf32>, vector<16xf32>)
      %masked_sort3A_646 = arith.constant dense<true> : vector<16xi1>
      %masked_sort3A_647, %masked_sort3A_648, %masked_sort3A_649 = tpu.sort %get3A_352, %get3A_352 masked %masked_sort3A_646 : (vector<16xf32>, vector<16xf32>, vector<16xi1>) -> (vector<16xi1>, vector<16xf32>, vector<16xf32>)
      %masked_sort3A_650 = arith.constant dense<true> : vector<16xi1>
      %masked_sort3A_651, %masked_sort3A_652, %masked_sort3A_653 = tpu.sort %get3A_356, %get3A_356 masked %masked_sort3A_650 {descending = true} : (vector<16xf32>, vector<16xf32>, vector<16xi1>) -> (vector<16xi1>, vector<16xf32>, vector<16xf32>)
      %max3A_654 = arith.maximumf %masked_sort3A_648, %masked_sort3A_652 : vector<16xf32>
      %masked_sort3A_655 = arith.constant dense<true> : vector<16xi1>
      %masked_sort3A_656, %masked_sort3A_657, %masked_sort3A_658 = tpu.sort %max3A_654, %max3A_654 masked %masked_sort3A_655 : (vector<16xf32>, vector<16xf32>, vector<16xi1>) -> (vector<16xi1>, vector<16xf32>, vector<16xf32>)
      %masked_sort3A_659 = arith.constant dense<true> : vector<16xi1>
      %masked_sort3A_660, %masked_sort3A_661, %masked_sort3A_662 = tpu.sort %get3A_360, %get3A_360 masked %masked_sort3A_659 : (vector<16xf32>, vector<16xf32>, vector<16xi1>) -> (vector<16xi1>, vector<16xf32>, vector<16xf32>)
      %masked_sort3A_663 = arith.constant dense<true> : vector<16xi1>
      %masked_sort3A_664, %masked_sort3A_665, %masked_sort3A_666 = tpu.sort %get3A_364, %get3A_364 masked %masked_sort3A_663 {descending = true} : (vector<16xf32>, vector<16xf32>, vector<16xi1>) -> (vector<16xi1>, vector<16xf32>, vector<16xf32>)
      %max3A_667 = arith.maximumf %masked_sort3A_661, %masked_sort3A_665 : vector<16xf32>
      %masked_sort3A_668 = arith.constant dense<true> : vector<16xi1>
      %masked_sort3A_669, %masked_sort3A_670, %masked_sort3A_671 = tpu.sort %max3A_667, %max3A_667 masked %masked_sort3A_668 {descending = true} : (vector<16xf32>, vector<16xf32>, vector<16xi1>) -> (vector<16xi1>, vector<16xf32>, vector<16xf32>)
      %max3A_672 = arith.maximumf %masked_sort3A_657, %masked_sort3A_670 : vector<16xf32>
      %masked_sort3A_673 = arith.constant dense<true> : vector<16xi1>
      %masked_sort3A_674, %masked_sort3A_675, %masked_sort3A_676 = tpu.sort %max3A_672, %max3A_672 masked %masked_sort3A_673 {descending = true} : (vector<16xf32>, vector<16xf32>, vector<16xi1>) -> (vector<16xi1>, vector<16xf32>, vector<16xf32>)
      %max3A_677 = arith.maximumf %masked_sort3A_644, %masked_sort3A_675 : vector<16xf32>
      %masked_sort3A_678 = arith.constant dense<true> : vector<16xi1>
      %masked_sort3A_679, %masked_sort3A_680, %masked_sort3A_681 = tpu.sort %max3A_677, %max3A_677 masked %masked_sort3A_678 {descending = true} : (vector<16xf32>, vector<16xf32>, vector<16xi1>) -> (vector<16xi1>, vector<16xf32>, vector<16xf32>)
      %max3A_682 = arith.maximumf %masked_sort3A_613, %masked_sort3A_680 : vector<16xf32>
      %masked_sort3A_683 = arith.constant dense<true> : vector<16xi1>
      %masked_sort3A_684, %masked_sort3A_685, %masked_sort3A_686 = tpu.sort %max3A_682, %max3A_682 masked %masked_sort3A_683 : (vector<16xf32>, vector<16xf32>, vector<16xi1>) -> (vector<16xi1>, vector<16xf32>, vector<16xf32>)
      %masked_sort3A_687 = arith.constant dense<true> : vector<16xi1>
      %masked_sort3A_688, %masked_sort3A_689, %masked_sort3A_690 = tpu.sort %get3A_368, %get3A_368 masked %masked_sort3A_687 : (vector<16xf32>, vector<16xf32>, vector<16xi1>) -> (vector<16xi1>, vector<16xf32>, vector<16xf32>)
      %masked_sort3A_691 = arith.constant dense<true> : vector<16xi1>
      %masked_sort3A_692, %masked_sort3A_693, %masked_sort3A_694 = tpu.sort %get3A_372, %get3A_372 masked %masked_sort3A_691 {descending = true} : (vector<16xf32>, vector<16xf32>, vector<16xi1>) -> (vector<16xi1>, vector<16xf32>, vector<16xf32>)
      %max3A_695 = arith.maximumf %masked_sort3A_689, %masked_sort3A_693 : vector<16xf32>
      %masked_sort3A_696 = arith.constant dense<true> : vector<16xi1>
      %masked_sort3A_697, %masked_sort3A_698, %masked_sort3A_699 = tpu.sort %max3A_695, %max3A_695 masked %masked_sort3A_696 : (vector<16xf32>, vector<16xf32>, vector<16xi1>) -> (vector<16xi1>, vector<16xf32>, vector<16xf32>)
      %masked_sort3A_700 = arith.constant dense<true> : vector<16xi1>
      %masked_sort3A_701, %masked_sort3A_702, %masked_sort3A_703 = tpu.sort %get3A_376, %get3A_376 masked %masked_sort3A_700 : (vector<16xf32>, vector<16xf32>, vector<16xi1>) -> (vector<16xi1>, vector<16xf32>, vector<16xf32>)
      %masked_sort3A_704 = arith.constant dense<true> : vector<16xi1>
      %masked_sort3A_705, %masked_sort3A_706, %masked_sort3A_707 = tpu.sort %get3A_380, %get3A_380 masked %masked_sort3A_704 {descending = true} : (vector<16xf32>, vector<16xf32>, vector<16xi1>) -> (vector<16xi1>, vector<16xf32>, vector<16xf32>)
      %max3A_708 = arith.maximumf %masked_sort3A_702, %masked_sort3A_706 : vector<16xf32>
      %masked_sort3A_709 = arith.constant dense<true> : vector<16xi1>
      %masked_sort3A_710, %masked_sort3A_711, %masked_sort3A_712 = tpu.sort %max3A_708, %max3A_708 masked %masked_sort3A_709 {descending = true} : (vector<16xf32>, vector<16xf32>, vector<16xi1>) -> (vector<16xi1>, vector<16xf32>, vector<16xf32>)
      %max3A_713 = arith.maximumf %masked_sort3A_698, %masked_sort3A_711 : vector<16xf32>
      %masked_sort3A_714 = arith.constant dense<true> : vector<16xi1>
      %masked_sort3A_715, %masked_sort3A_716, %masked_sort3A_717 = tpu.sort %max3A_713, %max3A_713 masked %masked_sort3A_714 : (vector<16xf32>, vector<16xf32>, vector<16xi1>) -> (vector<16xi1>, vector<16xf32>, vector<16xf32>)
      %masked_sort3A_718 = arith.constant dense<true> : vector<16xi1>
      %masked_sort3A_719, %masked_sort3A_720, %masked_sort3A_721 = tpu.sort %get3A_384, %get3A_384 masked %masked_sort3A_718 : (vector<16xf32>, vector<16xf32>, vector<16xi1>) -> (vector<16xi1>, vector<16xf32>, vector<16xf32>)
      %masked_sort3A_722 = arith.constant dense<true> : vector<16xi1>
      %masked_sort3A_723, %masked_sort3A_724, %masked_sort3A_725 = tpu.sort %get3A_388, %get3A_388 masked %masked_sort3A_722 {descending = true} : (vector<16xf32>, vector<16xf32>, vector<16xi1>) -> (vector<16xi1>, vector<16xf32>, vector<16xf32>)
      %max3A_726 = arith.maximumf %masked_sort3A_720, %masked_sort3A_724 : vector<16xf32>
      %masked_sort3A_727 = arith.constant dense<true> : vector<16xi1>
      %masked_sort3A_728, %masked_sort3A_729, %masked_sort3A_730 = tpu.sort %max3A_726, %max3A_726 masked %masked_sort3A_727 : (vector<16xf32>, vector<16xf32>, vector<16xi1>) -> (vector<16xi1>, vector<16xf32>, vector<16xf32>)
      %masked_sort3A_731 = arith.constant dense<true> : vector<16xi1>
      %masked_sort3A_732, %masked_sort3A_733, %masked_sort3A_734 = tpu.sort %get3A_392, %get3A_392 masked %masked_sort3A_731 : (vector<16xf32>, vector<16xf32>, vector<16xi1>) -> (vector<16xi1>, vector<16xf32>, vector<16xf32>)
      %masked_sort3A_735 = arith.constant dense<true> : vector<16xi1>
      %masked_sort3A_736, %masked_sort3A_737, %masked_sort3A_738 = tpu.sort %get3A_396, %get3A_396 masked %masked_sort3A_735 {descending = true} : (vector<16xf32>, vector<16xf32>, vector<16xi1>) -> (vector<16xi1>, vector<16xf32>, vector<16xf32>)
      %max3A_739 = arith.maximumf %masked_sort3A_733, %masked_sort3A_737 : vector<16xf32>
      %masked_sort3A_740 = arith.constant dense<true> : vector<16xi1>
      %masked_sort3A_741, %masked_sort3A_742, %masked_sort3A_743 = tpu.sort %max3A_739, %max3A_739 masked %masked_sort3A_740 {descending = true} : (vector<16xf32>, vector<16xf32>, vector<16xi1>) -> (vector<16xi1>, vector<16xf32>, vector<16xf32>)
      %max3A_744 = arith.maximumf %masked_sort3A_729, %masked_sort3A_742 : vector<16xf32>
      %masked_sort3A_745 = arith.constant dense<true> : vector<16xi1>
      %masked_sort3A_746, %masked_sort3A_747, %masked_sort3A_748 = tpu.sort %max3A_744, %max3A_744 masked %masked_sort3A_745 {descending = true} : (vector<16xf32>, vector<16xf32>, vector<16xi1>) -> (vector<16xi1>, vector<16xf32>, vector<16xf32>)
      %max3A_749 = arith.maximumf %masked_sort3A_716, %masked_sort3A_747 : vector<16xf32>
      %masked_sort3A_750 = arith.constant dense<true> : vector<16xi1>
      %masked_sort3A_751, %masked_sort3A_752, %masked_sort3A_753 = tpu.sort %max3A_749, %max3A_749 masked %masked_sort3A_750 : (vector<16xf32>, vector<16xf32>, vector<16xi1>) -> (vector<16xi1>, vector<16xf32>, vector<16xf32>)
      %masked_sort3A_754 = arith.constant dense<true> : vector<16xi1>
      %masked_sort3A_755, %masked_sort3A_756, %masked_sort3A_757 = tpu.sort %get3A_400, %get3A_400 masked %masked_sort3A_754 : (vector<16xf32>, vector<16xf32>, vector<16xi1>) -> (vector<16xi1>, vector<16xf32>, vector<16xf32>)
      %masked_sort3A_758 = arith.constant dense<true> : vector<16xi1>
      %masked_sort3A_759, %masked_sort3A_760, %masked_sort3A_761 = tpu.sort %get3A_404, %get3A_404 masked %masked_sort3A_758 {descending = true} : (vector<16xf32>, vector<16xf32>, vector<16xi1>) -> (vector<16xi1>, vector<16xf32>, vector<16xf32>)
      %max3A_762 = arith.maximumf %masked_sort3A_756, %masked_sort3A_760 : vector<16xf32>
      %masked_sort3A_763 = arith.constant dense<true> : vector<16xi1>
      %masked_sort3A_764, %masked_sort3A_765, %masked_sort3A_766 = tpu.sort %max3A_762, %max3A_762 masked %masked_sort3A_763 : (vector<16xf32>, vector<16xf32>, vector<16xi1>) -> (vector<16xi1>, vector<16xf32>, vector<16xf32>)
      %masked_sort3A_767 = arith.constant dense<true> : vector<16xi1>
      %masked_sort3A_768, %masked_sort3A_769, %masked_sort3A_770 = tpu.sort %get3A_408, %get3A_408 masked %masked_sort3A_767 : (vector<16xf32>, vector<16xf32>, vector<16xi1>) -> (vector<16xi1>, vector<16xf32>, vector<16xf32>)
      %masked_sort3A_771 = arith.constant dense<true> : vector<16xi1>
      %masked_sort3A_772, %masked_sort3A_773, %masked_sort3A_774 = tpu.sort %get3A_412, %get3A_412 masked %masked_sort3A_771 {descending = true} : (vector<16xf32>, vector<16xf32>, vector<16xi1>) -> (vector<16xi1>, vector<16xf32>, vector<16xf32>)
      %max3A_775 = arith.maximumf %masked_sort3A_769, %masked_sort3A_773 : vector<16xf32>
      %masked_sort3A_776 = arith.constant dense<true> : vector<16xi1>
      %masked_sort3A_777, %masked_sort3A_778, %masked_sort3A_779 = tpu.sort %max3A_775, %max3A_775 masked %masked_sort3A_776 {descending = true} : (vector<16xf32>, vector<16xf32>, vector<16xi1>) -> (vector<16xi1>, vector<16xf32>, vector<16xf32>)
      %max3A_780 = arith.maximumf %masked_sort3A_765, %masked_sort3A_778 : vector<16xf32>
      %masked_sort3A_781 = arith.constant dense<true> : vector<16xi1>
      %masked_sort3A_782, %masked_sort3A_783, %masked_sort3A_784 = tpu.sort %max3A_780, %max3A_780 masked %masked_sort3A_781 : (vector<16xf32>, vector<16xf32>, vector<16xi1>) -> (vector<16xi1>, vector<16xf32>, vector<16xf32>)
      %masked_sort3A_785 = arith.constant dense<true> : vector<16xi1>
      %masked_sort3A_786, %masked_sort3A_787, %masked_sort3A_788 = tpu.sort %get3A_416, %get3A_416 masked %masked_sort3A_785 : (vector<16xf32>, vector<16xf32>, vector<16xi1>) -> (vector<16xi1>, vector<16xf32>, vector<16xf32>)
      %masked_sort3A_789 = arith.constant dense<true> : vector<16xi1>
      %masked_sort3A_790, %masked_sort3A_791, %masked_sort3A_792 = tpu.sort %get3A_420, %get3A_420 masked %masked_sort3A_789 {descending = true} : (vector<16xf32>, vector<16xf32>, vector<16xi1>) -> (vector<16xi1>, vector<16xf32>, vector<16xf32>)
      %max3A_793 = arith.maximumf %masked_sort3A_787, %masked_sort3A_791 : vector<16xf32>
      %masked_sort3A_794 = arith.constant dense<true> : vector<16xi1>
      %masked_sort3A_795, %masked_sort3A_796, %masked_sort3A_797 = tpu.sort %max3A_793, %max3A_793 masked %masked_sort3A_794 : (vector<16xf32>, vector<16xf32>, vector<16xi1>) -> (vector<16xi1>, vector<16xf32>, vector<16xf32>)
      %masked_sort3A_798 = arith.constant dense<true> : vector<16xi1>
      %masked_sort3A_799, %masked_sort3A_800, %masked_sort3A_801 = tpu.sort %get3A_424, %get3A_424 masked %masked_sort3A_798 : (vector<16xf32>, vector<16xf32>, vector<16xi1>) -> (vector<16xi1>, vector<16xf32>, vector<16xf32>)
      %masked_sort3A_802 = arith.constant dense<true> : vector<16xi1>
      %masked_sort3A_803, %masked_sort3A_804, %masked_sort3A_805 = tpu.sort %get3A_428, %get3A_428 masked %masked_sort3A_802 {descending = true} : (vector<16xf32>, vector<16xf32>, vector<16xi1>) -> (vector<16xi1>, vector<16xf32>, vector<16xf32>)
      %max3A_806 = arith.maximumf %masked_sort3A_800, %masked_sort3A_804 : vector<16xf32>
      %masked_sort3A_807 = arith.constant dense<true> : vector<16xi1>
      %masked_sort3A_808, %masked_sort3A_809, %masked_sort3A_810 = tpu.sort %max3A_806, %max3A_806 masked %masked_sort3A_807 {descending = true} : (vector<16xf32>, vector<16xf32>, vector<16xi1>) -> (vector<16xi1>, vector<16xf32>, vector<16xf32>)
      %max3A_811 = arith.maximumf %masked_sort3A_796, %masked_sort3A_809 : vector<16xf32>
      %masked_sort3A_812 = arith.constant dense<true> : vector<16xi1>
      %masked_sort3A_813, %masked_sort3A_814, %masked_sort3A_815 = tpu.sort %max3A_811, %max3A_811 masked %masked_sort3A_812 {descending = true} : (vector<16xf32>, vector<16xf32>, vector<16xi1>) -> (vector<16xi1>, vector<16xf32>, vector<16xf32>)
      %max3A_816 = arith.maximumf %masked_sort3A_783, %masked_sort3A_814 : vector<16xf32>
      %masked_sort3A_817 = arith.constant dense<true> : vector<16xi1>
      %masked_sort3A_818, %masked_sort3A_819, %masked_sort3A_820 = tpu.sort %max3A_816, %max3A_816 masked %masked_sort3A_817 {descending = true} : (vector<16xf32>, vector<16xf32>, vector<16xi1>) -> (vector<16xi1>, vector<16xf32>, vector<16xf32>)
      %max3A_821 = arith.maximumf %masked_sort3A_752, %masked_sort3A_819 : vector<16xf32>
      %masked_sort3A_822 = arith.constant dense<true> : vector<16xi1>
      %masked_sort3A_823, %masked_sort3A_824, %masked_sort3A_825 = tpu.sort %max3A_821, %max3A_821 masked %masked_sort3A_822 {descending = true} : (vector<16xf32>, vector<16xf32>, vector<16xi1>) -> (vector<16xi1>, vector<16xf32>, vector<16xf32>)
      %max3A_826 = arith.maximumf %masked_sort3A_685, %masked_sort3A_824 : vector<16xf32>
      %masked_sort3A_827 = arith.constant dense<true> : vector<16xi1>
      %masked_sort3A_828, %masked_sort3A_829, %masked_sort3A_830 = tpu.sort %max3A_826, %max3A_826 masked %masked_sort3A_827 : (vector<16xf32>, vector<16xf32>, vector<16xi1>) -> (vector<16xi1>, vector<16xf32>, vector<16xf32>)
      %masked_sort3A_831 = arith.constant dense<true> : vector<16xi1>
      %masked_sort3A_832, %masked_sort3A_833, %masked_sort3A_834 = tpu.sort %get3A_432, %get3A_432 masked %masked_sort3A_831 : (vector<16xf32>, vector<16xf32>, vector<16xi1>) -> (vector<16xi1>, vector<16xf32>, vector<16xf32>)
      %masked_sort3A_835 = arith.constant dense<true> : vector<16xi1>
      %masked_sort3A_836, %masked_sort3A_837, %masked_sort3A_838 = tpu.sort %get3A_436, %get3A_436 masked %masked_sort3A_835 {descending = true} : (vector<16xf32>, vector<16xf32>, vector<16xi1>) -> (vector<16xi1>, vector<16xf32>, vector<16xf32>)
      %max3A_839 = arith.maximumf %masked_sort3A_833, %masked_sort3A_837 : vector<16xf32>
      %masked_sort3A_840 = arith.constant dense<true> : vector<16xi1>
      %masked_sort3A_841, %masked_sort3A_842, %masked_sort3A_843 = tpu.sort %max3A_839, %max3A_839 masked %masked_sort3A_840 : (vector<16xf32>, vector<16xf32>, vector<16xi1>) -> (vector<16xi1>, vector<16xf32>, vector<16xf32>)
      %masked_sort3A_844 = arith.constant dense<true> : vector<16xi1>
      %masked_sort3A_845, %masked_sort3A_846, %masked_sort3A_847 = tpu.sort %get3A_440, %get3A_440 masked %masked_sort3A_844 : (vector<16xf32>, vector<16xf32>, vector<16xi1>) -> (vector<16xi1>, vector<16xf32>, vector<16xf32>)
      %masked_sort3A_848 = arith.constant dense<true> : vector<16xi1>
      %masked_sort3A_849, %masked_sort3A_850, %masked_sort3A_851 = tpu.sort %get3A_444, %get3A_444 masked %masked_sort3A_848 {descending = true} : (vector<16xf32>, vector<16xf32>, vector<16xi1>) -> (vector<16xi1>, vector<16xf32>, vector<16xf32>)
      %max3A_852 = arith.maximumf %masked_sort3A_846, %masked_sort3A_850 : vector<16xf32>
      %masked_sort3A_853 = arith.constant dense<true> : vector<16xi1>
      %masked_sort3A_854, %masked_sort3A_855, %masked_sort3A_856 = tpu.sort %max3A_852, %max3A_852 masked %masked_sort3A_853 {descending = true} : (vector<16xf32>, vector<16xf32>, vector<16xi1>) -> (vector<16xi1>, vector<16xf32>, vector<16xf32>)
      %max3A_857 = arith.maximumf %masked_sort3A_842, %masked_sort3A_855 : vector<16xf32>
      %masked_sort3A_858 = arith.constant dense<true> : vector<16xi1>
      %masked_sort3A_859, %masked_sort3A_860, %masked_sort3A_861 = tpu.sort %max3A_857, %max3A_857 masked %masked_sort3A_858 : (vector<16xf32>, vector<16xf32>, vector<16xi1>) -> (vector<16xi1>, vector<16xf32>, vector<16xf32>)
      %masked_sort3A_862 = arith.constant dense<true> : vector<16xi1>
      %masked_sort3A_863, %masked_sort3A_864, %masked_sort3A_865 = tpu.sort %get3A_448, %get3A_448 masked %masked_sort3A_862 : (vector<16xf32>, vector<16xf32>, vector<16xi1>) -> (vector<16xi1>, vector<16xf32>, vector<16xf32>)
      %masked_sort3A_866 = arith.constant dense<true> : vector<16xi1>
      %masked_sort3A_867, %masked_sort3A_868, %masked_sort3A_869 = tpu.sort %get3A_452, %get3A_452 masked %masked_sort3A_866 {descending = true} : (vector<16xf32>, vector<16xf32>, vector<16xi1>) -> (vector<16xi1>, vector<16xf32>, vector<16xf32>)
      %max3A_870 = arith.maximumf %masked_sort3A_864, %masked_sort3A_868 : vector<16xf32>
      %masked_sort3A_871 = arith.constant dense<true> : vector<16xi1>
      %masked_sort3A_872, %masked_sort3A_873, %masked_sort3A_874 = tpu.sort %max3A_870, %max3A_870 masked %masked_sort3A_871 : (vector<16xf32>, vector<16xf32>, vector<16xi1>) -> (vector<16xi1>, vector<16xf32>, vector<16xf32>)
      %masked_sort3A_875 = arith.constant dense<true> : vector<16xi1>
      %masked_sort3A_876, %masked_sort3A_877, %masked_sort3A_878 = tpu.sort %get3A_456, %get3A_456 masked %masked_sort3A_875 : (vector<16xf32>, vector<16xf32>, vector<16xi1>) -> (vector<16xi1>, vector<16xf32>, vector<16xf32>)
      %masked_sort3A_879 = arith.constant dense<true> : vector<16xi1>
      %masked_sort3A_880, %masked_sort3A_881, %masked_sort3A_882 = tpu.sort %get3A_460, %get3A_460 masked %masked_sort3A_879 {descending = true} : (vector<16xf32>, vector<16xf32>, vector<16xi1>) -> (vector<16xi1>, vector<16xf32>, vector<16xf32>)
      %max3A_883 = arith.maximumf %masked_sort3A_877, %masked_sort3A_881 : vector<16xf32>
      %masked_sort3A_884 = arith.constant dense<true> : vector<16xi1>
      %masked_sort3A_885, %masked_sort3A_886, %masked_sort3A_887 = tpu.sort %max3A_883, %max3A_883 masked %masked_sort3A_884 {descending = true} : (vector<16xf32>, vector<16xf32>, vector<16xi1>) -> (vector<16xi1>, vector<16xf32>, vector<16xf32>)
      %max3A_888 = arith.maximumf %masked_sort3A_873, %masked_sort3A_886 : vector<16xf32>
      %masked_sort3A_889 = arith.constant dense<true> : vector<16xi1>
      %masked_sort3A_890, %masked_sort3A_891, %masked_sort3A_892 = tpu.sort %max3A_888, %max3A_888 masked %masked_sort3A_889 {descending = true} : (vector<16xf32>, vector<16xf32>, vector<16xi1>) -> (vector<16xi1>, vector<16xf32>, vector<16xf32>)
      %max3A_893 = arith.maximumf %masked_sort3A_860, %masked_sort3A_891 : vector<16xf32>
      %masked_sort3A_894 = arith.constant dense<true> : vector<16xi1>
      %masked_sort3A_895, %masked_sort3A_896, %masked_sort3A_897 = tpu.sort %max3A_893, %max3A_893 masked %masked_sort3A_894 : (vector<16xf32>, vector<16xf32>, vector<16xi1>) -> (vector<16xi1>, vector<16xf32>, vector<16xf32>)
      %masked_sort3A_898 = arith.constant dense<true> : vector<16xi1>
      %masked_sort3A_899, %masked_sort3A_900, %masked_sort3A_901 = tpu.sort %get3A_464, %get3A_464 masked %masked_sort3A_898 : (vector<16xf32>, vector<16xf32>, vector<16xi1>) -> (vector<16xi1>, vector<16xf32>, vector<16xf32>)
      %masked_sort3A_902 = arith.constant dense<true> : vector<16xi1>
      %masked_sort3A_903, %masked_sort3A_904, %masked_sort3A_905 = tpu.sort %get3A_468, %get3A_468 masked %masked_sort3A_902 {descending = true} : (vector<16xf32>, vector<16xf32>, vector<16xi1>) -> (vector<16xi1>, vector<16xf32>, vector<16xf32>)
      %max3A_906 = arith.maximumf %masked_sort3A_900, %masked_sort3A_904 : vector<16xf32>
      %masked_sort3A_907 = arith.constant dense<true> : vector<16xi1>
      %masked_sort3A_908, %masked_sort3A_909, %masked_sort3A_910 = tpu.sort %max3A_906, %max3A_906 masked %masked_sort3A_907 : (vector<16xf32>, vector<16xf32>, vector<16xi1>) -> (vector<16xi1>, vector<16xf32>, vector<16xf32>)
      %masked_sort3A_911 = arith.constant dense<true> : vector<16xi1>
      %masked_sort3A_912, %masked_sort3A_913, %masked_sort3A_914 = tpu.sort %get3A_472, %get3A_472 masked %masked_sort3A_911 : (vector<16xf32>, vector<16xf32>, vector<16xi1>) -> (vector<16xi1>, vector<16xf32>, vector<16xf32>)
      %masked_sort3A_915 = arith.constant dense<true> : vector<16xi1>
      %masked_sort3A_916, %masked_sort3A_917, %masked_sort3A_918 = tpu.sort %get3A_476, %get3A_476 masked %masked_sort3A_915 {descending = true} : (vector<16xf32>, vector<16xf32>, vector<16xi1>) -> (vector<16xi1>, vector<16xf32>, vector<16xf32>)
      %max3A_919 = arith.maximumf %masked_sort3A_913, %masked_sort3A_917 : vector<16xf32>
      %masked_sort3A_920 = arith.constant dense<true> : vector<16xi1>
      %masked_sort3A_921, %masked_sort3A_922, %masked_sort3A_923 = tpu.sort %max3A_919, %max3A_919 masked %masked_sort3A_920 {descending = true} : (vector<16xf32>, vector<16xf32>, vector<16xi1>) -> (vector<16xi1>, vector<16xf32>, vector<16xf32>)
      %max3A_924 = arith.maximumf %masked_sort3A_909, %masked_sort3A_922 : vector<16xf32>
      %masked_sort3A_925 = arith.constant dense<true> : vector<16xi1>
      %masked_sort3A_926, %masked_sort3A_927, %masked_sort3A_928 = tpu.sort %max3A_924, %max3A_924 masked %masked_sort3A_925 : (vector<16xf32>, vector<16xf32>, vector<16xi1>) -> (vector<16xi1>, vector<16xf32>, vector<16xf32>)
      %masked_sort3A_929 = arith.constant dense<true> : vector<16xi1>
      %masked_sort3A_930, %masked_sort3A_931, %masked_sort3A_932 = tpu.sort %get3A_480, %get3A_480 masked %masked_sort3A_929 : (vector<16xf32>, vector<16xf32>, vector<16xi1>) -> (vector<16xi1>, vector<16xf32>, vector<16xf32>)
      %masked_sort3A_933 = arith.constant dense<true> : vector<16xi1>
      %masked_sort3A_934, %masked_sort3A_935, %masked_sort3A_936 = tpu.sort %get3A_484, %get3A_484 masked %masked_sort3A_933 {descending = true} : (vector<16xf32>, vector<16xf32>, vector<16xi1>) -> (vector<16xi1>, vector<16xf32>, vector<16xf32>)
      %max3A_937 = arith.maximumf %masked_sort3A_931, %masked_sort3A_935 : vector<16xf32>
      %masked_sort3A_938 = arith.constant dense<true> : vector<16xi1>
      %masked_sort3A_939, %masked_sort3A_940, %masked_sort3A_941 = tpu.sort %max3A_937, %max3A_937 masked %masked_sort3A_938 : (vector<16xf32>, vector<16xf32>, vector<16xi1>) -> (vector<16xi1>, vector<16xf32>, vector<16xf32>)
      %masked_sort3A_942 = arith.constant dense<true> : vector<16xi1>
      %masked_sort3A_943, %masked_sort3A_944, %masked_sort3A_945 = tpu.sort %get3A_488, %get3A_488 masked %masked_sort3A_942 : (vector<16xf32>, vector<16xf32>, vector<16xi1>) -> (vector<16xi1>, vector<16xf32>, vector<16xf32>)
      %masked_sort3A_946 = arith.constant dense<true> : vector<16xi1>
      %masked_sort3A_947, %masked_sort3A_948, %masked_sort3A_949 = tpu.sort %get3A_492, %get3A_492 masked %masked_sort3A_946 {descending = true} : (vector<16xf32>, vector<16xf32>, vector<16xi1>) -> (vector<16xi1>, vector<16xf32>, vector<16xf32>)
      %max3A_950 = arith.maximumf %masked_sort3A_944, %masked_sort3A_948 : vector<16xf32>
      %masked_sort3A_951 = arith.constant dense<true> : vector<16xi1>
      %masked_sort3A_952, %masked_sort3A_953, %masked_sort3A_954 = tpu.sort %max3A_950, %max3A_950 masked %masked_sort3A_951 {descending = true} : (vector<16xf32>, vector<16xf32>, vector<16xi1>) -> (vector<16xi1>, vector<16xf32>, vector<16xf32>)
      %max3A_955 = arith.maximumf %masked_sort3A_940, %masked_sort3A_953 : vector<16xf32>
      %masked_sort3A_956 = arith.constant dense<true> : vector<16xi1>
      %masked_sort3A_957, %masked_sort3A_958, %masked_sort3A_959 = tpu.sort %max3A_955, %max3A_955 masked %masked_sort3A_956 {descending = true} : (vector<16xf32>, vector<16xf32>, vector<16xi1>) -> (vector<16xi1>, vector<16xf32>, vector<16xf32>)
      %max3A_960 = arith.maximumf %masked_sort3A_927, %masked_sort3A_958 : vector<16xf32>
      %masked_sort3A_961 = arith.constant dense<true> : vector<16xi1>
      %masked_sort3A_962, %masked_sort3A_963, %masked_sort3A_964 = tpu.sort %max3A_960, %max3A_960 masked %masked_sort3A_961 {descending = true} : (vector<16xf32>, vector<16xf32>, vector<16xi1>) -> (vector<16xi1>, vector<16xf32>, vector<16xf32>)
      %max3A_965 = arith.maximumf %masked_sort3A_896, %masked_sort3A_963 : vector<16xf32>
      %masked_sort3A_966 = arith.constant dense<true> : vector<16xi1>
      %masked_sort3A_967, %masked_sort3A_968, %masked_sort3A_969 = tpu.sort %max3A_965, %max3A_965 masked %masked_sort3A_966 : (vector<16xf32>, vector<16xf32>, vector<16xi1>) -> (vector<16xi1>, vector<16xf32>, vector<16xf32>)
      %masked_sort3A_970 = arith.constant dense<true> : vector<16xi1>
      %masked_sort3A_971, %masked_sort3A_972, %masked_sort3A_973 = tpu.sort %get3A_496, %get3A_496 masked %masked_sort3A_970 : (vector<16xf32>, vector<16xf32>, vector<16xi1>) -> (vector<16xi1>, vector<16xf32>, vector<16xf32>)
      %masked_sort3A_974 = arith.constant dense<true> : vector<16xi1>
      %masked_sort3A_975, %masked_sort3A_976, %masked_sort3A_977 = tpu.sort %get3A_500, %get3A_500 masked %masked_sort3A_974 {descending = true} : (vector<16xf32>, vector<16xf32>, vector<16xi1>) -> (vector<16xi1>, vector<16xf32>, vector<16xf32>)
      %max3A_978 = arith.maximumf %masked_sort3A_972, %masked_sort3A_976 : vector<16xf32>
      %masked_sort3A_979 = arith.constant dense<true> : vector<16xi1>
      %masked_sort3A_980, %masked_sort3A_981, %masked_sort3A_982 = tpu.sort %max3A_978, %max3A_978 masked %masked_sort3A_979 : (vector<16xf32>, vector<16xf32>, vector<16xi1>) -> (vector<16xi1>, vector<16xf32>, vector<16xf32>)
      %masked_sort3A_983 = arith.constant dense<true> : vector<16xi1>
      %masked_sort3A_984, %masked_sort3A_985, %masked_sort3A_986 = tpu.sort %get3A_504, %get3A_504 masked %masked_sort3A_983 : (vector<16xf32>, vector<16xf32>, vector<16xi1>) -> (vector<16xi1>, vector<16xf32>, vector<16xf32>)
      %masked_sort3A_987 = arith.constant dense<true> : vector<16xi1>
      %masked_sort3A_988, %masked_sort3A_989, %masked_sort3A_990 = tpu.sort %get3A_508, %get3A_508 masked %masked_sort3A_987 {descending = true} : (vector<16xf32>, vector<16xf32>, vector<16xi1>) -> (vector<16xi1>, vector<16xf32>, vector<16xf32>)
      %max3A_991 = arith.maximumf %masked_sort3A_985, %masked_sort3A_989 : vector<16xf32>
      %masked_sort3A_992 = arith.constant dense<true> : vector<16xi1>
      %masked_sort3A_993, %masked_sort3A_994, %masked_sort3A_995 = tpu.sort %max3A_991, %max3A_991 masked %masked_sort3A_992 {descending = true} : (vector<16xf32>, vector<16xf32>, vector<16xi1>) -> (vector<16xi1>, vector<16xf32>, vector<16xf32>)
      %max3A_996 = arith.maximumf %masked_sort3A_981, %masked_sort3A_994 : vector<16xf32>
      %masked_sort3A_997 = arith.constant dense<true> : vector<16xi1>
      %masked_sort3A_998, %masked_sort3A_999, %masked_sort3A_1000 = tpu.sort %max3A_996, %max3A_996 masked %masked_sort3A_997 : (vector<16xf32>, vector<16xf32>, vector<16xi1>) -> (vector<16xi1>, vector<16xf32>, vector<16xf32>)
      %masked_sort3A_1001 = arith.constant dense<true> : vector<16xi1>
      %masked_sort3A_1002, %masked_sort3A_1003, %masked_sort3A_1004 = tpu.sort %get3A_512, %get3A_512 masked %masked_sort3A_1001 : (vector<16xf32>, vector<16xf32>, vector<16xi1>) -> (vector<16xi1>, vector<16xf32>, vector<16xf32>)
      %masked_sort3A_1005 = arith.constant dense<true> : vector<16xi1>
      %masked_sort3A_1006, %masked_sort3A_1007, %masked_sort3A_1008 = tpu.sort %get3A_516, %get3A_516 masked %masked_sort3A_1005 {descending = true} : (vector<16xf32>, vector<16xf32>, vector<16xi1>) -> (vector<16xi1>, vector<16xf32>, vector<16xf32>)
      %max3A_1009 = arith.maximumf %masked_sort3A_1003, %masked_sort3A_1007 : vector<16xf32>
      %masked_sort3A_1010 = arith.constant dense<true> : vector<16xi1>
      %masked_sort3A_1011, %masked_sort3A_1012, %masked_sort3A_1013 = tpu.sort %max3A_1009, %max3A_1009 masked %masked_sort3A_1010 : (vector<16xf32>, vector<16xf32>, vector<16xi1>) -> (vector<16xi1>, vector<16xf32>, vector<16xf32>)
      %masked_sort3A_1014 = arith.constant dense<true> : vector<16xi1>
      %masked_sort3A_1015, %masked_sort3A_1016, %masked_sort3A_1017 = tpu.sort %get3A_520, %get3A_520 masked %masked_sort3A_1014 : (vector<16xf32>, vector<16xf32>, vector<16xi1>) -> (vector<16xi1>, vector<16xf32>, vector<16xf32>)
      %masked_sort3A_1018 = arith.constant dense<true> : vector<16xi1>
      %masked_sort3A_1019, %masked_sort3A_1020, %masked_sort3A_1021 = tpu.sort %get3A_524, %get3A_524 masked %masked_sort3A_1018 {descending = true} : (vector<16xf32>, vector<16xf32>, vector<16xi1>) -> (vector<16xi1>, vector<16xf32>, vector<16xf32>)
      %max3A_1022 = arith.maximumf %masked_sort3A_1016, %masked_sort3A_1020 : vector<16xf32>
      %masked_sort3A_1023 = arith.constant dense<true> : vector<16xi1>
      %masked_sort3A_1024, %masked_sort3A_1025, %masked_sort3A_1026 = tpu.sort %max3A_1022, %max3A_1022 masked %masked_sort3A_1023 {descending = true} : (vector<16xf32>, vector<16xf32>, vector<16xi1>) -> (vector<16xi1>, vector<16xf32>, vector<16xf32>)
      %max3A_1027 = arith.maximumf %masked_sort3A_1012, %masked_sort3A_1025 : vector<16xf32>
      %masked_sort3A_1028 = arith.constant dense<true> : vector<16xi1>
      %masked_sort3A_1029, %masked_sort3A_1030, %masked_sort3A_1031 = tpu.sort %max3A_1027, %max3A_1027 masked %masked_sort3A_1028 {descending = true} : (vector<16xf32>, vector<16xf32>, vector<16xi1>) -> (vector<16xi1>, vector<16xf32>, vector<16xf32>)
      %max3A_1032 = arith.maximumf %masked_sort3A_999, %masked_sort3A_1030 : vector<16xf32>
      %masked_sort3A_1033 = arith.constant dense<true> : vector<16xi1>
      %masked_sort3A_1034, %masked_sort3A_1035, %masked_sort3A_1036 = tpu.sort %max3A_1032, %max3A_1032 masked %masked_sort3A_1033 : (vector<16xf32>, vector<16xf32>, vector<16xi1>) -> (vector<16xi1>, vector<16xf32>, vector<16xf32>)
      %masked_sort3A_1037 = arith.constant dense<true> : vector<16xi1>
      %masked_sort3A_1038, %masked_sort3A_1039, %masked_sort3A_1040 = tpu.sort %get3A_528, %get3A_528 masked %masked_sort3A_1037 : (vector<16xf32>, vector<16xf32>, vector<16xi1>) -> (vector<16xi1>, vector<16xf32>, vector<16xf32>)
      %masked_sort3A_1041 = arith.constant dense<true> : vector<16xi1>
      %masked_sort3A_1042, %masked_sort3A_1043, %masked_sort3A_1044 = tpu.sort %get3A_532, %get3A_532 masked %masked_sort3A_1041 {descending = true} : (vector<16xf32>, vector<16xf32>, vector<16xi1>) -> (vector<16xi1>, vector<16xf32>, vector<16xf32>)
      %max3A_1045 = arith.maximumf %masked_sort3A_1039, %masked_sort3A_1043 : vector<16xf32>
      %masked_sort3A_1046 = arith.constant dense<true> : vector<16xi1>
      %masked_sort3A_1047, %masked_sort3A_1048, %masked_sort3A_1049 = tpu.sort %max3A_1045, %max3A_1045 masked %masked_sort3A_1046 : (vector<16xf32>, vector<16xf32>, vector<16xi1>) -> (vector<16xi1>, vector<16xf32>, vector<16xf32>)
      %masked_sort3A_1050 = arith.constant dense<true> : vector<16xi1>
      %masked_sort3A_1051, %masked_sort3A_1052, %masked_sort3A_1053 = tpu.sort %get3A_536, %get3A_536 masked %masked_sort3A_1050 : (vector<16xf32>, vector<16xf32>, vector<16xi1>) -> (vector<16xi1>, vector<16xf32>, vector<16xf32>)
      %masked_sort3A_1054 = arith.constant dense<true> : vector<16xi1>
      %masked_sort3A_1055, %masked_sort3A_1056, %masked_sort3A_1057 = tpu.sort %get3A_540, %get3A_540 masked %masked_sort3A_1054 {descending = true} : (vector<16xf32>, vector<16xf32>, vector<16xi1>) -> (vector<16xi1>, vector<16xf32>, vector<16xf32>)
      %max3A_1058 = arith.maximumf %masked_sort3A_1052, %masked_sort3A_1056 : vector<16xf32>
      %masked_sort3A_1059 = arith.constant dense<true> : vector<16xi1>
      %masked_sort3A_1060, %masked_sort3A_1061, %masked_sort3A_1062 = tpu.sort %max3A_1058, %max3A_1058 masked %masked_sort3A_1059 {descending = true} : (vector<16xf32>, vector<16xf32>, vector<16xi1>) -> (vector<16xi1>, vector<16xf32>, vector<16xf32>)
      %max3A_1063 = arith.maximumf %masked_sort3A_1048, %masked_sort3A_1061 : vector<16xf32>
      %masked_sort3A_1064 = arith.constant dense<true> : vector<16xi1>
      %masked_sort3A_1065, %masked_sort3A_1066, %masked_sort3A_1067 = tpu.sort %max3A_1063, %max3A_1063 masked %masked_sort3A_1064 : (vector<16xf32>, vector<16xf32>, vector<16xi1>) -> (vector<16xi1>, vector<16xf32>, vector<16xf32>)
      %masked_sort3A_1068 = arith.constant dense<true> : vector<16xi1>
      %masked_sort3A_1069, %masked_sort3A_1070, %masked_sort3A_1071 = tpu.sort %get3A_544, %get3A_544 masked %masked_sort3A_1068 : (vector<16xf32>, vector<16xf32>, vector<16xi1>) -> (vector<16xi1>, vector<16xf32>, vector<16xf32>)
      %masked_sort3A_1072 = arith.constant dense<true> : vector<16xi1>
      %masked_sort3A_1073, %masked_sort3A_1074, %masked_sort3A_1075 = tpu.sort %get3A_548, %get3A_548 masked %masked_sort3A_1072 {descending = true} : (vector<16xf32>, vector<16xf32>, vector<16xi1>) -> (vector<16xi1>, vector<16xf32>, vector<16xf32>)
      %max3A_1076 = arith.maximumf %masked_sort3A_1070, %masked_sort3A_1074 : vector<16xf32>
      %masked_sort3A_1077 = arith.constant dense<true> : vector<16xi1>
      %masked_sort3A_1078, %masked_sort3A_1079, %masked_sort3A_1080 = tpu.sort %max3A_1076, %max3A_1076 masked %masked_sort3A_1077 : (vector<16xf32>, vector<16xf32>, vector<16xi1>) -> (vector<16xi1>, vector<16xf32>, vector<16xf32>)
      %masked_sort3A_1081 = arith.constant dense<true> : vector<16xi1>
      %masked_sort3A_1082, %masked_sort3A_1083, %masked_sort3A_1084 = tpu.sort %get3A_552, %get3A_552 masked %masked_sort3A_1081 : (vector<16xf32>, vector<16xf32>, vector<16xi1>) -> (vector<16xi1>, vector<16xf32>, vector<16xf32>)
      %masked_sort3A_1085 = arith.constant dense<true> : vector<16xi1>
      %masked_sort3A_1086, %masked_sort3A_1087, %masked_sort3A_1088 = tpu.sort %select_n3A, %select_n3A masked %masked_sort3A_1085 {descending = true} : (vector<16xf32>, vector<16xf32>, vector<16xi1>) -> (vector<16xi1>, vector<16xf32>, vector<16xf32>)
      %max3A_1089 = arith.maximumf %masked_sort3A_1083, %masked_sort3A_1087 : vector<16xf32>
      %masked_sort3A_1090 = arith.constant dense<true> : vector<16xi1>
      %masked_sort3A_1091, %masked_sort3A_1092, %masked_sort3A_1093 = tpu.sort %max3A_1089, %max3A_1089 masked %masked_sort3A_1090 {descending = true} : (vector<16xf32>, vector<16xf32>, vector<16xi1>) -> (vector<16xi1>, vector<16xf32>, vector<16xf32>)
      %max3A_1094 = arith.maximumf %masked_sort3A_1079, %masked_sort3A_1092 : vector<16xf32>
      %masked_sort3A_1095 = arith.constant dense<true> : vector<16xi1>
      %masked_sort3A_1096, %masked_sort3A_1097, %masked_sort3A_1098 = tpu.sort %max3A_1094, %max3A_1094 masked %masked_sort3A_1095 {descending = true} : (vector<16xf32>, vector<16xf32>, vector<16xi1>) -> (vector<16xi1>, vector<16xf32>, vector<16xf32>)
      %max3A_1099 = arith.maximumf %masked_sort3A_1066, %masked_sort3A_1097 : vector<16xf32>
      %masked_sort3A_1100 = arith.constant dense<true> : vector<16xi1>
      %masked_sort3A_1101, %masked_sort3A_1102, %masked_sort3A_1103 = tpu.sort %max3A_1099, %max3A_1099 masked %masked_sort3A_1100 {descending = true} : (vector<16xf32>, vector<16xf32>, vector<16xi1>) -> (vector<16xi1>, vector<16xf32>, vector<16xf32>)
      %max3A_1104 = arith.maximumf %masked_sort3A_1035, %masked_sort3A_1102 : vector<16xf32>
      %masked_sort3A_1105 = arith.constant dense<true> : vector<16xi1>
      %masked_sort3A_1106, %masked_sort3A_1107, %masked_sort3A_1108 = tpu.sort %max3A_1104, %max3A_1104 masked %masked_sort3A_1105 {descending = true} : (vector<16xf32>, vector<16xf32>, vector<16xi1>) -> (vector<16xi1>, vector<16xf32>, vector<16xf32>)
      %max3A_1109 = arith.maximumf %masked_sort3A_968, %masked_sort3A_1107 : vector<16xf32>
      %masked_sort3A_1110 = arith.constant dense<true> : vector<16xi1>
      %masked_sort3A_1111, %masked_sort3A_1112, %masked_sort3A_1113 = tpu.sort %max3A_1109, %max3A_1109 masked %masked_sort3A_1110 {descending = true} : (vector<16xf32>, vector<16xf32>, vector<16xi1>) -> (vector<16xi1>, vector<16xf32>, vector<16xf32>)
      %max3A_1114 = arith.maximumf %masked_sort3A_829, %masked_sort3A_1112 : vector<16xf32>
      %masked_sort3A_1115 = arith.constant dense<true> : vector<16xi1>
      %masked_sort3A_1116, %masked_sort3A_1117, %masked_sort3A_1118 = tpu.sort %max3A_1114, %max3A_1114 masked %masked_sort3A_1115 {descending = true} : (vector<16xf32>, vector<16xf32>, vector<16xi1>) -> (vector<16xi1>, vector<16xf32>, vector<16xf32>)
      %mul3A_1119 = arith.constant 16 : i32
      %mul3A_1120 = arith.muli %add3A_303, %mul3A_1119 : i32
      %swap3A = arith.index_cast %mul3A_1120 : i32 to index
      %swap3A_1121 = tpu.vector_load %arg6[%swap3A] {strides = array<i32>} : memref<256xf32, #tpu.memory_space<vmem>>, vector<16xf32>,
      tpu.vector_store %arg6[%swap3A], %masked_sort3A_1117 {strides = array<i32>} : memref<256xf32, #tpu.memory_space<vmem>>, vector<16xf32>,
      %mul3A_1122 = arith.constant 2 : i32
      %mul3A_1123 = arith.muli %scan3A_299, %mul3A_1122 : i32
      %add3A_1124 = arith.constant 1 : i32
      %add3A_1125 = arith.addi %mul3A_1123, %add3A_1124 : i32
      %mul3A_1126 = arith.constant 1008 : i32
      %mul3A_1127 = arith.muli %add3A_1125, %mul3A_1126 : i32
      %add3A_1128 = arith.constant 0 : i32
      %add3A_1129 = arith.addi %mul3A_1127, %add3A_1128 : i32
      %get3A_1130 = arith.index_cast %add3A_1129 : i32 to index
      %get3A_1131 = tpu.vector_load %arg4[%get3A_1130] {strides = array<i32>} : memref<16128xf32, #tpu.memory_space<vmem>>, vector<16xf32>,
      %add3A_1132 = arith.constant 16 : i32
      %add3A_1133 = arith.addi %mul3A_1127, %add3A_1132 : i32
      %get3A_1134 = arith.index_cast %add3A_1133 : i32 to index
      %get3A_1135 = tpu.vector_load %arg4[%get3A_1134] {strides = array<i32>} : memref<16128xf32, #tpu.memory_space<vmem>>, vector<16xf32>,
      %add3A_1136 = arith.constant 32 : i32
      %add3A_1137 = arith.addi %mul3A_1127, %add3A_1136 : i32
      %get3A_1138 = arith.index_cast %add3A_1137 : i32 to index
      %get3A_1139 = tpu.vector_load %arg4[%get3A_1138] {strides = array<i32>} : memref<16128xf32, #tpu.memory_space<vmem>>, vector<16xf32>,
      %add3A_1140 = arith.constant 48 : i32
      %add3A_1141 = arith.addi %mul3A_1127, %add3A_1140 : i32
      %get3A_1142 = arith.index_cast %add3A_1141 : i32 to index
      %get3A_1143 = tpu.vector_load %arg4[%get3A_1142] {strides = array<i32>} : memref<16128xf32, #tpu.memory_space<vmem>>, vector<16xf32>,
      %add3A_1144 = arith.constant 64 : i32
      %add3A_1145 = arith.addi %mul3A_1127, %add3A_1144 : i32
      %get3A_1146 = arith.index_cast %add3A_1145 : i32 to index
      %get3A_1147 = tpu.vector_load %arg4[%get3A_1146] {strides = array<i32>} : memref<16128xf32, #tpu.memory_space<vmem>>, vector<16xf32>,
      %add3A_1148 = arith.constant 80 : i32
      %add3A_1149 = arith.addi %mul3A_1127, %add3A_1148 : i32
      %get3A_1150 = arith.index_cast %add3A_1149 : i32 to index
      %get3A_1151 = tpu.vector_load %arg4[%get3A_1150] {strides = array<i32>} : memref<16128xf32, #tpu.memory_space<vmem>>, vector<16xf32>,
      %add3A_1152 = arith.constant 96 : i32
      %add3A_1153 = arith.addi %mul3A_1127, %add3A_1152 : i32
      %get3A_1154 = arith.index_cast %add3A_1153 : i32 to index
      %get3A_1155 = tpu.vector_load %arg4[%get3A_1154] {strides = array<i32>} : memref<16128xf32, #tpu.memory_space<vmem>>, vector<16xf32>,
      %add3A_1156 = arith.constant 112 : i32
      %add3A_1157 = arith.addi %mul3A_1127, %add3A_1156 : i32
      %get3A_1158 = arith.index_cast %add3A_1157 : i32 to index
      %get3A_1159 = tpu.vector_load %arg4[%get3A_1158] {strides = array<i32>} : memref<16128xf32, #tpu.memory_space<vmem>>, vector<16xf32>,
      %add3A_1160 = arith.constant 128 : i32
      %add3A_1161 = arith.addi %mul3A_1127, %add3A_1160 : i32
      %get3A_1162 = arith.index_cast %add3A_1161 : i32 to index
      %get3A_1163 = tpu.vector_load %arg4[%get3A_1162] {strides = array<i32>} : memref<16128xf32, #tpu.memory_space<vmem>>, vector<16xf32>,
      %add3A_1164 = arith.constant 144 : i32
      %add3A_1165 = arith.addi %mul3A_1127, %add3A_1164 : i32
      %get3A_1166 = arith.index_cast %add3A_1165 : i32 to index
      %get3A_1167 = tpu.vector_load %arg4[%get3A_1166] {strides = array<i32>} : memref<16128xf32, #tpu.memory_space<vmem>>, vector<16xf32>,
      %add3A_1168 = arith.constant 160 : i32
      %add3A_1169 = arith.addi %mul3A_1127, %add3A_1168 : i32
      %get3A_1170 = arith.index_cast %add3A_1169 : i32 to index
      %get3A_1171 = tpu.vector_load %arg4[%get3A_1170] {strides = array<i32>} : memref<16128xf32, #tpu.memory_space<vmem>>, vector<16xf32>,
      %add3A_1172 = arith.constant 176 : i32
      %add3A_1173 = arith.addi %mul3A_1127, %add3A_1172 : i32
      %get3A_1174 = arith.index_cast %add3A_1173 : i32 to index
      %get3A_1175 = tpu.vector_load %arg4[%get3A_1174] {strides = array<i32>} : memref<16128xf32, #tpu.memory_space<vmem>>, vector<16xf32>,
      %add3A_1176 = arith.constant 192 : i32
      %add3A_1177 = arith.addi %mul3A_1127, %add3A_1176 : i32
      %get3A_1178 = arith.index_cast %add3A_1177 : i32 to index
      %get3A_1179 = tpu.vector_load %arg4[%get3A_1178] {strides = array<i32>} : memref<16128xf32, #tpu.memory_space<vmem>>, vector<16xf32>,
      %add3A_1180 = arith.constant 208 : i32
      %add3A_1181 = arith.addi %mul3A_1127, %add3A_1180 : i32
      %get3A_1182 = arith.index_cast %add3A_1181 : i32 to index
      %get3A_1183 = tpu.vector_load %arg4[%get3A_1182] {strides = array<i32>} : memref<16128xf32, #tpu.memory_space<vmem>>, vector<16xf32>,
      %add3A_1184 = arith.constant 224 : i32
      %add3A_1185 = arith.addi %mul3A_1127, %add3A_1184 : i32
      %get3A_1186 = arith.index_cast %add3A_1185 : i32 to index
      %get3A_1187 = tpu.vector_load %arg4[%get3A_1186] {strides = array<i32>} : memref<16128xf32, #tpu.memory_space<vmem>>, vector<16xf32>,
      %add3A_1188 = arith.constant 240 : i32
      %add3A_1189 = arith.addi %mul3A_1127, %add3A_1188 : i32
      %get3A_1190 = arith.index_cast %add3A_1189 : i32 to index
      %get3A_1191 = tpu.vector_load %arg4[%get3A_1190] {strides = array<i32>} : memref<16128xf32, #tpu.memory_space<vmem>>, vector<16xf32>,
      %add3A_1192 = arith.constant 256 : i32
      %add3A_1193 = arith.addi %mul3A_1127, %add3A_1192 : i32
      %get3A_1194 = arith.index_cast %add3A_1193 : i32 to index
      %get3A_1195 = tpu.vector_load %arg4[%get3A_1194] {strides = array<i32>} : memref<16128xf32, #tpu.memory_space<vmem>>, vector<16xf32>,
      %add3A_1196 = arith.constant 272 : i32
      %add3A_1197 = arith.addi %mul3A_1127, %add3A_1196 : i32
      %get3A_1198 = arith.index_cast %add3A_1197 : i32 to index
      %get3A_1199 = tpu.vector_load %arg4[%get3A_1198] {strides = array<i32>} : memref<16128xf32, #tpu.memory_space<vmem>>, vector<16xf32>,
      %add3A_1200 = arith.constant 288 : i32
      %add3A_1201 = arith.addi %mul3A_1127, %add3A_1200 : i32
      %get3A_1202 = arith.index_cast %add3A_1201 : i32 to index
      %get3A_1203 = tpu.vector_load %arg4[%get3A_1202] {strides = array<i32>} : memref<16128xf32, #tpu.memory_space<vmem>>, vector<16xf32>,
      %add3A_1204 = arith.constant 304 : i32
      %add3A_1205 = arith.addi %mul3A_1127, %add3A_1204 : i32
      %get3A_1206 = arith.index_cast %add3A_1205 : i32 to index
      %get3A_1207 = tpu.vector_load %arg4[%get3A_1206] {strides = array<i32>} : memref<16128xf32, #tpu.memory_space<vmem>>, vector<16xf32>,
      %add3A_1208 = arith.constant 320 : i32
      %add3A_1209 = arith.addi %mul3A_1127, %add3A_1208 : i32
      %get3A_1210 = arith.index_cast %add3A_1209 : i32 to index
      %get3A_1211 = tpu.vector_load %arg4[%get3A_1210] {strides = array<i32>} : memref<16128xf32, #tpu.memory_space<vmem>>, vector<16xf32>,
      %add3A_1212 = arith.constant 336 : i32
      %add3A_1213 = arith.addi %mul3A_1127, %add3A_1212 : i32
      %get3A_1214 = arith.index_cast %add3A_1213 : i32 to index
      %get3A_1215 = tpu.vector_load %arg4[%get3A_1214] {strides = array<i32>} : memref<16128xf32, #tpu.memory_space<vmem>>, vector<16xf32>,
      %add3A_1216 = arith.constant 352 : i32
      %add3A_1217 = arith.addi %mul3A_1127, %add3A_1216 : i32
      %get3A_1218 = arith.index_cast %add3A_1217 : i32 to index
      %get3A_1219 = tpu.vector_load %arg4[%get3A_1218] {strides = array<i32>} : memref<16128xf32, #tpu.memory_space<vmem>>, vector<16xf32>,
      %add3A_1220 = arith.constant 368 : i32
      %add3A_1221 = arith.addi %mul3A_1127, %add3A_1220 : i32
      %get3A_1222 = arith.index_cast %add3A_1221 : i32 to index
      %get3A_1223 = tpu.vector_load %arg4[%get3A_1222] {strides = array<i32>} : memref<16128xf32, #tpu.memory_space<vmem>>, vector<16xf32>,
      %add3A_1224 = arith.constant 384 : i32
      %add3A_1225 = arith.addi %mul3A_1127, %add3A_1224 : i32
      %get3A_1226 = arith.index_cast %add3A_1225 : i32 to index
      %get3A_1227 = tpu.vector_load %arg4[%get3A_1226] {strides = array<i32>} : memref<16128xf32, #tpu.memory_space<vmem>>, vector<16xf32>,
      %add3A_1228 = arith.constant 400 : i32
      %add3A_1229 = arith.addi %mul3A_1127, %add3A_1228 : i32
      %get3A_1230 = arith.index_cast %add3A_1229 : i32 to index
      %get3A_1231 = tpu.vector_load %arg4[%get3A_1230] {strides = array<i32>} : memref<16128xf32, #tpu.memory_space<vmem>>, vector<16xf32>,
      %add3A_1232 = arith.constant 416 : i32
      %add3A_1233 = arith.addi %mul3A_1127, %add3A_1232 : i32
      %get3A_1234 = arith.index_cast %add3A_1233 : i32 to index
      %get3A_1235 = tpu.vector_load %arg4[%get3A_1234] {strides = array<i32>} : memref<16128xf32, #tpu.memory_space<vmem>>, vector<16xf32>,
      %add3A_1236 = arith.constant 432 : i32
      %add3A_1237 = arith.addi %mul3A_1127, %add3A_1236 : i32
      %get3A_1238 = arith.index_cast %add3A_1237 : i32 to index
      %get3A_1239 = tpu.vector_load %arg4[%get3A_1238] {strides = array<i32>} : memref<16128xf32, #tpu.memory_space<vmem>>, vector<16xf32>,
      %add3A_1240 = arith.constant 448 : i32
      %add3A_1241 = arith.addi %mul3A_1127, %add3A_1240 : i32
      %get3A_1242 = arith.index_cast %add3A_1241 : i32 to index
      %get3A_1243 = tpu.vector_load %arg4[%get3A_1242] {strides = array<i32>} : memref<16128xf32, #tpu.memory_space<vmem>>, vector<16xf32>,
      %add3A_1244 = arith.constant 464 : i32
      %add3A_1245 = arith.addi %mul3A_1127, %add3A_1244 : i32
      %get3A_1246 = arith.index_cast %add3A_1245 : i32 to index
      %get3A_1247 = tpu.vector_load %arg4[%get3A_1246] {strides = array<i32>} : memref<16128xf32, #tpu.memory_space<vmem>>, vector<16xf32>,
      %add3A_1248 = arith.constant 480 : i32
      %add3A_1249 = arith.addi %mul3A_1127, %add3A_1248 : i32
      %get3A_1250 = arith.index_cast %add3A_1249 : i32 to index
      %get3A_1251 = tpu.vector_load %arg4[%get3A_1250] {strides = array<i32>} : memref<16128xf32, #tpu.memory_space<vmem>>, vector<16xf32>,
      %add3A_1252 = arith.constant 496 : i32
      %add3A_1253 = arith.addi %mul3A_1127, %add3A_1252 : i32
      %get3A_1254 = arith.index_cast %add3A_1253 : i32 to index
      %get3A_1255 = tpu.vector_load %arg4[%get3A_1254] {strides = array<i32>} : memref<16128xf32, #tpu.memory_space<vmem>>, vector<16xf32>,
      %add3A_1256 = arith.constant 512 : i32
      %add3A_1257 = arith.addi %mul3A_1127, %add3A_1256 : i32
      %get3A_1258 = arith.index_cast %add3A_1257 : i32 to index
      %get3A_1259 = tpu.vector_load %arg4[%get3A_1258] {strides = array<i32>} : memref<16128xf32, #tpu.memory_space<vmem>>, vector<16xf32>,
      %add3A_1260 = arith.constant 528 : i32
      %add3A_1261 = arith.addi %mul3A_1127, %add3A_1260 : i32
      %get3A_1262 = arith.index_cast %add3A_1261 : i32 to index
      %get3A_1263 = tpu.vector_load %arg4[%get3A_1262] {strides = array<i32>} : memref<16128xf32, #tpu.memory_space<vmem>>, vector<16xf32>,
      %add3A_1264 = arith.constant 544 : i32
      %add3A_1265 = arith.addi %mul3A_1127, %add3A_1264 : i32
      %get3A_1266 = arith.index_cast %add3A_1265 : i32 to index
      %get3A_1267 = tpu.vector_load %arg4[%get3A_1266] {strides = array<i32>} : memref<16128xf32, #tpu.memory_space<vmem>>, vector<16xf32>,
      %add3A_1268 = arith.constant 560 : i32
      %add3A_1269 = arith.addi %mul3A_1127, %add3A_1268 : i32
      %get3A_1270 = arith.index_cast %add3A_1269 : i32 to index
      %get3A_1271 = tpu.vector_load %arg4[%get3A_1270] {strides = array<i32>} : memref<16128xf32, #tpu.memory_space<vmem>>, vector<16xf32>,
      %add3A_1272 = arith.constant 576 : i32
      %add3A_1273 = arith.addi %mul3A_1127, %add3A_1272 : i32
      %get3A_1274 = arith.index_cast %add3A_1273 : i32 to index
      %get3A_1275 = tpu.vector_load %arg4[%get3A_1274] {strides = array<i32>} : memref<16128xf32, #tpu.memory_space<vmem>>, vector<16xf32>,
      %add3A_1276 = arith.constant 592 : i32
      %add3A_1277 = arith.addi %mul3A_1127, %add3A_1276 : i32
      %get3A_1278 = arith.index_cast %add3A_1277 : i32 to index
      %get3A_1279 = tpu.vector_load %arg4[%get3A_1278] {strides = array<i32>} : memref<16128xf32, #tpu.memory_space<vmem>>, vector<16xf32>,
      %add3A_1280 = arith.constant 608 : i32
      %add3A_1281 = arith.addi %mul3A_1127, %add3A_1280 : i32
      %get3A_1282 = arith.index_cast %add3A_1281 : i32 to index
      %get3A_1283 = tpu.vector_load %arg4[%get3A_1282] {strides = array<i32>} : memref<16128xf32, #tpu.memory_space<vmem>>, vector<16xf32>,
      %add3A_1284 = arith.constant 624 : i32
      %add3A_1285 = arith.addi %mul3A_1127, %add3A_1284 : i32
      %get3A_1286 = arith.index_cast %add3A_1285 : i32 to index
      %get3A_1287 = tpu.vector_load %arg4[%get3A_1286] {strides = array<i32>} : memref<16128xf32, #tpu.memory_space<vmem>>, vector<16xf32>,
      %add3A_1288 = arith.constant 640 : i32
      %add3A_1289 = arith.addi %mul3A_1127, %add3A_1288 : i32
      %get3A_1290 = arith.index_cast %add3A_1289 : i32 to index
      %get3A_1291 = tpu.vector_load %arg4[%get3A_1290] {strides = array<i32>} : memref<16128xf32, #tpu.memory_space<vmem>>, vector<16xf32>,
      %add3A_1292 = arith.constant 656 : i32
      %add3A_1293 = arith.addi %mul3A_1127, %add3A_1292 : i32
      %get3A_1294 = arith.index_cast %add3A_1293 : i32 to index
      %get3A_1295 = tpu.vector_load %arg4[%get3A_1294] {strides = array<i32>} : memref<16128xf32, #tpu.memory_space<vmem>>, vector<16xf32>,
      %add3A_1296 = arith.constant 672 : i32
      %add3A_1297 = arith.addi %mul3A_1127, %add3A_1296 : i32
      %get3A_1298 = arith.index_cast %add3A_1297 : i32 to index
      %get3A_1299 = tpu.vector_load %arg4[%get3A_1298] {strides = array<i32>} : memref<16128xf32, #tpu.memory_space<vmem>>, vector<16xf32>,
      %add3A_1300 = arith.constant 688 : i32
      %add3A_1301 = arith.addi %mul3A_1127, %add3A_1300 : i32
      %get3A_1302 = arith.index_cast %add3A_1301 : i32 to index
      %get3A_1303 = tpu.vector_load %arg4[%get3A_1302] {strides = array<i32>} : memref<16128xf32, #tpu.memory_space<vmem>>, vector<16xf32>,
      %add3A_1304 = arith.constant 704 : i32
      %add3A_1305 = arith.addi %mul3A_1127, %add3A_1304 : i32
      %get3A_1306 = arith.index_cast %add3A_1305 : i32 to index
      %get3A_1307 = tpu.vector_load %arg4[%get3A_1306] {strides = array<i32>} : memref<16128xf32, #tpu.memory_space<vmem>>, vector<16xf32>,
      %add3A_1308 = arith.constant 720 : i32
      %add3A_1309 = arith.addi %mul3A_1127, %add3A_1308 : i32
      %get3A_1310 = arith.index_cast %add3A_1309 : i32 to index
      %get3A_1311 = tpu.vector_load %arg4[%get3A_1310] {strides = array<i32>} : memref<16128xf32, #tpu.memory_space<vmem>>, vector<16xf32>,
      %add3A_1312 = arith.constant 736 : i32
      %add3A_1313 = arith.addi %mul3A_1127, %add3A_1312 : i32
      %get3A_1314 = arith.index_cast %add3A_1313 : i32 to index
      %get3A_1315 = tpu.vector_load %arg4[%get3A_1314] {strides = array<i32>} : memref<16128xf32, #tpu.memory_space<vmem>>, vector<16xf32>,
      %add3A_1316 = arith.constant 752 : i32
      %add3A_1317 = arith.addi %mul3A_1127, %add3A_1316 : i32
      %get3A_1318 = arith.index_cast %add3A_1317 : i32 to index
      %get3A_1319 = tpu.vector_load %arg4[%get3A_1318] {strides = array<i32>} : memref<16128xf32, #tpu.memory_space<vmem>>, vector<16xf32>,
      %add3A_1320 = arith.constant 768 : i32
      %add3A_1321 = arith.addi %mul3A_1127, %add3A_1320 : i32
      %get3A_1322 = arith.index_cast %add3A_1321 : i32 to index
      %get3A_1323 = tpu.vector_load %arg4[%get3A_1322] {strides = array<i32>} : memref<16128xf32, #tpu.memory_space<vmem>>, vector<16xf32>,
      %add3A_1324 = arith.constant 784 : i32
      %add3A_1325 = arith.addi %mul3A_1127, %add3A_1324 : i32
      %get3A_1326 = arith.index_cast %add3A_1325 : i32 to index
      %get3A_1327 = tpu.vector_load %arg4[%get3A_1326] {strides = array<i32>} : memref<16128xf32, #tpu.memory_space<vmem>>, vector<16xf32>,
      %add3A_1328 = arith.constant 800 : i32
      %add3A_1329 = arith.addi %mul3A_1127, %add3A_1328 : i32
      %get3A_1330 = arith.index_cast %add3A_1329 : i32 to index
      %get3A_1331 = tpu.vector_load %arg4[%get3A_1330] {strides = array<i32>} : memref<16128xf32, #tpu.memory_space<vmem>>, vector<16xf32>,
      %add3A_1332 = arith.constant 816 : i32
      %add3A_1333 = arith.addi %mul3A_1127, %add3A_1332 : i32
      %get3A_1334 = arith.index_cast %add3A_1333 : i32 to index
      %get3A_1335 = tpu.vector_load %arg4[%get3A_1334] {strides = array<i32>} : memref<16128xf32, #tpu.memory_space<vmem>>, vector<16xf32>,
      %add3A_1336 = arith.constant 832 : i32
      %add3A_1337 = arith.addi %mul3A_1127, %add3A_1336 : i32
      %get3A_1338 = arith.index_cast %add3A_1337 : i32 to index
      %get3A_1339 = tpu.vector_load %arg4[%get3A_1338] {strides = array<i32>} : memref<16128xf32, #tpu.memory_space<vmem>>, vector<16xf32>,
      %add3A_1340 = arith.constant 848 : i32
      %add3A_1341 = arith.addi %mul3A_1127, %add3A_1340 : i32
      %get3A_1342 = arith.index_cast %add3A_1341 : i32 to index
      %get3A_1343 = tpu.vector_load %arg4[%get3A_1342] {strides = array<i32>} : memref<16128xf32, #tpu.memory_space<vmem>>, vector<16xf32>,
      %add3A_1344 = arith.constant 864 : i32
      %add3A_1345 = arith.addi %mul3A_1127, %add3A_1344 : i32
      %get3A_1346 = arith.index_cast %add3A_1345 : i32 to index
      %get3A_1347 = tpu.vector_load %arg4[%get3A_1346] {strides = array<i32>} : memref<16128xf32, #tpu.memory_space<vmem>>, vector<16xf32>,
      %add3A_1348 = arith.constant 880 : i32
      %add3A_1349 = arith.addi %mul3A_1127, %add3A_1348 : i32
      %get3A_1350 = arith.index_cast %add3A_1349 : i32 to index
      %get3A_1351 = tpu.vector_load %arg4[%get3A_1350] {strides = array<i32>} : memref<16128xf32, #tpu.memory_space<vmem>>, vector<16xf32>,
      %add3A_1352 = arith.constant 896 : i32
      %add3A_1353 = arith.addi %mul3A_1127, %add3A_1352 : i32
      %get3A_1354 = arith.index_cast %add3A_1353 : i32 to index
      %get3A_1355 = tpu.vector_load %arg4[%get3A_1354] {strides = array<i32>} : memref<16128xf32, #tpu.memory_space<vmem>>, vector<16xf32>,
      %add3A_1356 = arith.constant 912 : i32
      %add3A_1357 = arith.addi %mul3A_1127, %add3A_1356 : i32
      %get3A_1358 = arith.index_cast %add3A_1357 : i32 to index
      %get3A_1359 = tpu.vector_load %arg4[%get3A_1358] {strides = array<i32>} : memref<16128xf32, #tpu.memory_space<vmem>>, vector<16xf32>,
      %add3A_1360 = arith.constant 928 : i32
      %add3A_1361 = arith.addi %mul3A_1127, %add3A_1360 : i32
      %get3A_1362 = arith.index_cast %add3A_1361 : i32 to index
      %get3A_1363 = tpu.vector_load %arg4[%get3A_1362] {strides = array<i32>} : memref<16128xf32, #tpu.memory_space<vmem>>, vector<16xf32>,
      %add3A_1364 = arith.constant 944 : i32
      %add3A_1365 = arith.addi %mul3A_1127, %add3A_1364 : i32
      %get3A_1366 = arith.index_cast %add3A_1365 : i32 to index
      %get3A_1367 = tpu.vector_load %arg4[%get3A_1366] {strides = array<i32>} : memref<16128xf32, #tpu.memory_space<vmem>>, vector<16xf32>,
      %add3A_1368 = arith.constant 960 : i32
      %add3A_1369 = arith.addi %mul3A_1127, %add3A_1368 : i32
      %get3A_1370 = arith.index_cast %add3A_1369 : i32 to index
      %get3A_1371 = tpu.vector_load %arg4[%get3A_1370] {strides = array<i32>} : memref<16128xf32, #tpu.memory_space<vmem>>, vector<16xf32>,
      %add3A_1372 = arith.constant 976 : i32
      %add3A_1373 = arith.addi %mul3A_1127, %add3A_1372 : i32
      %get3A_1374 = arith.index_cast %add3A_1373 : i32 to index
      %get3A_1375 = tpu.vector_load %arg4[%get3A_1374] {strides = array<i32>} : memref<16128xf32, #tpu.memory_space<vmem>>, vector<16xf32>,
      %add3A_1376 = arith.constant 992 : i32
      %add3A_1377 = arith.addi %mul3A_1127, %add3A_1376 : i32
      %get3A_1378 = arith.index_cast %add3A_1377 : i32 to index
      %get3A_1379 = tpu.vector_load %arg4[%get3A_1378] {strides = array<i32>} : memref<16128xf32, #tpu.memory_space<vmem>>, vector<16xf32>,
      %lt3A_1380 = arith.constant 8 : i32
      %lt3A_1381 = vector.broadcast %lt3A_1380 : i32 to vector<16xi32>
      %lt3A_1382 = arith.cmpi slt, %iota3A, %lt3A_1381 : vector<16xi32>
      %select_n3A_1383 = arith.select %lt3A_1382, %get3A_1379, %broadcast_in_dim3A_3 : vector<16xi1>, vector<16xf32>
      %masked_sort3A_1384 = arith.constant dense<true> : vector<16xi1>
      %masked_sort3A_1385, %masked_sort3A_1386, %masked_sort3A_1387 = tpu.sort %get3A_1131, %get3A_1131 masked %masked_sort3A_1384 : (vector<16xf32>, vector<16xf32>, vector<16xi1>) -> (vector<16xi1>, vector<16xf32>, vector<16xf32>)
      %masked_sort3A_1388 = arith.constant dense<true> : vector<16xi1>
      %masked_sort3A_1389, %masked_sort3A_1390, %masked_sort3A_1391 = tpu.sort %get3A_1135, %get3A_1135 masked %masked_sort3A_1388 : (vector<16xf32>, vector<16xf32>, vector<16xi1>) -> (vector<16xi1>, vector<16xf32>, vector<16xf32>)
      %masked_sort3A_1392 = arith.constant dense<true> : vector<16xi1>
      %masked_sort3A_1393, %masked_sort3A_1394, %masked_sort3A_1395 = tpu.sort %get3A_1139, %get3A_1139 masked %masked_sort3A_1392 {descending = true} : (vector<16xf32>, vector<16xf32>, vector<16xi1>) -> (vector<16xi1>, vector<16xf32>, vector<16xf32>)
      %max3A_1396 = arith.maximumf %masked_sort3A_1390, %masked_sort3A_1394 : vector<16xf32>
      %masked_sort3A_1397 = arith.constant dense<true> : vector<16xi1>
      %masked_sort3A_1398, %masked_sort3A_1399, %masked_sort3A_1400 = tpu.sort %max3A_1396, %max3A_1396 masked %masked_sort3A_1397 {descending = true} : (vector<16xf32>, vector<16xf32>, vector<16xi1>) -> (vector<16xi1>, vector<16xf32>, vector<16xf32>)
      %max3A_1401 = arith.maximumf %masked_sort3A_1386, %masked_sort3A_1399 : vector<16xf32>
      %masked_sort3A_1402 = arith.constant dense<true> : vector<16xi1>
      %masked_sort3A_1403, %masked_sort3A_1404, %masked_sort3A_1405 = tpu.sort %max3A_1401, %max3A_1401 masked %masked_sort3A_1402 : (vector<16xf32>, vector<16xf32>, vector<16xi1>) -> (vector<16xi1>, vector<16xf32>, vector<16xf32>)
      %masked_sort3A_1406 = arith.constant dense<true> : vector<16xi1>
      %masked_sort3A_1407, %masked_sort3A_1408, %masked_sort3A_1409 = tpu.sort %get3A_1143, %get3A_1143 masked %masked_sort3A_1406 : (vector<16xf32>, vector<16xf32>, vector<16xi1>) -> (vector<16xi1>, vector<16xf32>, vector<16xf32>)
      %masked_sort3A_1410 = arith.constant dense<true> : vector<16xi1>
      %masked_sort3A_1411, %masked_sort3A_1412, %masked_sort3A_1413 = tpu.sort %get3A_1147, %get3A_1147 masked %masked_sort3A_1410 {descending = true} : (vector<16xf32>, vector<16xf32>, vector<16xi1>) -> (vector<16xi1>, vector<16xf32>, vector<16xf32>)
      %max3A_1414 = arith.maximumf %masked_sort3A_1408, %masked_sort3A_1412 : vector<16xf32>
      %masked_sort3A_1415 = arith.constant dense<true> : vector<16xi1>
      %masked_sort3A_1416, %masked_sort3A_1417, %masked_sort3A_1418 = tpu.sort %max3A_1414, %max3A_1414 masked %masked_sort3A_1415 : (vector<16xf32>, vector<16xf32>, vector<16xi1>) -> (vector<16xi1>, vector<16xf32>, vector<16xf32>)
      %masked_sort3A_1419 = arith.constant dense<true> : vector<16xi1>
      %masked_sort3A_1420, %masked_sort3A_1421, %masked_sort3A_1422 = tpu.sort %get3A_1151, %get3A_1151 masked %masked_sort3A_1419 : (vector<16xf32>, vector<16xf32>, vector<16xi1>) -> (vector<16xi1>, vector<16xf32>, vector<16xf32>)
      %masked_sort3A_1423 = arith.constant dense<true> : vector<16xi1>
      %masked_sort3A_1424, %masked_sort3A_1425, %masked_sort3A_1426 = tpu.sort %get3A_1155, %get3A_1155 masked %masked_sort3A_1423 {descending = true} : (vector<16xf32>, vector<16xf32>, vector<16xi1>) -> (vector<16xi1>, vector<16xf32>, vector<16xf32>)
      %max3A_1427 = arith.maximumf %masked_sort3A_1421, %masked_sort3A_1425 : vector<16xf32>
      %masked_sort3A_1428 = arith.constant dense<true> : vector<16xi1>
      %masked_sort3A_1429, %masked_sort3A_1430, %masked_sort3A_1431 = tpu.sort %max3A_1427, %max3A_1427 masked %masked_sort3A_1428 {descending = true} : (vector<16xf32>, vector<16xf32>, vector<16xi1>) -> (vector<16xi1>, vector<16xf32>, vector<16xf32>)
      %max3A_1432 = arith.maximumf %masked_sort3A_1417, %masked_sort3A_1430 : vector<16xf32>
      %masked_sort3A_1433 = arith.constant dense<true> : vector<16xi1>
      %masked_sort3A_1434, %masked_sort3A_1435, %masked_sort3A_1436 = tpu.sort %max3A_1432, %max3A_1432 masked %masked_sort3A_1433 {descending = true} : (vector<16xf32>, vector<16xf32>, vector<16xi1>) -> (vector<16xi1>, vector<16xf32>, vector<16xf32>)
      %max3A_1437 = arith.maximumf %masked_sort3A_1404, %masked_sort3A_1435 : vector<16xf32>
      %masked_sort3A_1438 = arith.constant dense<true> : vector<16xi1>
      %masked_sort3A_1439, %masked_sort3A_1440, %masked_sort3A_1441 = tpu.sort %max3A_1437, %max3A_1437 masked %masked_sort3A_1438 : (vector<16xf32>, vector<16xf32>, vector<16xi1>) -> (vector<16xi1>, vector<16xf32>, vector<16xf32>)
      %masked_sort3A_1442 = arith.constant dense<true> : vector<16xi1>
      %masked_sort3A_1443, %masked_sort3A_1444, %masked_sort3A_1445 = tpu.sort %get3A_1159, %get3A_1159 masked %masked_sort3A_1442 : (vector<16xf32>, vector<16xf32>, vector<16xi1>) -> (vector<16xi1>, vector<16xf32>, vector<16xf32>)
      %masked_sort3A_1446 = arith.constant dense<true> : vector<16xi1>
      %masked_sort3A_1447, %masked_sort3A_1448, %masked_sort3A_1449 = tpu.sort %get3A_1163, %get3A_1163 masked %masked_sort3A_1446 {descending = true} : (vector<16xf32>, vector<16xf32>, vector<16xi1>) -> (vector<16xi1>, vector<16xf32>, vector<16xf32>)
      %max3A_1450 = arith.maximumf %masked_sort3A_1444, %masked_sort3A_1448 : vector<16xf32>
      %masked_sort3A_1451 = arith.constant dense<true> : vector<16xi1>
      %masked_sort3A_1452, %masked_sort3A_1453, %masked_sort3A_1454 = tpu.sort %max3A_1450, %max3A_1450 masked %masked_sort3A_1451 : (vector<16xf32>, vector<16xf32>, vector<16xi1>) -> (vector<16xi1>, vector<16xf32>, vector<16xf32>)
      %masked_sort3A_1455 = arith.constant dense<true> : vector<16xi1>
      %masked_sort3A_1456, %masked_sort3A_1457, %masked_sort3A_1458 = tpu.sort %get3A_1167, %get3A_1167 masked %masked_sort3A_1455 : (vector<16xf32>, vector<16xf32>, vector<16xi1>) -> (vector<16xi1>, vector<16xf32>, vector<16xf32>)
      %masked_sort3A_1459 = arith.constant dense<true> : vector<16xi1>
      %masked_sort3A_1460, %masked_sort3A_1461, %masked_sort3A_1462 = tpu.sort %get3A_1171, %get3A_1171 masked %masked_sort3A_1459 {descending = true} : (vector<16xf32>, vector<16xf32>, vector<16xi1>) -> (vector<16xi1>, vector<16xf32>, vector<16xf32>)
      %max3A_1463 = arith.maximumf %masked_sort3A_1457, %masked_sort3A_1461 : vector<16xf32>
      %masked_sort3A_1464 = arith.constant dense<true> : vector<16xi1>
      %masked_sort3A_1465, %masked_sort3A_1466, %masked_sort3A_1467 = tpu.sort %max3A_1463, %max3A_1463 masked %masked_sort3A_1464 {descending = true} : (vector<16xf32>, vector<16xf32>, vector<16xi1>) -> (vector<16xi1>, vector<16xf32>, vector<16xf32>)
      %max3A_1468 = arith.maximumf %masked_sort3A_1453, %masked_sort3A_1466 : vector<16xf32>
      %masked_sort3A_1469 = arith.constant dense<true> : vector<16xi1>
      %masked_sort3A_1470, %masked_sort3A_1471, %masked_sort3A_1472 = tpu.sort %max3A_1468, %max3A_1468 masked %masked_sort3A_1469 : (vector<16xf32>, vector<16xf32>, vector<16xi1>) -> (vector<16xi1>, vector<16xf32>, vector<16xf32>)
      %masked_sort3A_1473 = arith.constant dense<true> : vector<16xi1>
      %masked_sort3A_1474, %masked_sort3A_1475, %masked_sort3A_1476 = tpu.sort %get3A_1175, %get3A_1175 masked %masked_sort3A_1473 : (vector<16xf32>, vector<16xf32>, vector<16xi1>) -> (vector<16xi1>, vector<16xf32>, vector<16xf32>)
      %masked_sort3A_1477 = arith.constant dense<true> : vector<16xi1>
      %masked_sort3A_1478, %masked_sort3A_1479, %masked_sort3A_1480 = tpu.sort %get3A_1179, %get3A_1179 masked %masked_sort3A_1477 {descending = true} : (vector<16xf32>, vector<16xf32>, vector<16xi1>) -> (vector<16xi1>, vector<16xf32>, vector<16xf32>)
      %max3A_1481 = arith.maximumf %masked_sort3A_1475, %masked_sort3A_1479 : vector<16xf32>
      %masked_sort3A_1482 = arith.constant dense<true> : vector<16xi1>
      %masked_sort3A_1483, %masked_sort3A_1484, %masked_sort3A_1485 = tpu.sort %max3A_1481, %max3A_1481 masked %masked_sort3A_1482 : (vector<16xf32>, vector<16xf32>, vector<16xi1>) -> (vector<16xi1>, vector<16xf32>, vector<16xf32>)
      %masked_sort3A_1486 = arith.constant dense<true> : vector<16xi1>
      %masked_sort3A_1487, %masked_sort3A_1488, %masked_sort3A_1489 = tpu.sort %get3A_1183, %get3A_1183 masked %masked_sort3A_1486 : (vector<16xf32>, vector<16xf32>, vector<16xi1>) -> (vector<16xi1>, vector<16xf32>, vector<16xf32>)
      %masked_sort3A_1490 = arith.constant dense<true> : vector<16xi1>
      %masked_sort3A_1491, %masked_sort3A_1492, %masked_sort3A_1493 = tpu.sort %get3A_1187, %get3A_1187 masked %masked_sort3A_1490 {descending = true} : (vector<16xf32>, vector<16xf32>, vector<16xi1>) -> (vector<16xi1>, vector<16xf32>, vector<16xf32>)
      %max3A_1494 = arith.maximumf %masked_sort3A_1488, %masked_sort3A_1492 : vector<16xf32>
      %masked_sort3A_1495 = arith.constant dense<true> : vector<16xi1>
      %masked_sort3A_1496, %masked_sort3A_1497, %masked_sort3A_1498 = tpu.sort %max3A_1494, %max3A_1494 masked %masked_sort3A_1495 {descending = true} : (vector<16xf32>, vector<16xf32>, vector<16xi1>) -> (vector<16xi1>, vector<16xf32>, vector<16xf32>)
      %max3A_1499 = arith.maximumf %masked_sort3A_1484, %masked_sort3A_1497 : vector<16xf32>
      %masked_sort3A_1500 = arith.constant dense<true> : vector<16xi1>
      %masked_sort3A_1501, %masked_sort3A_1502, %masked_sort3A_1503 = tpu.sort %max3A_1499, %max3A_1499 masked %masked_sort3A_1500 {descending = true} : (vector<16xf32>, vector<16xf32>, vector<16xi1>) -> (vector<16xi1>, vector<16xf32>, vector<16xf32>)
      %max3A_1504 = arith.maximumf %masked_sort3A_1471, %masked_sort3A_1502 : vector<16xf32>
      %masked_sort3A_1505 = arith.constant dense<true> : vector<16xi1>
      %masked_sort3A_1506, %masked_sort3A_1507, %masked_sort3A_1508 = tpu.sort %max3A_1504, %max3A_1504 masked %masked_sort3A_1505 {descending = true} : (vector<16xf32>, vector<16xf32>, vector<16xi1>) -> (vector<16xi1>, vector<16xf32>, vector<16xf32>)
      %max3A_1509 = arith.maximumf %masked_sort3A_1440, %masked_sort3A_1507 : vector<16xf32>
      %masked_sort3A_1510 = arith.constant dense<true> : vector<16xi1>
      %masked_sort3A_1511, %masked_sort3A_1512, %masked_sort3A_1513 = tpu.sort %max3A_1509, %max3A_1509 masked %masked_sort3A_1510 : (vector<16xf32>, vector<16xf32>, vector<16xi1>) -> (vector<16xi1>, vector<16xf32>, vector<16xf32>)
      %masked_sort3A_1514 = arith.constant dense<true> : vector<16xi1>
      %masked_sort3A_1515, %masked_sort3A_1516, %masked_sort3A_1517 = tpu.sort %get3A_1191, %get3A_1191 masked %masked_sort3A_1514 : (vector<16xf32>, vector<16xf32>, vector<16xi1>) -> (vector<16xi1>, vector<16xf32>, vector<16xf32>)
      %masked_sort3A_1518 = arith.constant dense<true> : vector<16xi1>
      %masked_sort3A_1519, %masked_sort3A_1520, %masked_sort3A_1521 = tpu.sort %get3A_1195, %get3A_1195 masked %masked_sort3A_1518 {descending = true} : (vector<16xf32>, vector<16xf32>, vector<16xi1>) -> (vector<16xi1>, vector<16xf32>, vector<16xf32>)
      %max3A_1522 = arith.maximumf %masked_sort3A_1516, %masked_sort3A_1520 : vector<16xf32>
      %masked_sort3A_1523 = arith.constant dense<true> : vector<16xi1>
      %masked_sort3A_1524, %masked_sort3A_1525, %masked_sort3A_1526 = tpu.sort %max3A_1522, %max3A_1522 masked %masked_sort3A_1523 : (vector<16xf32>, vector<16xf32>, vector<16xi1>) -> (vector<16xi1>, vector<16xf32>, vector<16xf32>)
      %masked_sort3A_1527 = arith.constant dense<true> : vector<16xi1>
      %masked_sort3A_1528, %masked_sort3A_1529, %masked_sort3A_1530 = tpu.sort %get3A_1199, %get3A_1199 masked %masked_sort3A_1527 : (vector<16xf32>, vector<16xf32>, vector<16xi1>) -> (vector<16xi1>, vector<16xf32>, vector<16xf32>)
      %masked_sort3A_1531 = arith.constant dense<true> : vector<16xi1>
      %masked_sort3A_1532, %masked_sort3A_1533, %masked_sort3A_1534 = tpu.sort %get3A_1203, %get3A_1203 masked %masked_sort3A_1531 {descending = true} : (vector<16xf32>, vector<16xf32>, vector<16xi1>) -> (vector<16xi1>, vector<16xf32>, vector<16xf32>)
      %max3A_1535 = arith.maximumf %masked_sort3A_1529, %masked_sort3A_1533 : vector<16xf32>
      %masked_sort3A_1536 = arith.constant dense<true> : vector<16xi1>
      %masked_sort3A_1537, %masked_sort3A_1538, %masked_sort3A_1539 = tpu.sort %max3A_1535, %max3A_1535 masked %masked_sort3A_1536 {descending = true} : (vector<16xf32>, vector<16xf32>, vector<16xi1>) -> (vector<16xi1>, vector<16xf32>, vector<16xf32>)
      %max3A_1540 = arith.maximumf %masked_sort3A_1525, %masked_sort3A_1538 : vector<16xf32>
      %masked_sort3A_1541 = arith.constant dense<true> : vector<16xi1>
      %masked_sort3A_1542, %masked_sort3A_1543, %masked_sort3A_1544 = tpu.sort %max3A_1540, %max3A_1540 masked %masked_sort3A_1541 : (vector<16xf32>, vector<16xf32>, vector<16xi1>) -> (vector<16xi1>, vector<16xf32>, vector<16xf32>)
      %masked_sort3A_1545 = arith.constant dense<true> : vector<16xi1>
      %masked_sort3A_1546, %masked_sort3A_1547, %masked_sort3A_1548 = tpu.sort %get3A_1207, %get3A_1207 masked %masked_sort3A_1545 : (vector<16xf32>, vector<16xf32>, vector<16xi1>) -> (vector<16xi1>, vector<16xf32>, vector<16xf32>)
      %masked_sort3A_1549 = arith.constant dense<true> : vector<16xi1>
      %masked_sort3A_1550, %masked_sort3A_1551, %masked_sort3A_1552 = tpu.sort %get3A_1211, %get3A_1211 masked %masked_sort3A_1549 {descending = true} : (vector<16xf32>, vector<16xf32>, vector<16xi1>) -> (vector<16xi1>, vector<16xf32>, vector<16xf32>)
      %max3A_1553 = arith.maximumf %masked_sort3A_1547, %masked_sort3A_1551 : vector<16xf32>
      %masked_sort3A_1554 = arith.constant dense<true> : vector<16xi1>
      %masked_sort3A_1555, %masked_sort3A_1556, %masked_sort3A_1557 = tpu.sort %max3A_1553, %max3A_1553 masked %masked_sort3A_1554 : (vector<16xf32>, vector<16xf32>, vector<16xi1>) -> (vector<16xi1>, vector<16xf32>, vector<16xf32>)
      %masked_sort3A_1558 = arith.constant dense<true> : vector<16xi1>
      %masked_sort3A_1559, %masked_sort3A_1560, %masked_sort3A_1561 = tpu.sort %get3A_1215, %get3A_1215 masked %masked_sort3A_1558 : (vector<16xf32>, vector<16xf32>, vector<16xi1>) -> (vector<16xi1>, vector<16xf32>, vector<16xf32>)
      %masked_sort3A_1562 = arith.constant dense<true> : vector<16xi1>
      %masked_sort3A_1563, %masked_sort3A_1564, %masked_sort3A_1565 = tpu.sort %get3A_1219, %get3A_1219 masked %masked_sort3A_1562 {descending = true} : (vector<16xf32>, vector<16xf32>, vector<16xi1>) -> (vector<16xi1>, vector<16xf32>, vector<16xf32>)
      %max3A_1566 = arith.maximumf %masked_sort3A_1560, %masked_sort3A_1564 : vector<16xf32>
      %masked_sort3A_1567 = arith.constant dense<true> : vector<16xi1>
      %masked_sort3A_1568, %masked_sort3A_1569, %masked_sort3A_1570 = tpu.sort %max3A_1566, %max3A_1566 masked %masked_sort3A_1567 {descending = true} : (vector<16xf32>, vector<16xf32>, vector<16xi1>) -> (vector<16xi1>, vector<16xf32>, vector<16xf32>)
      %max3A_1571 = arith.maximumf %masked_sort3A_1556, %masked_sort3A_1569 : vector<16xf32>
      %masked_sort3A_1572 = arith.constant dense<true> : vector<16xi1>
      %masked_sort3A_1573, %masked_sort3A_1574, %masked_sort3A_1575 = tpu.sort %max3A_1571, %max3A_1571 masked %masked_sort3A_1572 {descending = true} : (vector<16xf32>, vector<16xf32>, vector<16xi1>) -> (vector<16xi1>, vector<16xf32>, vector<16xf32>)
      %max3A_1576 = arith.maximumf %masked_sort3A_1543, %masked_sort3A_1574 : vector<16xf32>
      %masked_sort3A_1577 = arith.constant dense<true> : vector<16xi1>
      %masked_sort3A_1578, %masked_sort3A_1579, %masked_sort3A_1580 = tpu.sort %max3A_1576, %max3A_1576 masked %masked_sort3A_1577 : (vector<16xf32>, vector<16xf32>, vector<16xi1>) -> (vector<16xi1>, vector<16xf32>, vector<16xf32>)
      %masked_sort3A_1581 = arith.constant dense<true> : vector<16xi1>
      %masked_sort3A_1582, %masked_sort3A_1583, %masked_sort3A_1584 = tpu.sort %get3A_1223, %get3A_1223 masked %masked_sort3A_1581 : (vector<16xf32>, vector<16xf32>, vector<16xi1>) -> (vector<16xi1>, vector<16xf32>, vector<16xf32>)
      %masked_sort3A_1585 = arith.constant dense<true> : vector<16xi1>
      %masked_sort3A_1586, %masked_sort3A_1587, %masked_sort3A_1588 = tpu.sort %get3A_1227, %get3A_1227 masked %masked_sort3A_1585 {descending = true} : (vector<16xf32>, vector<16xf32>, vector<16xi1>) -> (vector<16xi1>, vector<16xf32>, vector<16xf32>)
      %max3A_1589 = arith.maximumf %masked_sort3A_1583, %masked_sort3A_1587 : vector<16xf32>
      %masked_sort3A_1590 = arith.constant dense<true> : vector<16xi1>
      %masked_sort3A_1591, %masked_sort3A_1592, %masked_sort3A_1593 = tpu.sort %max3A_1589, %max3A_1589 masked %masked_sort3A_1590 : (vector<16xf32>, vector<16xf32>, vector<16xi1>) -> (vector<16xi1>, vector<16xf32>, vector<16xf32>)
      %masked_sort3A_1594 = arith.constant dense<true> : vector<16xi1>
      %masked_sort3A_1595, %masked_sort3A_1596, %masked_sort3A_1597 = tpu.sort %get3A_1231, %get3A_1231 masked %masked_sort3A_1594 : (vector<16xf32>, vector<16xf32>, vector<16xi1>) -> (vector<16xi1>, vector<16xf32>, vector<16xf32>)
      %masked_sort3A_1598 = arith.constant dense<true> : vector<16xi1>
      %masked_sort3A_1599, %masked_sort3A_1600, %masked_sort3A_1601 = tpu.sort %get3A_1235, %get3A_1235 masked %masked_sort3A_1598 {descending = true} : (vector<16xf32>, vector<16xf32>, vector<16xi1>) -> (vector<16xi1>, vector<16xf32>, vector<16xf32>)
      %max3A_1602 = arith.maximumf %masked_sort3A_1596, %masked_sort3A_1600 : vector<16xf32>
      %masked_sort3A_1603 = arith.constant dense<true> : vector<16xi1>
      %masked_sort3A_1604, %masked_sort3A_1605, %masked_sort3A_1606 = tpu.sort %max3A_1602, %max3A_1602 masked %masked_sort3A_1603 {descending = true} : (vector<16xf32>, vector<16xf32>, vector<16xi1>) -> (vector<16xi1>, vector<16xf32>, vector<16xf32>)
      %max3A_1607 = arith.maximumf %masked_sort3A_1592, %masked_sort3A_1605 : vector<16xf32>
      %masked_sort3A_1608 = arith.constant dense<true> : vector<16xi1>
      %masked_sort3A_1609, %masked_sort3A_1610, %masked_sort3A_1611 = tpu.sort %max3A_1607, %max3A_1607 masked %masked_sort3A_1608 : (vector<16xf32>, vector<16xf32>, vector<16xi1>) -> (vector<16xi1>, vector<16xf32>, vector<16xf32>)
      %masked_sort3A_1612 = arith.constant dense<true> : vector<16xi1>
      %masked_sort3A_1613, %masked_sort3A_1614, %masked_sort3A_1615 = tpu.sort %get3A_1239, %get3A_1239 masked %masked_sort3A_1612 : (vector<16xf32>, vector<16xf32>, vector<16xi1>) -> (vector<16xi1>, vector<16xf32>, vector<16xf32>)
      %masked_sort3A_1616 = arith.constant dense<true> : vector<16xi1>
      %masked_sort3A_1617, %masked_sort3A_1618, %masked_sort3A_1619 = tpu.sort %get3A_1243, %get3A_1243 masked %masked_sort3A_1616 {descending = true} : (vector<16xf32>, vector<16xf32>, vector<16xi1>) -> (vector<16xi1>, vector<16xf32>, vector<16xf32>)
      %max3A_1620 = arith.maximumf %masked_sort3A_1614, %masked_sort3A_1618 : vector<16xf32>
      %masked_sort3A_1621 = arith.constant dense<true> : vector<16xi1>
      %masked_sort3A_1622, %masked_sort3A_1623, %masked_sort3A_1624 = tpu.sort %max3A_1620, %max3A_1620 masked %masked_sort3A_1621 : (vector<16xf32>, vector<16xf32>, vector<16xi1>) -> (vector<16xi1>, vector<16xf32>, vector<16xf32>)
      %masked_sort3A_1625 = arith.constant dense<true> : vector<16xi1>
      %masked_sort3A_1626, %masked_sort3A_1627, %masked_sort3A_1628 = tpu.sort %get3A_1247, %get3A_1247 masked %masked_sort3A_1625 : (vector<16xf32>, vector<16xf32>, vector<16xi1>) -> (vector<16xi1>, vector<16xf32>, vector<16xf32>)
      %masked_sort3A_1629 = arith.constant dense<true> : vector<16xi1>
      %masked_sort3A_1630, %masked_sort3A_1631, %masked_sort3A_1632 = tpu.sort %get3A_1251, %get3A_1251 masked %masked_sort3A_1629 {descending = true} : (vector<16xf32>, vector<16xf32>, vector<16xi1>) -> (vector<16xi1>, vector<16xf32>, vector<16xf32>)
      %max3A_1633 = arith.maximumf %masked_sort3A_1627, %masked_sort3A_1631 : vector<16xf32>
      %masked_sort3A_1634 = arith.constant dense<true> : vector<16xi1>
      %masked_sort3A_1635, %masked_sort3A_1636, %masked_sort3A_1637 = tpu.sort %max3A_1633, %max3A_1633 masked %masked_sort3A_1634 {descending = true} : (vector<16xf32>, vector<16xf32>, vector<16xi1>) -> (vector<16xi1>, vector<16xf32>, vector<16xf32>)
      %max3A_1638 = arith.maximumf %masked_sort3A_1623, %masked_sort3A_1636 : vector<16xf32>
      %masked_sort3A_1639 = arith.constant dense<true> : vector<16xi1>
      %masked_sort3A_1640, %masked_sort3A_1641, %masked_sort3A_1642 = tpu.sort %max3A_1638, %max3A_1638 masked %masked_sort3A_1639 {descending = true} : (vector<16xf32>, vector<16xf32>, vector<16xi1>) -> (vector<16xi1>, vector<16xf32>, vector<16xf32>)
      %max3A_1643 = arith.maximumf %masked_sort3A_1610, %masked_sort3A_1641 : vector<16xf32>
      %masked_sort3A_1644 = arith.constant dense<true> : vector<16xi1>
      %masked_sort3A_1645, %masked_sort3A_1646, %masked_sort3A_1647 = tpu.sort %max3A_1643, %max3A_1643 masked %masked_sort3A_1644 {descending = true} : (vector<16xf32>, vector<16xf32>, vector<16xi1>) -> (vector<16xi1>, vector<16xf32>, vector<16xf32>)
      %max3A_1648 = arith.maximumf %masked_sort3A_1579, %masked_sort3A_1646 : vector<16xf32>
      %masked_sort3A_1649 = arith.constant dense<true> : vector<16xi1>
      %masked_sort3A_1650, %masked_sort3A_1651, %masked_sort3A_1652 = tpu.sort %max3A_1648, %max3A_1648 masked %masked_sort3A_1649 {descending = true} : (vector<16xf32>, vector<16xf32>, vector<16xi1>) -> (vector<16xi1>, vector<16xf32>, vector<16xf32>)
      %max3A_1653 = arith.maximumf %masked_sort3A_1512, %masked_sort3A_1651 : vector<16xf32>
      %masked_sort3A_1654 = arith.constant dense<true> : vector<16xi1>
      %masked_sort3A_1655, %masked_sort3A_1656, %masked_sort3A_1657 = tpu.sort %max3A_1653, %max3A_1653 masked %masked_sort3A_1654 : (vector<16xf32>, vector<16xf32>, vector<16xi1>) -> (vector<16xi1>, vector<16xf32>, vector<16xf32>)
      %masked_sort3A_1658 = arith.constant dense<true> : vector<16xi1>
      %masked_sort3A_1659, %masked_sort3A_1660, %masked_sort3A_1661 = tpu.sort %get3A_1255, %get3A_1255 masked %masked_sort3A_1658 : (vector<16xf32>, vector<16xf32>, vector<16xi1>) -> (vector<16xi1>, vector<16xf32>, vector<16xf32>)
      %masked_sort3A_1662 = arith.constant dense<true> : vector<16xi1>
      %masked_sort3A_1663, %masked_sort3A_1664, %masked_sort3A_1665 = tpu.sort %get3A_1259, %get3A_1259 masked %masked_sort3A_1662 {descending = true} : (vector<16xf32>, vector<16xf32>, vector<16xi1>) -> (vector<16xi1>, vector<16xf32>, vector<16xf32>)
      %max3A_1666 = arith.maximumf %masked_sort3A_1660, %masked_sort3A_1664 : vector<16xf32>
      %masked_sort3A_1667 = arith.constant dense<true> : vector<16xi1>
      %masked_sort3A_1668, %masked_sort3A_1669, %masked_sort3A_1670 = tpu.sort %max3A_1666, %max3A_1666 masked %masked_sort3A_1667 : (vector<16xf32>, vector<16xf32>, vector<16xi1>) -> (vector<16xi1>, vector<16xf32>, vector<16xf32>)
      %masked_sort3A_1671 = arith.constant dense<true> : vector<16xi1>
      %masked_sort3A_1672, %masked_sort3A_1673, %masked_sort3A_1674 = tpu.sort %get3A_1263, %get3A_1263 masked %masked_sort3A_1671 : (vector<16xf32>, vector<16xf32>, vector<16xi1>) -> (vector<16xi1>, vector<16xf32>, vector<16xf32>)
      %masked_sort3A_1675 = arith.constant dense<true> : vector<16xi1>
      %masked_sort3A_1676, %masked_sort3A_1677, %masked_sort3A_1678 = tpu.sort %get3A_1267, %get3A_1267 masked %masked_sort3A_1675 {descending = true} : (vector<16xf32>, vector<16xf32>, vector<16xi1>) -> (vector<16xi1>, vector<16xf32>, vector<16xf32>)
      %max3A_1679 = arith.maximumf %masked_sort3A_1673, %masked_sort3A_1677 : vector<16xf32>
      %masked_sort3A_1680 = arith.constant dense<true> : vector<16xi1>
      %masked_sort3A_1681, %masked_sort3A_1682, %masked_sort3A_1683 = tpu.sort %max3A_1679, %max3A_1679 masked %masked_sort3A_1680 {descending = true} : (vector<16xf32>, vector<16xf32>, vector<16xi1>) -> (vector<16xi1>, vector<16xf32>, vector<16xf32>)
      %max3A_1684 = arith.maximumf %masked_sort3A_1669, %masked_sort3A_1682 : vector<16xf32>
      %masked_sort3A_1685 = arith.constant dense<true> : vector<16xi1>
      %masked_sort3A_1686, %masked_sort3A_1687, %masked_sort3A_1688 = tpu.sort %max3A_1684, %max3A_1684 masked %masked_sort3A_1685 : (vector<16xf32>, vector<16xf32>, vector<16xi1>) -> (vector<16xi1>, vector<16xf32>, vector<16xf32>)
      %masked_sort3A_1689 = arith.constant dense<true> : vector<16xi1>
      %masked_sort3A_1690, %masked_sort3A_1691, %masked_sort3A_1692 = tpu.sort %get3A_1271, %get3A_1271 masked %masked_sort3A_1689 : (vector<16xf32>, vector<16xf32>, vector<16xi1>) -> (vector<16xi1>, vector<16xf32>, vector<16xf32>)
      %masked_sort3A_1693 = arith.constant dense<true> : vector<16xi1>
      %masked_sort3A_1694, %masked_sort3A_1695, %masked_sort3A_1696 = tpu.sort %get3A_1275, %get3A_1275 masked %masked_sort3A_1693 {descending = true} : (vector<16xf32>, vector<16xf32>, vector<16xi1>) -> (vector<16xi1>, vector<16xf32>, vector<16xf32>)
      %max3A_1697 = arith.maximumf %masked_sort3A_1691, %masked_sort3A_1695 : vector<16xf32>
      %masked_sort3A_1698 = arith.constant dense<true> : vector<16xi1>
      %masked_sort3A_1699, %masked_sort3A_1700, %masked_sort3A_1701 = tpu.sort %max3A_1697, %max3A_1697 masked %masked_sort3A_1698 : (vector<16xf32>, vector<16xf32>, vector<16xi1>) -> (vector<16xi1>, vector<16xf32>, vector<16xf32>)
      %masked_sort3A_1702 = arith.constant dense<true> : vector<16xi1>
      %masked_sort3A_1703, %masked_sort3A_1704, %masked_sort3A_1705 = tpu.sort %get3A_1279, %get3A_1279 masked %masked_sort3A_1702 : (vector<16xf32>, vector<16xf32>, vector<16xi1>) -> (vector<16xi1>, vector<16xf32>, vector<16xf32>)
      %masked_sort3A_1706 = arith.constant dense<true> : vector<16xi1>
      %masked_sort3A_1707, %masked_sort3A_1708, %masked_sort3A_1709 = tpu.sort %get3A_1283, %get3A_1283 masked %masked_sort3A_1706 {descending = true} : (vector<16xf32>, vector<16xf32>, vector<16xi1>) -> (vector<16xi1>, vector<16xf32>, vector<16xf32>)
      %max3A_1710 = arith.maximumf %masked_sort3A_1704, %masked_sort3A_1708 : vector<16xf32>
      %masked_sort3A_1711 = arith.constant dense<true> : vector<16xi1>
      %masked_sort3A_1712, %masked_sort3A_1713, %masked_sort3A_1714 = tpu.sort %max3A_1710, %max3A_1710 masked %masked_sort3A_1711 {descending = true} : (vector<16xf32>, vector<16xf32>, vector<16xi1>) -> (vector<16xi1>, vector<16xf32>, vector<16xf32>)
      %max3A_1715 = arith.maximumf %masked_sort3A_1700, %masked_sort3A_1713 : vector<16xf32>
      %masked_sort3A_1716 = arith.constant dense<true> : vector<16xi1>
      %masked_sort3A_1717, %masked_sort3A_1718, %masked_sort3A_1719 = tpu.sort %max3A_1715, %max3A_1715 masked %masked_sort3A_1716 {descending = true} : (vector<16xf32>, vector<16xf32>, vector<16xi1>) -> (vector<16xi1>, vector<16xf32>, vector<16xf32>)
      %max3A_1720 = arith.maximumf %masked_sort3A_1687, %masked_sort3A_1718 : vector<16xf32>
      %masked_sort3A_1721 = arith.constant dense<true> : vector<16xi1>
      %masked_sort3A_1722, %masked_sort3A_1723, %masked_sort3A_1724 = tpu.sort %max3A_1720, %max3A_1720 masked %masked_sort3A_1721 : (vector<16xf32>, vector<16xf32>, vector<16xi1>) -> (vector<16xi1>, vector<16xf32>, vector<16xf32>)
      %masked_sort3A_1725 = arith.constant dense<true> : vector<16xi1>
      %masked_sort3A_1726, %masked_sort3A_1727, %masked_sort3A_1728 = tpu.sort %get3A_1287, %get3A_1287 masked %masked_sort3A_1725 : (vector<16xf32>, vector<16xf32>, vector<16xi1>) -> (vector<16xi1>, vector<16xf32>, vector<16xf32>)
      %masked_sort3A_1729 = arith.constant dense<true> : vector<16xi1>
      %masked_sort3A_1730, %masked_sort3A_1731, %masked_sort3A_1732 = tpu.sort %get3A_1291, %get3A_1291 masked %masked_sort3A_1729 {descending = true} : (vector<16xf32>, vector<16xf32>, vector<16xi1>) -> (vector<16xi1>, vector<16xf32>, vector<16xf32>)
      %max3A_1733 = arith.maximumf %masked_sort3A_1727, %masked_sort3A_1731 : vector<16xf32>
      %masked_sort3A_1734 = arith.constant dense<true> : vector<16xi1>
      %masked_sort3A_1735, %masked_sort3A_1736, %masked_sort3A_1737 = tpu.sort %max3A_1733, %max3A_1733 masked %masked_sort3A_1734 : (vector<16xf32>, vector<16xf32>, vector<16xi1>) -> (vector<16xi1>, vector<16xf32>, vector<16xf32>)
      %masked_sort3A_1738 = arith.constant dense<true> : vector<16xi1>
      %masked_sort3A_1739, %masked_sort3A_1740, %masked_sort3A_1741 = tpu.sort %get3A_1295, %get3A_1295 masked %masked_sort3A_1738 : (vector<16xf32>, vector<16xf32>, vector<16xi1>) -> (vector<16xi1>, vector<16xf32>, vector<16xf32>)
      %masked_sort3A_1742 = arith.constant dense<true> : vector<16xi1>
      %masked_sort3A_1743, %masked_sort3A_1744, %masked_sort3A_1745 = tpu.sort %get3A_1299, %get3A_1299 masked %masked_sort3A_1742 {descending = true} : (vector<16xf32>, vector<16xf32>, vector<16xi1>) -> (vector<16xi1>, vector<16xf32>, vector<16xf32>)
      %max3A_1746 = arith.maximumf %masked_sort3A_1740, %masked_sort3A_1744 : vector<16xf32>
      %masked_sort3A_1747 = arith.constant dense<true> : vector<16xi1>
      %masked_sort3A_1748, %masked_sort3A_1749, %masked_sort3A_1750 = tpu.sort %max3A_1746, %max3A_1746 masked %masked_sort3A_1747 {descending = true} : (vector<16xf32>, vector<16xf32>, vector<16xi1>) -> (vector<16xi1>, vector<16xf32>, vector<16xf32>)
      %max3A_1751 = arith.maximumf %masked_sort3A_1736, %masked_sort3A_1749 : vector<16xf32>
      %masked_sort3A_1752 = arith.constant dense<true> : vector<16xi1>
      %masked_sort3A_1753, %masked_sort3A_1754, %masked_sort3A_1755 = tpu.sort %max3A_1751, %max3A_1751 masked %masked_sort3A_1752 : (vector<16xf32>, vector<16xf32>, vector<16xi1>) -> (vector<16xi1>, vector<16xf32>, vector<16xf32>)
      %masked_sort3A_1756 = arith.constant dense<true> : vector<16xi1>
      %masked_sort3A_1757, %masked_sort3A_1758, %masked_sort3A_1759 = tpu.sort %get3A_1303, %get3A_1303 masked %masked_sort3A_1756 : (vector<16xf32>, vector<16xf32>, vector<16xi1>) -> (vector<16xi1>, vector<16xf32>, vector<16xf32>)
      %masked_sort3A_1760 = arith.constant dense<true> : vector<16xi1>
      %masked_sort3A_1761, %masked_sort3A_1762, %masked_sort3A_1763 = tpu.sort %get3A_1307, %get3A_1307 masked %masked_sort3A_1760 {descending = true} : (vector<16xf32>, vector<16xf32>, vector<16xi1>) -> (vector<16xi1>, vector<16xf32>, vector<16xf32>)
      %max3A_1764 = arith.maximumf %masked_sort3A_1758, %masked_sort3A_1762 : vector<16xf32>
      %masked_sort3A_1765 = arith.constant dense<true> : vector<16xi1>
      %masked_sort3A_1766, %masked_sort3A_1767, %masked_sort3A_1768 = tpu.sort %max3A_1764, %max3A_1764 masked %masked_sort3A_1765 : (vector<16xf32>, vector<16xf32>, vector<16xi1>) -> (vector<16xi1>, vector<16xf32>, vector<16xf32>)
      %masked_sort3A_1769 = arith.constant dense<true> : vector<16xi1>
      %masked_sort3A_1770, %masked_sort3A_1771, %masked_sort3A_1772 = tpu.sort %get3A_1311, %get3A_1311 masked %masked_sort3A_1769 : (vector<16xf32>, vector<16xf32>, vector<16xi1>) -> (vector<16xi1>, vector<16xf32>, vector<16xf32>)
      %masked_sort3A_1773 = arith.constant dense<true> : vector<16xi1>
      %masked_sort3A_1774, %masked_sort3A_1775, %masked_sort3A_1776 = tpu.sort %get3A_1315, %get3A_1315 masked %masked_sort3A_1773 {descending = true} : (vector<16xf32>, vector<16xf32>, vector<16xi1>) -> (vector<16xi1>, vector<16xf32>, vector<16xf32>)
      %max3A_1777 = arith.maximumf %masked_sort3A_1771, %masked_sort3A_1775 : vector<16xf32>
      %masked_sort3A_1778 = arith.constant dense<true> : vector<16xi1>
      %masked_sort3A_1779, %masked_sort3A_1780, %masked_sort3A_1781 = tpu.sort %max3A_1777, %max3A_1777 masked %masked_sort3A_1778 {descending = true} : (vector<16xf32>, vector<16xf32>, vector<16xi1>) -> (vector<16xi1>, vector<16xf32>, vector<16xf32>)
      %max3A_1782 = arith.maximumf %masked_sort3A_1767, %masked_sort3A_1780 : vector<16xf32>
      %masked_sort3A_1783 = arith.constant dense<true> : vector<16xi1>
      %masked_sort3A_1784, %masked_sort3A_1785, %masked_sort3A_1786 = tpu.sort %max3A_1782, %max3A_1782 masked %masked_sort3A_1783 {descending = true} : (vector<16xf32>, vector<16xf32>, vector<16xi1>) -> (vector<16xi1>, vector<16xf32>, vector<16xf32>)
      %max3A_1787 = arith.maximumf %masked_sort3A_1754, %masked_sort3A_1785 : vector<16xf32>
      %masked_sort3A_1788 = arith.constant dense<true> : vector<16xi1>
      %masked_sort3A_1789, %masked_sort3A_1790, %masked_sort3A_1791 = tpu.sort %max3A_1787, %max3A_1787 masked %masked_sort3A_1788 {descending = true} : (vector<16xf32>, vector<16xf32>, vector<16xi1>) -> (vector<16xi1>, vector<16xf32>, vector<16xf32>)
      %max3A_1792 = arith.maximumf %masked_sort3A_1723, %masked_sort3A_1790 : vector<16xf32>
      %masked_sort3A_1793 = arith.constant dense<true> : vector<16xi1>
      %masked_sort3A_1794, %masked_sort3A_1795, %masked_sort3A_1796 = tpu.sort %max3A_1792, %max3A_1792 masked %masked_sort3A_1793 : (vector<16xf32>, vector<16xf32>, vector<16xi1>) -> (vector<16xi1>, vector<16xf32>, vector<16xf32>)
      %masked_sort3A_1797 = arith.constant dense<true> : vector<16xi1>
      %masked_sort3A_1798, %masked_sort3A_1799, %masked_sort3A_1800 = tpu.sort %get3A_1319, %get3A_1319 masked %masked_sort3A_1797 : (vector<16xf32>, vector<16xf32>, vector<16xi1>) -> (vector<16xi1>, vector<16xf32>, vector<16xf32>)
      %masked_sort3A_1801 = arith.constant dense<true> : vector<16xi1>
      %masked_sort3A_1802, %masked_sort3A_1803, %masked_sort3A_1804 = tpu.sort %get3A_1323, %get3A_1323 masked %masked_sort3A_1801 {descending = true} : (vector<16xf32>, vector<16xf32>, vector<16xi1>) -> (vector<16xi1>, vector<16xf32>, vector<16xf32>)
      %max3A_1805 = arith.maximumf %masked_sort3A_1799, %masked_sort3A_1803 : vector<16xf32>
      %masked_sort3A_1806 = arith.constant dense<true> : vector<16xi1>
      %masked_sort3A_1807, %masked_sort3A_1808, %masked_sort3A_1809 = tpu.sort %max3A_1805, %max3A_1805 masked %masked_sort3A_1806 : (vector<16xf32>, vector<16xf32>, vector<16xi1>) -> (vector<16xi1>, vector<16xf32>, vector<16xf32>)
      %masked_sort3A_1810 = arith.constant dense<true> : vector<16xi1>
      %masked_sort3A_1811, %masked_sort3A_1812, %masked_sort3A_1813 = tpu.sort %get3A_1327, %get3A_1327 masked %masked_sort3A_1810 : (vector<16xf32>, vector<16xf32>, vector<16xi1>) -> (vector<16xi1>, vector<16xf32>, vector<16xf32>)
      %masked_sort3A_1814 = arith.constant dense<true> : vector<16xi1>
      %masked_sort3A_1815, %masked_sort3A_1816, %masked_sort3A_1817 = tpu.sort %get3A_1331, %get3A_1331 masked %masked_sort3A_1814 {descending = true} : (vector<16xf32>, vector<16xf32>, vector<16xi1>) -> (vector<16xi1>, vector<16xf32>, vector<16xf32>)
      %max3A_1818 = arith.maximumf %masked_sort3A_1812, %masked_sort3A_1816 : vector<16xf32>
      %masked_sort3A_1819 = arith.constant dense<true> : vector<16xi1>
      %masked_sort3A_1820, %masked_sort3A_1821, %masked_sort3A_1822 = tpu.sort %max3A_1818, %max3A_1818 masked %masked_sort3A_1819 {descending = true} : (vector<16xf32>, vector<16xf32>, vector<16xi1>) -> (vector<16xi1>, vector<16xf32>, vector<16xf32>)
      %max3A_1823 = arith.maximumf %masked_sort3A_1808, %masked_sort3A_1821 : vector<16xf32>
      %masked_sort3A_1824 = arith.constant dense<true> : vector<16xi1>
      %masked_sort3A_1825, %masked_sort3A_1826, %masked_sort3A_1827 = tpu.sort %max3A_1823, %max3A_1823 masked %masked_sort3A_1824 : (vector<16xf32>, vector<16xf32>, vector<16xi1>) -> (vector<16xi1>, vector<16xf32>, vector<16xf32>)
      %masked_sort3A_1828 = arith.constant dense<true> : vector<16xi1>
      %masked_sort3A_1829, %masked_sort3A_1830, %masked_sort3A_1831 = tpu.sort %get3A_1335, %get3A_1335 masked %masked_sort3A_1828 : (vector<16xf32>, vector<16xf32>, vector<16xi1>) -> (vector<16xi1>, vector<16xf32>, vector<16xf32>)
      %masked_sort3A_1832 = arith.constant dense<true> : vector<16xi1>
      %masked_sort3A_1833, %masked_sort3A_1834, %masked_sort3A_1835 = tpu.sort %get3A_1339, %get3A_1339 masked %masked_sort3A_1832 {descending = true} : (vector<16xf32>, vector<16xf32>, vector<16xi1>) -> (vector<16xi1>, vector<16xf32>, vector<16xf32>)
      %max3A_1836 = arith.maximumf %masked_sort3A_1830, %masked_sort3A_1834 : vector<16xf32>
      %masked_sort3A_1837 = arith.constant dense<true> : vector<16xi1>
      %masked_sort3A_1838, %masked_sort3A_1839, %masked_sort3A_1840 = tpu.sort %max3A_1836, %max3A_1836 masked %masked_sort3A_1837 : (vector<16xf32>, vector<16xf32>, vector<16xi1>) -> (vector<16xi1>, vector<16xf32>, vector<16xf32>)
      %masked_sort3A_1841 = arith.constant dense<true> : vector<16xi1>
      %masked_sort3A_1842, %masked_sort3A_1843, %masked_sort3A_1844 = tpu.sort %get3A_1343, %get3A_1343 masked %masked_sort3A_1841 : (vector<16xf32>, vector<16xf32>, vector<16xi1>) -> (vector<16xi1>, vector<16xf32>, vector<16xf32>)
      %masked_sort3A_1845 = arith.constant dense<true> : vector<16xi1>
      %masked_sort3A_1846, %masked_sort3A_1847, %masked_sort3A_1848 = tpu.sort %get3A_1347, %get3A_1347 masked %masked_sort3A_1845 {descending = true} : (vector<16xf32>, vector<16xf32>, vector<16xi1>) -> (vector<16xi1>, vector<16xf32>, vector<16xf32>)
      %max3A_1849 = arith.maximumf %masked_sort3A_1843, %masked_sort3A_1847 : vector<16xf32>
      %masked_sort3A_1850 = arith.constant dense<true> : vector<16xi1>
      %masked_sort3A_1851, %masked_sort3A_1852, %masked_sort3A_1853 = tpu.sort %max3A_1849, %max3A_1849 masked %masked_sort3A_1850 {descending = true} : (vector<16xf32>, vector<16xf32>, vector<16xi1>) -> (vector<16xi1>, vector<16xf32>, vector<16xf32>)
      %max3A_1854 = arith.maximumf %masked_sort3A_1839, %masked_sort3A_1852 : vector<16xf32>
      %masked_sort3A_1855 = arith.constant dense<true> : vector<16xi1>
      %masked_sort3A_1856, %masked_sort3A_1857, %masked_sort3A_1858 = tpu.sort %max3A_1854, %max3A_1854 masked %masked_sort3A_1855 {descending = true} : (vector<16xf32>, vector<16xf32>, vector<16xi1>) -> (vector<16xi1>, vector<16xf32>, vector<16xf32>)
      %max3A_1859 = arith.maximumf %masked_sort3A_1826, %masked_sort3A_1857 : vector<16xf32>
      %masked_sort3A_1860 = arith.constant dense<true> : vector<16xi1>
      %masked_sort3A_1861, %masked_sort3A_1862, %masked_sort3A_1863 = tpu.sort %max3A_1859, %max3A_1859 masked %masked_sort3A_1860 : (vector<16xf32>, vector<16xf32>, vector<16xi1>) -> (vector<16xi1>, vector<16xf32>, vector<16xf32>)
      %masked_sort3A_1864 = arith.constant dense<true> : vector<16xi1>
      %masked_sort3A_1865, %masked_sort3A_1866, %masked_sort3A_1867 = tpu.sort %get3A_1351, %get3A_1351 masked %masked_sort3A_1864 : (vector<16xf32>, vector<16xf32>, vector<16xi1>) -> (vector<16xi1>, vector<16xf32>, vector<16xf32>)
      %masked_sort3A_1868 = arith.constant dense<true> : vector<16xi1>
      %masked_sort3A_1869, %masked_sort3A_1870, %masked_sort3A_1871 = tpu.sort %get3A_1355, %get3A_1355 masked %masked_sort3A_1868 {descending = true} : (vector<16xf32>, vector<16xf32>, vector<16xi1>) -> (vector<16xi1>, vector<16xf32>, vector<16xf32>)
      %max3A_1872 = arith.maximumf %masked_sort3A_1866, %masked_sort3A_1870 : vector<16xf32>
      %masked_sort3A_1873 = arith.constant dense<true> : vector<16xi1>
      %masked_sort3A_1874, %masked_sort3A_1875, %masked_sort3A_1876 = tpu.sort %max3A_1872, %max3A_1872 masked %masked_sort3A_1873 : (vector<16xf32>, vector<16xf32>, vector<16xi1>) -> (vector<16xi1>, vector<16xf32>, vector<16xf32>)
      %masked_sort3A_1877 = arith.constant dense<true> : vector<16xi1>
      %masked_sort3A_1878, %masked_sort3A_1879, %masked_sort3A_1880 = tpu.sort %get3A_1359, %get3A_1359 masked %masked_sort3A_1877 : (vector<16xf32>, vector<16xf32>, vector<16xi1>) -> (vector<16xi1>, vector<16xf32>, vector<16xf32>)
      %masked_sort3A_1881 = arith.constant dense<true> : vector<16xi1>
      %masked_sort3A_1882, %masked_sort3A_1883, %masked_sort3A_1884 = tpu.sort %get3A_1363, %get3A_1363 masked %masked_sort3A_1881 {descending = true} : (vector<16xf32>, vector<16xf32>, vector<16xi1>) -> (vector<16xi1>, vector<16xf32>, vector<16xf32>)
      %max3A_1885 = arith.maximumf %masked_sort3A_1879, %masked_sort3A_1883 : vector<16xf32>
      %masked_sort3A_1886 = arith.constant dense<true> : vector<16xi1>
      %masked_sort3A_1887, %masked_sort3A_1888, %masked_sort3A_1889 = tpu.sort %max3A_1885, %max3A_1885 masked %masked_sort3A_1886 {descending = true} : (vector<16xf32>, vector<16xf32>, vector<16xi1>) -> (vector<16xi1>, vector<16xf32>, vector<16xf32>)
      %max3A_1890 = arith.maximumf %masked_sort3A_1875, %masked_sort3A_1888 : vector<16xf32>
      %masked_sort3A_1891 = arith.constant dense<true> : vector<16xi1>
      %masked_sort3A_1892, %masked_sort3A_1893, %masked_sort3A_1894 = tpu.sort %max3A_1890, %max3A_1890 masked %masked_sort3A_1891 : (vector<16xf32>, vector<16xf32>, vector<16xi1>) -> (vector<16xi1>, vector<16xf32>, vector<16xf32>)
      %masked_sort3A_1895 = arith.constant dense<true> : vector<16xi1>
      %masked_sort3A_1896, %masked_sort3A_1897, %masked_sort3A_1898 = tpu.sort %get3A_1367, %get3A_1367 masked %masked_sort3A_1895 : (vector<16xf32>, vector<16xf32>, vector<16xi1>) -> (vector<16xi1>, vector<16xf32>, vector<16xf32>)
      %masked_sort3A_1899 = arith.constant dense<true> : vector<16xi1>
      %masked_sort3A_1900, %masked_sort3A_1901, %masked_sort3A_1902 = tpu.sort %get3A_1371, %get3A_1371 masked %masked_sort3A_1899 {descending = true} : (vector<16xf32>, vector<16xf32>, vector<16xi1>) -> (vector<16xi1>, vector<16xf32>, vector<16xf32>)
      %max3A_1903 = arith.maximumf %masked_sort3A_1897, %masked_sort3A_1901 : vector<16xf32>
      %masked_sort3A_1904 = arith.constant dense<true> : vector<16xi1>
      %masked_sort3A_1905, %masked_sort3A_1906, %masked_sort3A_1907 = tpu.sort %max3A_1903, %max3A_1903 masked %masked_sort3A_1904 : (vector<16xf32>, vector<16xf32>, vector<16xi1>) -> (vector<16xi1>, vector<16xf32>, vector<16xf32>)
      %masked_sort3A_1908 = arith.constant dense<true> : vector<16xi1>
      %masked_sort3A_1909, %masked_sort3A_1910, %masked_sort3A_1911 = tpu.sort %get3A_1375, %get3A_1375 masked %masked_sort3A_1908 : (vector<16xf32>, vector<16xf32>, vector<16xi1>) -> (vector<16xi1>, vector<16xf32>, vector<16xf32>)
      %masked_sort3A_1912 = arith.constant dense<true> : vector<16xi1>
      %masked_sort3A_1913, %masked_sort3A_1914, %masked_sort3A_1915 = tpu.sort %select_n3A_1383, %select_n3A_1383 masked %masked_sort3A_1912 {descending = true} : (vector<16xf32>, vector<16xf32>, vector<16xi1>) -> (vector<16xi1>, vector<16xf32>, vector<16xf32>)
      %max3A_1916 = arith.maximumf %masked_sort3A_1910, %masked_sort3A_1914 : vector<16xf32>
      %masked_sort3A_1917 = arith.constant dense<true> : vector<16xi1>
      %masked_sort3A_1918, %masked_sort3A_1919, %masked_sort3A_1920 = tpu.sort %max3A_1916, %max3A_1916 masked %masked_sort3A_1917 {descending = true} : (vector<16xf32>, vector<16xf32>, vector<16xi1>) -> (vector<16xi1>, vector<16xf32>, vector<16xf32>)
      %max3A_1921 = arith.maximumf %masked_sort3A_1906, %masked_sort3A_1919 : vector<16xf32>
      %masked_sort3A_1922 = arith.constant dense<true> : vector<16xi1>
      %masked_sort3A_1923, %masked_sort3A_1924, %masked_sort3A_1925 = tpu.sort %max3A_1921, %max3A_1921 masked %masked_sort3A_1922 {descending = true} : (vector<16xf32>, vector<16xf32>, vector<16xi1>) -> (vector<16xi1>, vector<16xf32>, vector<16xf32>)
      %max3A_1926 = arith.maximumf %masked_sort3A_1893, %masked_sort3A_1924 : vector<16xf32>
      %masked_sort3A_1927 = arith.constant dense<true> : vector<16xi1>
      %masked_sort3A_1928, %masked_sort3A_1929, %masked_sort3A_1930 = tpu.sort %max3A_1926, %max3A_1926 masked %masked_sort3A_1927 {descending = true} : (vector<16xf32>, vector<16xf32>, vector<16xi1>) -> (vector<16xi1>, vector<16xf32>, vector<16xf32>)
      %max3A_1931 = arith.maximumf %masked_sort3A_1862, %masked_sort3A_1929 : vector<16xf32>
      %masked_sort3A_1932 = arith.constant dense<true> : vector<16xi1>
      %masked_sort3A_1933, %masked_sort3A_1934, %masked_sort3A_1935 = tpu.sort %max3A_1931, %max3A_1931 masked %masked_sort3A_1932 {descending = true} : (vector<16xf32>, vector<16xf32>, vector<16xi1>) -> (vector<16xi1>, vector<16xf32>, vector<16xf32>)
      %max3A_1936 = arith.maximumf %masked_sort3A_1795, %masked_sort3A_1934 : vector<16xf32>
      %masked_sort3A_1937 = arith.constant dense<true> : vector<16xi1>
      %masked_sort3A_1938, %masked_sort3A_1939, %masked_sort3A_1940 = tpu.sort %max3A_1936, %max3A_1936 masked %masked_sort3A_1937 {descending = true} : (vector<16xf32>, vector<16xf32>, vector<16xi1>) -> (vector<16xi1>, vector<16xf32>, vector<16xf32>)
      %max3A_1941 = arith.maximumf %masked_sort3A_1656, %masked_sort3A_1939 : vector<16xf32>
      %masked_sort3A_1942 = arith.constant dense<true> : vector<16xi1>
      %masked_sort3A_1943, %masked_sort3A_1944, %masked_sort3A_1945 = tpu.sort %max3A_1941, %max3A_1941 masked %masked_sort3A_1942 {descending = true} : (vector<16xf32>, vector<16xf32>, vector<16xi1>) -> (vector<16xi1>, vector<16xf32>, vector<16xf32>)
      %mul3A_1946 = arith.constant 16 : i32
      %mul3A_1947 = arith.muli %add3A_1125, %mul3A_1946 : i32
      %swap3A_1948 = arith.index_cast %mul3A_1947 : i32 to index
      %swap3A_1949 = tpu.vector_load %arg6[%swap3A_1948] {strides = array<i32>} : memref<256xf32, #tpu.memory_space<vmem>>, vector<16xf32>,
      tpu.vector_store %arg6[%swap3A_1948], %masked_sort3A_1944 {strides = array<i32>} : memref<256xf32, #tpu.memory_space<vmem>>, vector<16xf32>,
    }
    %scan3A_294 = arith.constant 8 : i32
    %add3A_295 = arith.constant 0 : i32
    %add3A_296 = arith.addi %mul3A_2, %add3A_295 : i32
    %mul3A_297 = arith.constant 16 : i32
    %mul3A_298 = arith.muli %add3A_296, %mul3A_297 : i32
    "tpu.region"() ({
      %run_scoped3A = tpu.sem_alloc : memref<!tpu.dma_semaphore, #tpu.memory_space<semaphore_mem>>
      %dma_start3A_299 = tpu.memref_slice %arg3[%mul3A_298] : memref<8192xf32, #tpu.memory_space<hbm>> -> memref<256xf32, #tpu.memory_space<hbm>>
      %dma_start3A_300 = tpu.memref_slice %arg3[%mul3A_298] : memref<8192xf32, #tpu.memory_space<hbm>> -> memref<256xf32, #tpu.memory_space<hbm>>
      tpu.enqueue_dma source(%arg6 : memref<256xf32, #tpu.memory_space<vmem>>) target(%dma_start3A_300 : memref<256xf32, #tpu.memory_space<hbm>>) target_semaphore(%run_scoped3A : memref<!tpu.dma_semaphore, #tpu.memory_space<semaphore_mem>>)
      %dma_wait3A_301 = tpu.memref_slice %arg3[%mul3A_298] : memref<8192xf32, #tpu.memory_space<hbm>> -> memref<256xf32, #tpu.memory_space<hbm>>
      %dma_wait3A_302 = tpu.memref_slice %arg3[%mul3A_298] : memref<8192xf32, #tpu.memory_space<hbm>> -> memref<256xf32, #tpu.memory_space<hbm>>
      tpu.wait_dma2 semaphore(%run_scoped3A : memref<!tpu.dma_semaphore, #tpu.memory_space<semaphore_mem>>) src(%arg6 : memref<256xf32, #tpu.memory_space<vmem>>) dst(%dma_wait3A_302 : memref<256xf32, #tpu.memory_space<hbm>>)
      tpu.yield
    }) : () -> ()
    return
  }
}

module attributes {stable_mosaic.version = 14 : i64} {
  func.func @_tc_body(%arg0: i32, %arg1: memref<256x1xf32, #tpu.memory_space<vmem>>, %arg2: memref<1000x4096xf32, #tpu.memory_space<any>>, %arg3: memref<1x1xf32, #tpu.memory_space<smem>>, %arg4: memref<2x1000x256xf32, #tpu.memory_space<vmem>>, %arg5: memref<2x!tpu.dma_semaphore, #tpu.memory_space<semaphore_mem>>) attributes {dimension_semantics = [#tpu.dimension_semantics<arbitrary>], iteration_bounds = array<i64: 14>, scalar_prefetch = 0 : i64, scratch_operands = 2 : i64, tpu.core_type = #tpu.core_type<tc>, window_params = [{transform_indices = @transform_0, window_bounds = array<i64: 256, 1>}, {}, {transform_indices = @transform_2, window_bounds = array<i64: 1, 1>}]} {
    %eq3A = arith.constant 0 : i32
    %eq3A_0 = arith.cmpi eq, %arg0, %eq3A : i32
    %convert_element_type3A = arith.extui %eq3A_0 : i1 to i32
    %cond3A = arith.constant 0 : i32
    %cond3A_1 = arith.cmpi ne, %convert_element_type3A, %cond3A : i32
    scf.if %cond3A_1 {
      %dma_start3A = arith.constant 0 : i32
      %dma_start3A_492 = arith.constant 0 : i32
      %dma_start3A_493 = tpu.memref_slice %arg5[%dma_start3A_492] : memref<2x!tpu.dma_semaphore, #tpu.memory_space<semaphore_mem>> -> memref<1x!tpu.dma_semaphore, #tpu.memory_space<semaphore_mem>>
      %dma_start3A_494 = tpu.memref_squeeze %dma_start3A_493 : memref<1x!tpu.dma_semaphore, #tpu.memory_space<semaphore_mem>> -> memref<!tpu.dma_semaphore, #tpu.memory_space<semaphore_mem>>
      %dma_start3A_495 = arith.constant 0 : i32
      %dma_start3A_496 = arith.constant 0 : i32
      %dma_start3A_497 = tpu.memref_slice %arg4[%dma_start3A, %dma_start3A_495, %dma_start3A_496] : memref<2x1000x256xf32, #tpu.memory_space<vmem>> -> memref<1x1000x256xf32, #tpu.memory_space<vmem>>
      %dma_start3A_498 = tpu.memref_squeeze %dma_start3A_497 : memref<1x1000x256xf32, #tpu.memory_space<vmem>> -> memref<1000x256xf32, #tpu.memory_space<vmem>>
      %dma_start3A_499 = arith.constant 0 : i32
      %dma_start3A_500 = arith.constant 512 : i32
      %dma_start3A_501 = tpu.memref_slice %arg2[%dma_start3A_499, %dma_start3A_500] : memref<1000x4096xf32, #tpu.memory_space<any>> -> memref<1000x256xf32, #tpu.memory_space<any>>
      tpu.enqueue_dma source(%dma_start3A_501 : memref<1000x256xf32, #tpu.memory_space<any>>) target(%dma_start3A_498 : memref<1000x256xf32, #tpu.memory_space<vmem>>) target_semaphore(%dma_start3A_494 : memref<!tpu.dma_semaphore, #tpu.memory_space<semaphore_mem>>)
    } else {
    }
    %add3A = arith.constant 1 : i32
    %add3A_2 = arith.addi %arg0, %add3A : i32
    %lt3A = arith.constant 14 : i32
    %lt3A_3 = arith.cmpi slt, %add3A_2, %lt3A : i32
    %convert_element_type3A_4 = arith.extui %lt3A_3 : i1 to i32
    %cond3A_5 = arith.constant 0 : i32
    %cond3A_6 = arith.cmpi ne, %convert_element_type3A_4, %cond3A_5 : i32
    scf.if %cond3A_6 {
      %add3A_492 = arith.constant 1 : i32
      %add3A_493 = arith.addi %arg0, %add3A_492 : i32
      %add3A_494 = arith.constant 1 : i32
      %add3A_495 = arith.addi %arg0, %add3A_494 : i32
      %jit3A_496 = arith.constant 2 : i32
      %eq3A_497 = arith.constant 0 : i32
      %eq3A_498 = arith.cmpi eq, %jit3A_496, %eq3A_497 : i32
      %jit3A_499 = arith.constant 1 : i32
      %select_n3A_500 = arith.select %eq3A_498, %jit3A_499, %jit3A_496 : i32
      %rem3A_501 = arith.remsi %add3A_495, %select_n3A_500 : i32
      %ne3A_502 = arith.constant 0 : i32
      %ne3A_503 = arith.cmpi ne, %rem3A_501, %ne3A_502 : i32
      %lt3A_504 = arith.constant 0 : i32
      %lt3A_505 = arith.cmpi slt, %rem3A_501, %lt3A_504 : i32
      %lt3A_506 = arith.constant 0 : i32
      %lt3A_507 = arith.cmpi slt, %select_n3A_500, %lt3A_506 : i32
      %ne3A_508 = arith.xori %lt3A_505, %lt3A_507 : i1
      %and3A_509 = arith.andi %ne3A_508, %ne3A_503 : i1
      %add3A_510 = arith.addi %rem3A_501, %select_n3A_500 : i32
      %select_n3A_511 = arith.select %and3A_509, %add3A_510, %rem3A_501 : i32
      %add3A_512 = arith.constant 2 : i32
      %add3A_513 = arith.addi %add3A_493, %add3A_512 : i32
      %mul3A_514 = arith.constant 256 : i32
      %mul3A_515 = arith.muli %add3A_513, %mul3A_514 : i32
      %dma_start3A = tpu.memref_slice %arg5[%select_n3A_511] : memref<2x!tpu.dma_semaphore, #tpu.memory_space<semaphore_mem>> -> memref<1x!tpu.dma_semaphore, #tpu.memory_space<semaphore_mem>>
      %dma_start3A_516 = tpu.memref_squeeze %dma_start3A : memref<1x!tpu.dma_semaphore, #tpu.memory_space<semaphore_mem>> -> memref<!tpu.dma_semaphore, #tpu.memory_space<semaphore_mem>>
      %dma_start3A_517 = arith.constant 0 : i32
      %dma_start3A_518 = arith.constant 0 : i32
      %dma_start3A_519 = tpu.memref_slice %arg4[%select_n3A_511, %dma_start3A_517, %dma_start3A_518] : memref<2x1000x256xf32, #tpu.memory_space<vmem>> -> memref<1x1000x256xf32, #tpu.memory_space<vmem>>
      %dma_start3A_520 = tpu.memref_squeeze %dma_start3A_519 : memref<1x1000x256xf32, #tpu.memory_space<vmem>> -> memref<1000x256xf32, #tpu.memory_space<vmem>>
      %dma_start3A_521 = arith.constant 0 : i32
      %dma_start3A_522 = tpu.memref_slice %arg2[%dma_start3A_521, %mul3A_515] : memref<1000x4096xf32, #tpu.memory_space<any>> -> memref<1000x256xf32, #tpu.memory_space<any>>
      tpu.enqueue_dma source(%dma_start3A_522 : memref<1000x256xf32, #tpu.memory_space<any>>) target(%dma_start3A_520 : memref<1000x256xf32, #tpu.memory_space<vmem>>) target_semaphore(%dma_start3A_516 : memref<!tpu.dma_semaphore, #tpu.memory_space<semaphore_mem>>)
    } else {
    }
    %jit3A = arith.constant 2 : i32
    %eq3A_7 = arith.constant 0 : i32
    %eq3A_8 = arith.cmpi eq, %jit3A, %eq3A_7 : i32
    %jit3A_9 = arith.constant 1 : i32
    %select_n3A = arith.select %eq3A_8, %jit3A_9, %jit3A : i32
    %rem3A = arith.remsi %arg0, %select_n3A : i32
    %ne3A = arith.constant 0 : i32
    %ne3A_10 = arith.cmpi ne, %rem3A, %ne3A : i32
    %lt3A_11 = arith.constant 0 : i32
    %lt3A_12 = arith.cmpi slt, %rem3A, %lt3A_11 : i32
    %lt3A_13 = arith.constant 0 : i32
    %lt3A_14 = arith.cmpi slt, %select_n3A, %lt3A_13 : i32
    %ne3A_15 = arith.xori %lt3A_12, %lt3A_14 : i1
    %and3A = arith.andi %ne3A_15, %ne3A_10 : i1
    %add3A_16 = arith.addi %rem3A, %select_n3A : i32
    %select_n3A_17 = arith.select %and3A, %add3A_16, %rem3A : i32
    %add3A_18 = arith.constant 2 : i32
    %add3A_19 = arith.addi %arg0, %add3A_18 : i32
    %mul3A = arith.constant 256 : i32
    %mul3A_20 = arith.muli %add3A_19, %mul3A : i32
    %dma_wait3A = tpu.memref_slice %arg5[%select_n3A_17] : memref<2x!tpu.dma_semaphore, #tpu.memory_space<semaphore_mem>> -> memref<1x!tpu.dma_semaphore, #tpu.memory_space<semaphore_mem>>
    %dma_wait3A_21 = tpu.memref_squeeze %dma_wait3A : memref<1x!tpu.dma_semaphore, #tpu.memory_space<semaphore_mem>> -> memref<!tpu.dma_semaphore, #tpu.memory_space<semaphore_mem>>
    %dma_wait3A_22 = arith.constant 0 : i32
    %dma_wait3A_23 = arith.constant 0 : i32
    %dma_wait3A_24 = tpu.memref_slice %arg4[%select_n3A_17, %dma_wait3A_22, %dma_wait3A_23] : memref<2x1000x256xf32, #tpu.memory_space<vmem>> -> memref<1x1000x256xf32, #tpu.memory_space<vmem>>
    %dma_wait3A_25 = tpu.memref_squeeze %dma_wait3A_24 : memref<1x1000x256xf32, #tpu.memory_space<vmem>> -> memref<1000x256xf32, #tpu.memory_space<vmem>>
    %dma_wait3A_26 = arith.constant 0 : i32
    %dma_wait3A_27 = tpu.memref_slice %arg2[%dma_wait3A_26, %mul3A_20] : memref<1000x4096xf32, #tpu.memory_space<any>> -> memref<1000x256xf32, #tpu.memory_space<any>>
    tpu.wait_dma2 semaphore(%dma_wait3A_21 : memref<!tpu.dma_semaphore, #tpu.memory_space<semaphore_mem>>) src(%dma_wait3A_27 : memref<1000x256xf32, #tpu.memory_space<any>>) dst(%dma_wait3A_25 : memref<1000x256xf32, #tpu.memory_space<vmem>>)
    %get3A = arith.index_cast %select_n3A_17 : i32 to index
    %get3A_28 = arith.constant 0 : index
    %get3A_29 = arith.constant 0 : index
    %get3A_30 = vector.load %arg4[%get3A, %get3A_28, %get3A_29] : memref<2x1000x256xf32, #tpu.memory_space<vmem>>, vector<1x1000x256xf32>
    %get3A_31 = vector.shape_cast %get3A_30 : vector<1x1000x256xf32> to vector<1000x256xf32>
    %transpose3A = tpu.transpose %get3A_31, [1, 0] : vector<1000x256xf32> -> vector<256x1000xf32>
    %broadcast_in_dim3A = arith.constant -3.40282347E+38 : f32
    %broadcast_in_dim3A_32 = vector.broadcast %broadcast_in_dim3A : f32 to vector<256x24xf32>
    %concatenate3A = tpu.concatenate %transpose3A, %broadcast_in_dim3A_32 in 1 : vector<256x1000xf32>, vector<256x24xf32> -> vector<256x1024xf32>
    %get3A_33 = arith.constant 0 : index
    %get3A_34 = arith.constant 0 : index
    %get3A_35 = vector.load %arg1[%get3A_33, %get3A_34] : memref<256x1xf32, #tpu.memory_space<vmem>>, vector<256x1xf32>
    %iota3A = tpu.iota {dimensions = array<i32: 1>} : vector<256x128xi32>
    %slice3A = vector.extract_strided_slice %concatenate3A {offsets = [0, 0], sizes = [256, 128], strides = [1, 1]} : vector<256x1024xf32> to vector<256x128xf32>
    %slice3A_36 = vector.extract_strided_slice %concatenate3A {offsets = [0, 128], sizes = [256, 128], strides = [1, 1]} : vector<256x1024xf32> to vector<256x128xf32>
    %slice3A_37 = vector.extract_strided_slice %concatenate3A {offsets = [0, 256], sizes = [256, 128], strides = [1, 1]} : vector<256x1024xf32> to vector<256x128xf32>
    %slice3A_38 = vector.extract_strided_slice %concatenate3A {offsets = [0, 384], sizes = [256, 128], strides = [1, 1]} : vector<256x1024xf32> to vector<256x128xf32>
    %slice3A_39 = vector.extract_strided_slice %concatenate3A {offsets = [0, 512], sizes = [256, 128], strides = [1, 1]} : vector<256x1024xf32> to vector<256x128xf32>
    %slice3A_40 = vector.extract_strided_slice %concatenate3A {offsets = [0, 640], sizes = [256, 128], strides = [1, 1]} : vector<256x1024xf32> to vector<256x128xf32>
    %slice3A_41 = vector.extract_strided_slice %concatenate3A {offsets = [0, 768], sizes = [256, 128], strides = [1, 1]} : vector<256x1024xf32> to vector<256x128xf32>
    %slice3A_42 = vector.extract_strided_slice %concatenate3A {offsets = [0, 896], sizes = [256, 128], strides = [1, 1]} : vector<256x1024xf32> to vector<256x128xf32>
    %bitcast_convert_type3A = tpu.bitcast %slice3A : vector<256x128xf32> -> vector<256x128xi32>
    %not3A = arith.constant 1023 : i32
    %not3A_43 = arith.constant -1 : i32
    %not3A_44 = arith.xori %not3A, %not3A_43 : i32
    %and3A_45 = vector.broadcast %not3A_44 : i32 to vector<256x128xi32>
    %and3A_46 = arith.andi %bitcast_convert_type3A, %and3A_45 : vector<256x128xi32>
    %sub3A = arith.constant 1023 : i32
    %sub3A_47 = vector.broadcast %sub3A : i32 to vector<256x128xi32>
    %sub3A_48 = arith.subi %sub3A_47, %iota3A : vector<256x128xi32>
    %or3A = arith.ori %and3A_46, %sub3A_48 : vector<256x128xi32>
    %bitcast_convert_type3A_49 = tpu.bitcast %or3A : vector<256x128xi32> -> vector<256x128xf32>
    %bitcast_convert_type3A_50 = tpu.bitcast %slice3A_36 : vector<256x128xf32> -> vector<256x128xi32>
    %not3A_51 = arith.constant 1023 : i32
    %not3A_52 = arith.constant -1 : i32
    %not3A_53 = arith.xori %not3A_51, %not3A_52 : i32
    %and3A_54 = vector.broadcast %not3A_53 : i32 to vector<256x128xi32>
    %and3A_55 = arith.andi %bitcast_convert_type3A_50, %and3A_54 : vector<256x128xi32>
    %sub3A_56 = arith.constant 895 : i32
    %sub3A_57 = vector.broadcast %sub3A_56 : i32 to vector<256x128xi32>
    %sub3A_58 = arith.subi %sub3A_57, %iota3A : vector<256x128xi32>
    %or3A_59 = arith.ori %and3A_55, %sub3A_58 : vector<256x128xi32>
    %bitcast_convert_type3A_60 = tpu.bitcast %or3A_59 : vector<256x128xi32> -> vector<256x128xf32>
    %bitcast_convert_type3A_61 = tpu.bitcast %slice3A_37 : vector<256x128xf32> -> vector<256x128xi32>
    %not3A_62 = arith.constant 1023 : i32
    %not3A_63 = arith.constant -1 : i32
    %not3A_64 = arith.xori %not3A_62, %not3A_63 : i32
    %and3A_65 = vector.broadcast %not3A_64 : i32 to vector<256x128xi32>
    %and3A_66 = arith.andi %bitcast_convert_type3A_61, %and3A_65 : vector<256x128xi32>
    %sub3A_67 = arith.constant 767 : i32
    %sub3A_68 = vector.broadcast %sub3A_67 : i32 to vector<256x128xi32>
    %sub3A_69 = arith.subi %sub3A_68, %iota3A : vector<256x128xi32>
    %or3A_70 = arith.ori %and3A_66, %sub3A_69 : vector<256x128xi32>
    %bitcast_convert_type3A_71 = tpu.bitcast %or3A_70 : vector<256x128xi32> -> vector<256x128xf32>
    %bitcast_convert_type3A_72 = tpu.bitcast %slice3A_38 : vector<256x128xf32> -> vector<256x128xi32>
    %not3A_73 = arith.constant 1023 : i32
    %not3A_74 = arith.constant -1 : i32
    %not3A_75 = arith.xori %not3A_73, %not3A_74 : i32
    %and3A_76 = vector.broadcast %not3A_75 : i32 to vector<256x128xi32>
    %and3A_77 = arith.andi %bitcast_convert_type3A_72, %and3A_76 : vector<256x128xi32>
    %sub3A_78 = arith.constant 639 : i32
    %sub3A_79 = vector.broadcast %sub3A_78 : i32 to vector<256x128xi32>
    %sub3A_80 = arith.subi %sub3A_79, %iota3A : vector<256x128xi32>
    %or3A_81 = arith.ori %and3A_77, %sub3A_80 : vector<256x128xi32>
    %bitcast_convert_type3A_82 = tpu.bitcast %or3A_81 : vector<256x128xi32> -> vector<256x128xf32>
    %bitcast_convert_type3A_83 = tpu.bitcast %slice3A_39 : vector<256x128xf32> -> vector<256x128xi32>
    %not3A_84 = arith.constant 1023 : i32
    %not3A_85 = arith.constant -1 : i32
    %not3A_86 = arith.xori %not3A_84, %not3A_85 : i32
    %and3A_87 = vector.broadcast %not3A_86 : i32 to vector<256x128xi32>
    %and3A_88 = arith.andi %bitcast_convert_type3A_83, %and3A_87 : vector<256x128xi32>
    %sub3A_89 = arith.constant 511 : i32
    %sub3A_90 = vector.broadcast %sub3A_89 : i32 to vector<256x128xi32>
    %sub3A_91 = arith.subi %sub3A_90, %iota3A : vector<256x128xi32>
    %or3A_92 = arith.ori %and3A_88, %sub3A_91 : vector<256x128xi32>
    %bitcast_convert_type3A_93 = tpu.bitcast %or3A_92 : vector<256x128xi32> -> vector<256x128xf32>
    %bitcast_convert_type3A_94 = tpu.bitcast %slice3A_40 : vector<256x128xf32> -> vector<256x128xi32>
    %not3A_95 = arith.constant 1023 : i32
    %not3A_96 = arith.constant -1 : i32
    %not3A_97 = arith.xori %not3A_95, %not3A_96 : i32
    %and3A_98 = vector.broadcast %not3A_97 : i32 to vector<256x128xi32>
    %and3A_99 = arith.andi %bitcast_convert_type3A_94, %and3A_98 : vector<256x128xi32>
    %sub3A_100 = arith.constant 383 : i32
    %sub3A_101 = vector.broadcast %sub3A_100 : i32 to vector<256x128xi32>
    %sub3A_102 = arith.subi %sub3A_101, %iota3A : vector<256x128xi32>
    %or3A_103 = arith.ori %and3A_99, %sub3A_102 : vector<256x128xi32>
    %bitcast_convert_type3A_104 = tpu.bitcast %or3A_103 : vector<256x128xi32> -> vector<256x128xf32>
    %bitcast_convert_type3A_105 = tpu.bitcast %slice3A_41 : vector<256x128xf32> -> vector<256x128xi32>
    %not3A_106 = arith.constant 1023 : i32
    %not3A_107 = arith.constant -1 : i32
    %not3A_108 = arith.xori %not3A_106, %not3A_107 : i32
    %and3A_109 = vector.broadcast %not3A_108 : i32 to vector<256x128xi32>
    %and3A_110 = arith.andi %bitcast_convert_type3A_105, %and3A_109 : vector<256x128xi32>
    %sub3A_111 = arith.constant 255 : i32
    %sub3A_112 = vector.broadcast %sub3A_111 : i32 to vector<256x128xi32>
    %sub3A_113 = arith.subi %sub3A_112, %iota3A : vector<256x128xi32>
    %or3A_114 = arith.ori %and3A_110, %sub3A_113 : vector<256x128xi32>
    %bitcast_convert_type3A_115 = tpu.bitcast %or3A_114 : vector<256x128xi32> -> vector<256x128xf32>
    %bitcast_convert_type3A_116 = tpu.bitcast %slice3A_42 : vector<256x128xf32> -> vector<256x128xi32>
    %not3A_117 = arith.constant 1023 : i32
    %not3A_118 = arith.constant -1 : i32
    %not3A_119 = arith.xori %not3A_117, %not3A_118 : i32
    %and3A_120 = vector.broadcast %not3A_119 : i32 to vector<256x128xi32>
    %and3A_121 = arith.andi %bitcast_convert_type3A_116, %and3A_120 : vector<256x128xi32>
    %sub3A_122 = arith.constant 127 : i32
    %sub3A_123 = vector.broadcast %sub3A_122 : i32 to vector<256x128xi32>
    %sub3A_124 = arith.subi %sub3A_123, %iota3A : vector<256x128xi32>
    %or3A_125 = arith.ori %and3A_121, %sub3A_124 : vector<256x128xi32>
    %bitcast_convert_type3A_126 = tpu.bitcast %or3A_125 : vector<256x128xi32> -> vector<256x128xf32>
    %max3A = arith.maximumf %bitcast_convert_type3A_49, %bitcast_convert_type3A_60 : vector<256x128xf32>
    %min3A = arith.minimumf %bitcast_convert_type3A_49, %bitcast_convert_type3A_60 : vector<256x128xf32>
    %max3A_127 = arith.maximumf %bitcast_convert_type3A_71, %bitcast_convert_type3A_82 : vector<256x128xf32>
    %min3A_128 = arith.minimumf %bitcast_convert_type3A_71, %bitcast_convert_type3A_82 : vector<256x128xf32>
    %max3A_129 = arith.maximumf %bitcast_convert_type3A_93, %bitcast_convert_type3A_104 : vector<256x128xf32>
    %min3A_130 = arith.minimumf %bitcast_convert_type3A_93, %bitcast_convert_type3A_104 : vector<256x128xf32>
    %max3A_131 = arith.maximumf %bitcast_convert_type3A_115, %bitcast_convert_type3A_126 : vector<256x128xf32>
    %min3A_132 = arith.minimumf %bitcast_convert_type3A_115, %bitcast_convert_type3A_126 : vector<256x128xf32>
    %max3A_133 = arith.maximumf %max3A, %max3A_127 : vector<256x128xf32>
    %min3A_134 = arith.minimumf %max3A, %max3A_127 : vector<256x128xf32>
    %max3A_135 = arith.maximumf %min3A, %min3A_128 : vector<256x128xf32>
    %min3A_136 = arith.minimumf %min3A, %min3A_128 : vector<256x128xf32>
    %max3A_137 = arith.maximumf %max3A_129, %max3A_131 : vector<256x128xf32>
    %min3A_138 = arith.minimumf %max3A_129, %max3A_131 : vector<256x128xf32>
    %max3A_139 = arith.maximumf %min3A_130, %min3A_132 : vector<256x128xf32>
    %min3A_140 = arith.minimumf %min3A_130, %min3A_132 : vector<256x128xf32>
    %max3A_141 = arith.maximumf %max3A_135, %min3A_134 : vector<256x128xf32>
    %min3A_142 = arith.minimumf %max3A_135, %min3A_134 : vector<256x128xf32>
    %max3A_143 = arith.maximumf %max3A_139, %min3A_138 : vector<256x128xf32>
    %min3A_144 = arith.minimumf %max3A_139, %min3A_138 : vector<256x128xf32>
    %max3A_145 = arith.maximumf %max3A_133, %max3A_137 : vector<256x128xf32>
    %min3A_146 = arith.minimumf %max3A_133, %max3A_137 : vector<256x128xf32>
    %max3A_147 = arith.maximumf %max3A_141, %max3A_143 : vector<256x128xf32>
    %min3A_148 = arith.minimumf %max3A_141, %max3A_143 : vector<256x128xf32>
    %max3A_149 = arith.maximumf %min3A_142, %min3A_144 : vector<256x128xf32>
    %min3A_150 = arith.minimumf %min3A_142, %min3A_144 : vector<256x128xf32>
    %max3A_151 = arith.maximumf %min3A_136, %min3A_140 : vector<256x128xf32>
    %min3A_152 = arith.minimumf %min3A_136, %min3A_140 : vector<256x128xf32>
    %max3A_153 = arith.maximumf %max3A_149, %min3A_146 : vector<256x128xf32>
    %min3A_154 = arith.minimumf %max3A_149, %min3A_146 : vector<256x128xf32>
    %max3A_155 = arith.maximumf %max3A_151, %min3A_148 : vector<256x128xf32>
    %min3A_156 = arith.minimumf %max3A_151, %min3A_148 : vector<256x128xf32>
    %max3A_157 = arith.maximumf %max3A_147, %max3A_153 : vector<256x128xf32>
    %min3A_158 = arith.minimumf %max3A_147, %max3A_153 : vector<256x128xf32>
    %max3A_159 = arith.maximumf %max3A_155, %min3A_154 : vector<256x128xf32>
    %min3A_160 = arith.minimumf %max3A_155, %min3A_154 : vector<256x128xf32>
    %max3A_161 = arith.maximumf %min3A_156, %min3A_150 : vector<256x128xf32>
    %min3A_162 = arith.minimumf %min3A_156, %min3A_150 : vector<256x128xf32>
    %broadcast_in_dim3A_163 = arith.constant -3.40282347E+38 : f32
    %broadcast_in_dim3A_164 = vector.broadcast %broadcast_in_dim3A_163 : f32 to vector<256x128xf32>
    %reduce_max3A = arith.constant dense<0xFF800000> : vector<256xf32>
    %reduce_max3A_165 = vector.multi_reduction <maximumf>, %max3A_145, %reduce_max3A [1] : vector<256x128xf32> to vector<256xf32>
    %broadcast_in_dim3A_166 = vector.shape_cast %reduce_max3A_165 : vector<256xf32> to vector<256x1xf32>
    %eq3A_167 = vector.broadcast %broadcast_in_dim3A_166 : vector<256x1xf32> to vector<256x128xf32>
    %eq3A_168 = arith.cmpf oeq, %max3A_145, %eq3A_167 : vector<256x128xf32>
    %select_n3A_169 = arith.select %eq3A_168, %max3A_157, %max3A_145 : vector<256x128xi1>, vector<256x128xf32>
    %select_n3A_170 = arith.select %eq3A_168, %min3A_158, %max3A_157 : vector<256x128xi1>, vector<256x128xf32>
    %select_n3A_171 = arith.select %eq3A_168, %max3A_159, %min3A_158 : vector<256x128xi1>, vector<256x128xf32>
    %select_n3A_172 = arith.select %eq3A_168, %min3A_160, %max3A_159 : vector<256x128xi1>, vector<256x128xf32>
    %select_n3A_173 = arith.select %eq3A_168, %max3A_161, %min3A_160 : vector<256x128xi1>, vector<256x128xf32>
    %select_n3A_174 = arith.select %eq3A_168, %min3A_162, %max3A_161 : vector<256x128xi1>, vector<256x128xf32>
    %select_n3A_175 = arith.select %eq3A_168, %min3A_152, %min3A_162 : vector<256x128xi1>, vector<256x128xf32>
    %jit3A_176 = arith.constant -3.40282347E+38 : f32
    %broadcast_in_dim3A_177 = vector.broadcast %jit3A_176 : f32 to vector<256x128xf32>
    %select_n3A_178 = arith.select %eq3A_168, %broadcast_in_dim3A_177, %min3A_152 : vector<256x128xi1>, vector<256x128xf32>
    %eq3A_179 = arith.constant 0 : i32
    %eq3A_180 = vector.broadcast %eq3A_179 : i32 to vector<256x128xi32>
    %eq3A_181 = arith.cmpi eq, %iota3A, %eq3A_180 : vector<256x128xi32>
    %broadcast_in_dim3A_182 = vector.shape_cast %broadcast_in_dim3A_166 : vector<256x1xf32> to vector<256x1xf32>
    %broadcast_in_dim3A_183 = vector.broadcast %broadcast_in_dim3A_182 : vector<256x1xf32> to vector<256x128xf32>
    %select_n3A_184 = arith.select %eq3A_181, %broadcast_in_dim3A_183, %broadcast_in_dim3A_164 : vector<256x128xi1>, vector<256x128xf32>
    %reduce_max3A_185 = arith.constant dense<0xFF800000> : vector<256xf32>
    %reduce_max3A_186 = vector.multi_reduction <maximumf>, %select_n3A_169, %reduce_max3A_185 [1] : vector<256x128xf32> to vector<256xf32>
    %broadcast_in_dim3A_187 = vector.shape_cast %reduce_max3A_186 : vector<256xf32> to vector<256x1xf32>
    %eq3A_188 = vector.broadcast %broadcast_in_dim3A_187 : vector<256x1xf32> to vector<256x128xf32>
    %eq3A_189 = arith.cmpf oeq, %select_n3A_169, %eq3A_188 : vector<256x128xf32>
    %select_n3A_190 = arith.select %eq3A_189, %select_n3A_170, %select_n3A_169 : vector<256x128xi1>, vector<256x128xf32>
    %select_n3A_191 = arith.select %eq3A_189, %select_n3A_171, %select_n3A_170 : vector<256x128xi1>, vector<256x128xf32>
    %select_n3A_192 = arith.select %eq3A_189, %select_n3A_172, %select_n3A_171 : vector<256x128xi1>, vector<256x128xf32>
    %select_n3A_193 = arith.select %eq3A_189, %select_n3A_173, %select_n3A_172 : vector<256x128xi1>, vector<256x128xf32>
    %select_n3A_194 = arith.select %eq3A_189, %select_n3A_174, %select_n3A_173 : vector<256x128xi1>, vector<256x128xf32>
    %select_n3A_195 = arith.select %eq3A_189, %select_n3A_175, %select_n3A_174 : vector<256x128xi1>, vector<256x128xf32>
    %select_n3A_196 = arith.select %eq3A_189, %select_n3A_178, %select_n3A_175 : vector<256x128xi1>, vector<256x128xf32>
    %jit3A_197 = arith.constant -3.40282347E+38 : f32
    %broadcast_in_dim3A_198 = vector.broadcast %jit3A_197 : f32 to vector<256x128xf32>
    %select_n3A_199 = arith.select %eq3A_189, %broadcast_in_dim3A_198, %select_n3A_178 : vector<256x128xi1>, vector<256x128xf32>
    %eq3A_200 = arith.constant 1 : i32
    %eq3A_201 = vector.broadcast %eq3A_200 : i32 to vector<256x128xi32>
    %eq3A_202 = arith.cmpi eq, %iota3A, %eq3A_201 : vector<256x128xi32>
    %broadcast_in_dim3A_203 = vector.shape_cast %broadcast_in_dim3A_187 : vector<256x1xf32> to vector<256x1xf32>
    %broadcast_in_dim3A_204 = vector.broadcast %broadcast_in_dim3A_203 : vector<256x1xf32> to vector<256x128xf32>
    %select_n3A_205 = arith.select %eq3A_202, %broadcast_in_dim3A_204, %select_n3A_184 : vector<256x128xi1>, vector<256x128xf32>
    %reduce_max3A_206 = arith.constant dense<0xFF800000> : vector<256xf32>
    %reduce_max3A_207 = vector.multi_reduction <maximumf>, %select_n3A_190, %reduce_max3A_206 [1] : vector<256x128xf32> to vector<256xf32>
    %broadcast_in_dim3A_208 = vector.shape_cast %reduce_max3A_207 : vector<256xf32> to vector<256x1xf32>
    %eq3A_209 = vector.broadcast %broadcast_in_dim3A_208 : vector<256x1xf32> to vector<256x128xf32>
    %eq3A_210 = arith.cmpf oeq, %select_n3A_190, %eq3A_209 : vector<256x128xf32>
    %select_n3A_211 = arith.select %eq3A_210, %select_n3A_191, %select_n3A_190 : vector<256x128xi1>, vector<256x128xf32>
    %select_n3A_212 = arith.select %eq3A_210, %select_n3A_192, %select_n3A_191 : vector<256x128xi1>, vector<256x128xf32>
    %select_n3A_213 = arith.select %eq3A_210, %select_n3A_193, %select_n3A_192 : vector<256x128xi1>, vector<256x128xf32>
    %select_n3A_214 = arith.select %eq3A_210, %select_n3A_194, %select_n3A_193 : vector<256x128xi1>, vector<256x128xf32>
    %select_n3A_215 = arith.select %eq3A_210, %select_n3A_195, %select_n3A_194 : vector<256x128xi1>, vector<256x128xf32>
    %select_n3A_216 = arith.select %eq3A_210, %select_n3A_196, %select_n3A_195 : vector<256x128xi1>, vector<256x128xf32>
    %select_n3A_217 = arith.select %eq3A_210, %select_n3A_199, %select_n3A_196 : vector<256x128xi1>, vector<256x128xf32>
    %eq3A_218 = arith.constant 2 : i32
    %eq3A_219 = vector.broadcast %eq3A_218 : i32 to vector<256x128xi32>
    %eq3A_220 = arith.cmpi eq, %iota3A, %eq3A_219 : vector<256x128xi32>
    %broadcast_in_dim3A_221 = vector.shape_cast %broadcast_in_dim3A_208 : vector<256x1xf32> to vector<256x1xf32>
    %broadcast_in_dim3A_222 = vector.broadcast %broadcast_in_dim3A_221 : vector<256x1xf32> to vector<256x128xf32>
    %select_n3A_223 = arith.select %eq3A_220, %broadcast_in_dim3A_222, %select_n3A_205 : vector<256x128xi1>, vector<256x128xf32>
    %reduce_max3A_224 = arith.constant dense<0xFF800000> : vector<256xf32>
    %reduce_max3A_225 = vector.multi_reduction <maximumf>, %select_n3A_211, %reduce_max3A_224 [1] : vector<256x128xf32> to vector<256xf32>
    %broadcast_in_dim3A_226 = vector.shape_cast %reduce_max3A_225 : vector<256xf32> to vector<256x1xf32>
    %eq3A_227 = vector.broadcast %broadcast_in_dim3A_226 : vector<256x1xf32> to vector<256x128xf32>
    %eq3A_228 = arith.cmpf oeq, %select_n3A_211, %eq3A_227 : vector<256x128xf32>
    %select_n3A_229 = arith.select %eq3A_228, %select_n3A_212, %select_n3A_211 : vector<256x128xi1>, vector<256x128xf32>
    %select_n3A_230 = arith.select %eq3A_228, %select_n3A_213, %select_n3A_212 : vector<256x128xi1>, vector<256x128xf32>
    %select_n3A_231 = arith.select %eq3A_228, %select_n3A_214, %select_n3A_213 : vector<256x128xi1>, vector<256x128xf32>
    %select_n3A_232 = arith.select %eq3A_228, %select_n3A_215, %select_n3A_214 : vector<256x128xi1>, vector<256x128xf32>
    %select_n3A_233 = arith.select %eq3A_228, %select_n3A_216, %select_n3A_215 : vector<256x128xi1>, vector<256x128xf32>
    %select_n3A_234 = arith.select %eq3A_228, %select_n3A_217, %select_n3A_216 : vector<256x128xi1>, vector<256x128xf32>
    %eq3A_235 = arith.constant 3 : i32
    %eq3A_236 = vector.broadcast %eq3A_235 : i32 to vector<256x128xi32>
    %eq3A_237 = arith.cmpi eq, %iota3A, %eq3A_236 : vector<256x128xi32>
    %broadcast_in_dim3A_238 = vector.shape_cast %broadcast_in_dim3A_226 : vector<256x1xf32> to vector<256x1xf32>
    %broadcast_in_dim3A_239 = vector.broadcast %broadcast_in_dim3A_238 : vector<256x1xf32> to vector<256x128xf32>
    %select_n3A_240 = arith.select %eq3A_237, %broadcast_in_dim3A_239, %select_n3A_223 : vector<256x128xi1>, vector<256x128xf32>
    %reduce_max3A_241 = arith.constant dense<0xFF800000> : vector<256xf32>
    %reduce_max3A_242 = vector.multi_reduction <maximumf>, %select_n3A_229, %reduce_max3A_241 [1] : vector<256x128xf32> to vector<256xf32>
    %broadcast_in_dim3A_243 = vector.shape_cast %reduce_max3A_242 : vector<256xf32> to vector<256x1xf32>
    %eq3A_244 = vector.broadcast %broadcast_in_dim3A_243 : vector<256x1xf32> to vector<256x128xf32>
    %eq3A_245 = arith.cmpf oeq, %select_n3A_229, %eq3A_244 : vector<256x128xf32>
    %select_n3A_246 = arith.select %eq3A_245, %select_n3A_230, %select_n3A_229 : vector<256x128xi1>, vector<256x128xf32>
    %select_n3A_247 = arith.select %eq3A_245, %select_n3A_231, %select_n3A_230 : vector<256x128xi1>, vector<256x128xf32>
    %select_n3A_248 = arith.select %eq3A_245, %select_n3A_232, %select_n3A_231 : vector<256x128xi1>, vector<256x128xf32>
    %select_n3A_249 = arith.select %eq3A_245, %select_n3A_233, %select_n3A_232 : vector<256x128xi1>, vector<256x128xf32>
    %select_n3A_250 = arith.select %eq3A_245, %select_n3A_234, %select_n3A_233 : vector<256x128xi1>, vector<256x128xf32>
    %eq3A_251 = arith.constant 4 : i32
    %eq3A_252 = vector.broadcast %eq3A_251 : i32 to vector<256x128xi32>
    %eq3A_253 = arith.cmpi eq, %iota3A, %eq3A_252 : vector<256x128xi32>
    %broadcast_in_dim3A_254 = vector.shape_cast %broadcast_in_dim3A_243 : vector<256x1xf32> to vector<256x1xf32>
    %broadcast_in_dim3A_255 = vector.broadcast %broadcast_in_dim3A_254 : vector<256x1xf32> to vector<256x128xf32>
    %select_n3A_256 = arith.select %eq3A_253, %broadcast_in_dim3A_255, %select_n3A_240 : vector<256x128xi1>, vector<256x128xf32>
    %reduce_max3A_257 = arith.constant dense<0xFF800000> : vector<256xf32>
    %reduce_max3A_258 = vector.multi_reduction <maximumf>, %select_n3A_246, %reduce_max3A_257 [1] : vector<256x128xf32> to vector<256xf32>
    %broadcast_in_dim3A_259 = vector.shape_cast %reduce_max3A_258 : vector<256xf32> to vector<256x1xf32>
    %eq3A_260 = vector.broadcast %broadcast_in_dim3A_259 : vector<256x1xf32> to vector<256x128xf32>
    %eq3A_261 = arith.cmpf oeq, %select_n3A_246, %eq3A_260 : vector<256x128xf32>
    %select_n3A_262 = arith.select %eq3A_261, %select_n3A_247, %select_n3A_246 : vector<256x128xi1>, vector<256x128xf32>
    %select_n3A_263 = arith.select %eq3A_261, %select_n3A_248, %select_n3A_247 : vector<256x128xi1>, vector<256x128xf32>
    %select_n3A_264 = arith.select %eq3A_261, %select_n3A_249, %select_n3A_248 : vector<256x128xi1>, vector<256x128xf32>
    %select_n3A_265 = arith.select %eq3A_261, %select_n3A_250, %select_n3A_249 : vector<256x128xi1>, vector<256x128xf32>
    %eq3A_266 = arith.constant 5 : i32
    %eq3A_267 = vector.broadcast %eq3A_266 : i32 to vector<256x128xi32>
    %eq3A_268 = arith.cmpi eq, %iota3A, %eq3A_267 : vector<256x128xi32>
    %broadcast_in_dim3A_269 = vector.shape_cast %broadcast_in_dim3A_259 : vector<256x1xf32> to vector<256x1xf32>
    %broadcast_in_dim3A_270 = vector.broadcast %broadcast_in_dim3A_269 : vector<256x1xf32> to vector<256x128xf32>
    %select_n3A_271 = arith.select %eq3A_268, %broadcast_in_dim3A_270, %select_n3A_256 : vector<256x128xi1>, vector<256x128xf32>
    %reduce_max3A_272 = arith.constant dense<0xFF800000> : vector<256xf32>
    %reduce_max3A_273 = vector.multi_reduction <maximumf>, %select_n3A_262, %reduce_max3A_272 [1] : vector<256x128xf32> to vector<256xf32>
    %broadcast_in_dim3A_274 = vector.shape_cast %reduce_max3A_273 : vector<256xf32> to vector<256x1xf32>
    %eq3A_275 = vector.broadcast %broadcast_in_dim3A_274 : vector<256x1xf32> to vector<256x128xf32>
    %eq3A_276 = arith.cmpf oeq, %select_n3A_262, %eq3A_275 : vector<256x128xf32>
    %select_n3A_277 = arith.select %eq3A_276, %select_n3A_263, %select_n3A_262 : vector<256x128xi1>, vector<256x128xf32>
    %select_n3A_278 = arith.select %eq3A_276, %select_n3A_264, %select_n3A_263 : vector<256x128xi1>, vector<256x128xf32>
    %select_n3A_279 = arith.select %eq3A_276, %select_n3A_265, %select_n3A_264 : vector<256x128xi1>, vector<256x128xf32>
    %eq3A_280 = arith.constant 6 : i32
    %eq3A_281 = vector.broadcast %eq3A_280 : i32 to vector<256x128xi32>
    %eq3A_282 = arith.cmpi eq, %iota3A, %eq3A_281 : vector<256x128xi32>
    %broadcast_in_dim3A_283 = vector.shape_cast %broadcast_in_dim3A_274 : vector<256x1xf32> to vector<256x1xf32>
    %broadcast_in_dim3A_284 = vector.broadcast %broadcast_in_dim3A_283 : vector<256x1xf32> to vector<256x128xf32>
    %select_n3A_285 = arith.select %eq3A_282, %broadcast_in_dim3A_284, %select_n3A_271 : vector<256x128xi1>, vector<256x128xf32>
    %reduce_max3A_286 = arith.constant dense<0xFF800000> : vector<256xf32>
    %reduce_max3A_287 = vector.multi_reduction <maximumf>, %select_n3A_277, %reduce_max3A_286 [1] : vector<256x128xf32> to vector<256xf32>
    %broadcast_in_dim3A_288 = vector.shape_cast %reduce_max3A_287 : vector<256xf32> to vector<256x1xf32>
    %eq3A_289 = vector.broadcast %broadcast_in_dim3A_288 : vector<256x1xf32> to vector<256x128xf32>
    %eq3A_290 = arith.cmpf oeq, %select_n3A_277, %eq3A_289 : vector<256x128xf32>
    %select_n3A_291 = arith.select %eq3A_290, %select_n3A_278, %select_n3A_277 : vector<256x128xi1>, vector<256x128xf32>
    %select_n3A_292 = arith.select %eq3A_290, %select_n3A_279, %select_n3A_278 : vector<256x128xi1>, vector<256x128xf32>
    %eq3A_293 = arith.constant 7 : i32
    %eq3A_294 = vector.broadcast %eq3A_293 : i32 to vector<256x128xi32>
    %eq3A_295 = arith.cmpi eq, %iota3A, %eq3A_294 : vector<256x128xi32>
    %broadcast_in_dim3A_296 = vector.shape_cast %broadcast_in_dim3A_288 : vector<256x1xf32> to vector<256x1xf32>
    %broadcast_in_dim3A_297 = vector.broadcast %broadcast_in_dim3A_296 : vector<256x1xf32> to vector<256x128xf32>
    %select_n3A_298 = arith.select %eq3A_295, %broadcast_in_dim3A_297, %select_n3A_285 : vector<256x128xi1>, vector<256x128xf32>
    %reduce_max3A_299 = arith.constant dense<0xFF800000> : vector<256xf32>
    %reduce_max3A_300 = vector.multi_reduction <maximumf>, %select_n3A_291, %reduce_max3A_299 [1] : vector<256x128xf32> to vector<256xf32>
    %broadcast_in_dim3A_301 = vector.shape_cast %reduce_max3A_300 : vector<256xf32> to vector<256x1xf32>
    %eq3A_302 = vector.broadcast %broadcast_in_dim3A_301 : vector<256x1xf32> to vector<256x128xf32>
    %eq3A_303 = arith.cmpf oeq, %select_n3A_291, %eq3A_302 : vector<256x128xf32>
    %select_n3A_304 = arith.select %eq3A_303, %select_n3A_292, %select_n3A_291 : vector<256x128xi1>, vector<256x128xf32>
    %eq3A_305 = arith.constant 8 : i32
    %eq3A_306 = vector.broadcast %eq3A_305 : i32 to vector<256x128xi32>
    %eq3A_307 = arith.cmpi eq, %iota3A, %eq3A_306 : vector<256x128xi32>
    %broadcast_in_dim3A_308 = vector.shape_cast %broadcast_in_dim3A_301 : vector<256x1xf32> to vector<256x1xf32>
    %broadcast_in_dim3A_309 = vector.broadcast %broadcast_in_dim3A_308 : vector<256x1xf32> to vector<256x128xf32>
    %select_n3A_310 = arith.select %eq3A_307, %broadcast_in_dim3A_309, %select_n3A_298 : vector<256x128xi1>, vector<256x128xf32>
    %reduce_max3A_311 = arith.constant dense<0xFF800000> : vector<256xf32>
    %reduce_max3A_312 = vector.multi_reduction <maximumf>, %select_n3A_304, %reduce_max3A_311 [1] : vector<256x128xf32> to vector<256xf32>
    %broadcast_in_dim3A_313 = vector.shape_cast %reduce_max3A_312 : vector<256xf32> to vector<256x1xf32>
    %eq3A_314 = arith.constant 9 : i32
    %eq3A_315 = vector.broadcast %eq3A_314 : i32 to vector<256x128xi32>
    %eq3A_316 = arith.cmpi eq, %iota3A, %eq3A_315 : vector<256x128xi32>
    %broadcast_in_dim3A_317 = vector.shape_cast %broadcast_in_dim3A_313 : vector<256x1xf32> to vector<256x1xf32>
    %broadcast_in_dim3A_318 = vector.broadcast %broadcast_in_dim3A_317 : vector<256x1xf32> to vector<256x128xf32>
    %select_n3A_319 = arith.select %eq3A_316, %broadcast_in_dim3A_318, %select_n3A_310 : vector<256x128xi1>, vector<256x128xf32>
    %bitcast_convert_type3A_320 = tpu.bitcast %select_n3A_319 : vector<256x128xf32> -> vector<256x128xi32>
    %not3A_321 = arith.constant 1023 : i32
    %not3A_322 = arith.constant -1 : i32
    %not3A_323 = arith.xori %not3A_321, %not3A_322 : i32
    %and3A_324 = vector.broadcast %not3A_323 : i32 to vector<256x128xi32>
    %and3A_325 = arith.andi %bitcast_convert_type3A_320, %and3A_324 : vector<256x128xi32>
    %bitcast_convert_type3A_326 = tpu.bitcast %and3A_325 : vector<256x128xi32> -> vector<256x128xf32>
    %bitcast_convert_type3A_327 = tpu.bitcast %broadcast_in_dim3A_166 : vector<256x1xf32> -> vector<256x1xi32>
    %not3A_328 = arith.constant 1023 : i32
    %not3A_329 = arith.constant -1 : i32
    %not3A_330 = arith.xori %not3A_328, %not3A_329 : i32
    %and3A_331 = vector.broadcast %not3A_330 : i32 to vector<256x1xi32>
    %and3A_332 = arith.andi %bitcast_convert_type3A_327, %and3A_331 : vector<256x1xi32>
    %bitcast_convert_type3A_333 = tpu.bitcast %and3A_332 : vector<256x1xi32> -> vector<256x1xf32>
    %broadcast_in_dim3A_334 = arith.constant 0.000000e+00 : f32
    %broadcast_in_dim3A_335 = vector.broadcast %broadcast_in_dim3A_334 : f32 to vector<1x128xf32>
    %iota3A_336 = tpu.iota {dimensions = array<i32: 1>} : vector<1x128xi32>
    %eq3A_337 = arith.constant 0 : i32
    %eq3A_338 = vector.broadcast %eq3A_337 : i32 to vector<1x128xi32>
    %eq3A_339 = arith.cmpi eq, %iota3A_336, %eq3A_338 : vector<1x128xi32>
    %jit3A_340 = arith.constant 1.000000e+00 : f32
    %jit3A_341 = arith.constant 0.000000e+00 : f32
    %broadcast_in_dim3A_342 = vector.broadcast %jit3A_340 : f32 to vector<1x128xf32>
    %broadcast_in_dim3A_343 = vector.broadcast %jit3A_341 : f32 to vector<1x128xf32>
    %select_n3A_344 = arith.select %eq3A_339, %broadcast_in_dim3A_342, %broadcast_in_dim3A_343 : vector<1x128xi1>, vector<1x128xf32>
    %mul3A_345 = arith.constant 1.000000e+00 : f32
    %mul3A_346 = vector.broadcast %mul3A_345 : f32 to vector<1x128xf32>
    %mul3A_347 = arith.mulf %mul3A_346, %select_n3A_344 : vector<1x128xf32>
    %add3A_348 = arith.addf %broadcast_in_dim3A_335, %mul3A_347 : vector<1x128xf32>
    %eq3A_349 = arith.constant 1 : i32
    %eq3A_350 = vector.broadcast %eq3A_349 : i32 to vector<1x128xi32>
    %eq3A_351 = arith.cmpi eq, %iota3A_336, %eq3A_350 : vector<1x128xi32>
    %jit3A_352 = arith.constant 1.000000e+00 : f32
    %jit3A_353 = arith.constant 0.000000e+00 : f32
    %broadcast_in_dim3A_354 = vector.broadcast %jit3A_352 : f32 to vector<1x128xf32>
    %broadcast_in_dim3A_355 = vector.broadcast %jit3A_353 : f32 to vector<1x128xf32>
    %select_n3A_356 = arith.select %eq3A_351, %broadcast_in_dim3A_354, %broadcast_in_dim3A_355 : vector<1x128xi1>, vector<1x128xf32>
    %mul3A_357 = arith.constant 0.630929768 : f32
    %mul3A_358 = vector.broadcast %mul3A_357 : f32 to vector<1x128xf32>
    %mul3A_359 = arith.mulf %mul3A_358, %select_n3A_356 : vector<1x128xf32>
    %add3A_360 = arith.addf %add3A_348, %mul3A_359 : vector<1x128xf32>
    %eq3A_361 = arith.constant 2 : i32
    %eq3A_362 = vector.broadcast %eq3A_361 : i32 to vector<1x128xi32>
    %eq3A_363 = arith.cmpi eq, %iota3A_336, %eq3A_362 : vector<1x128xi32>
    %jit3A_364 = arith.constant 1.000000e+00 : f32
    %jit3A_365 = arith.constant 0.000000e+00 : f32
    %broadcast_in_dim3A_366 = vector.broadcast %jit3A_364 : f32 to vector<1x128xf32>
    %broadcast_in_dim3A_367 = vector.broadcast %jit3A_365 : f32 to vector<1x128xf32>
    %select_n3A_368 = arith.select %eq3A_363, %broadcast_in_dim3A_366, %broadcast_in_dim3A_367 : vector<1x128xi1>, vector<1x128xf32>
    %mul3A_369 = arith.constant 5.000000e-01 : f32
    %mul3A_370 = vector.broadcast %mul3A_369 : f32 to vector<1x128xf32>
    %mul3A_371 = arith.mulf %mul3A_370, %select_n3A_368 : vector<1x128xf32>
    %add3A_372 = arith.addf %add3A_360, %mul3A_371 : vector<1x128xf32>
    %eq3A_373 = arith.constant 3 : i32
    %eq3A_374 = vector.broadcast %eq3A_373 : i32 to vector<1x128xi32>
    %eq3A_375 = arith.cmpi eq, %iota3A_336, %eq3A_374 : vector<1x128xi32>
    %jit3A_376 = arith.constant 1.000000e+00 : f32
    %jit3A_377 = arith.constant 0.000000e+00 : f32
    %broadcast_in_dim3A_378 = vector.broadcast %jit3A_376 : f32 to vector<1x128xf32>
    %broadcast_in_dim3A_379 = vector.broadcast %jit3A_377 : f32 to vector<1x128xf32>
    %select_n3A_380 = arith.select %eq3A_375, %broadcast_in_dim3A_378, %broadcast_in_dim3A_379 : vector<1x128xi1>, vector<1x128xf32>
    %mul3A_381 = arith.constant 0.43067655 : f32
    %mul3A_382 = vector.broadcast %mul3A_381 : f32 to vector<1x128xf32>
    %mul3A_383 = arith.mulf %mul3A_382, %select_n3A_380 : vector<1x128xf32>
    %add3A_384 = arith.addf %add3A_372, %mul3A_383 : vector<1x128xf32>
    %eq3A_385 = arith.constant 4 : i32
    %eq3A_386 = vector.broadcast %eq3A_385 : i32 to vector<1x128xi32>
    %eq3A_387 = arith.cmpi eq, %iota3A_336, %eq3A_386 : vector<1x128xi32>
    %jit3A_388 = arith.constant 1.000000e+00 : f32
    %jit3A_389 = arith.constant 0.000000e+00 : f32
    %broadcast_in_dim3A_390 = vector.broadcast %jit3A_388 : f32 to vector<1x128xf32>
    %broadcast_in_dim3A_391 = vector.broadcast %jit3A_389 : f32 to vector<1x128xf32>
    %select_n3A_392 = arith.select %eq3A_387, %broadcast_in_dim3A_390, %broadcast_in_dim3A_391 : vector<1x128xi1>, vector<1x128xf32>
    %mul3A_393 = arith.constant 0.386852801 : f32
    %mul3A_394 = vector.broadcast %mul3A_393 : f32 to vector<1x128xf32>
    %mul3A_395 = arith.mulf %mul3A_394, %select_n3A_392 : vector<1x128xf32>
    %add3A_396 = arith.addf %add3A_384, %mul3A_395 : vector<1x128xf32>
    %eq3A_397 = arith.constant 5 : i32
    %eq3A_398 = vector.broadcast %eq3A_397 : i32 to vector<1x128xi32>
    %eq3A_399 = arith.cmpi eq, %iota3A_336, %eq3A_398 : vector<1x128xi32>
    %jit3A_400 = arith.constant 1.000000e+00 : f32
    %jit3A_401 = arith.constant 0.000000e+00 : f32
    %broadcast_in_dim3A_402 = vector.broadcast %jit3A_400 : f32 to vector<1x128xf32>
    %broadcast_in_dim3A_403 = vector.broadcast %jit3A_401 : f32 to vector<1x128xf32>
    %select_n3A_404 = arith.select %eq3A_399, %broadcast_in_dim3A_402, %broadcast_in_dim3A_403 : vector<1x128xi1>, vector<1x128xf32>
    %mul3A_405 = arith.constant 0.356207192 : f32
    %mul3A_406 = vector.broadcast %mul3A_405 : f32 to vector<1x128xf32>
    %mul3A_407 = arith.mulf %mul3A_406, %select_n3A_404 : vector<1x128xf32>
    %add3A_408 = arith.addf %add3A_396, %mul3A_407 : vector<1x128xf32>
    %eq3A_409 = arith.constant 6 : i32
    %eq3A_410 = vector.broadcast %eq3A_409 : i32 to vector<1x128xi32>
    %eq3A_411 = arith.cmpi eq, %iota3A_336, %eq3A_410 : vector<1x128xi32>
    %jit3A_412 = arith.constant 1.000000e+00 : f32
    %jit3A_413 = arith.constant 0.000000e+00 : f32
    %broadcast_in_dim3A_414 = vector.broadcast %jit3A_412 : f32 to vector<1x128xf32>
    %broadcast_in_dim3A_415 = vector.broadcast %jit3A_413 : f32 to vector<1x128xf32>
    %select_n3A_416 = arith.select %eq3A_411, %broadcast_in_dim3A_414, %broadcast_in_dim3A_415 : vector<1x128xi1>, vector<1x128xf32>
    %mul3A_417 = arith.constant 0.333333343 : f32
    %mul3A_418 = vector.broadcast %mul3A_417 : f32 to vector<1x128xf32>
    %mul3A_419 = arith.mulf %mul3A_418, %select_n3A_416 : vector<1x128xf32>
    %add3A_420 = arith.addf %add3A_408, %mul3A_419 : vector<1x128xf32>
    %eq3A_421 = arith.constant 7 : i32
    %eq3A_422 = vector.broadcast %eq3A_421 : i32 to vector<1x128xi32>
    %eq3A_423 = arith.cmpi eq, %iota3A_336, %eq3A_422 : vector<1x128xi32>
    %jit3A_424 = arith.constant 1.000000e+00 : f32
    %jit3A_425 = arith.constant 0.000000e+00 : f32
    %broadcast_in_dim3A_426 = vector.broadcast %jit3A_424 : f32 to vector<1x128xf32>
    %broadcast_in_dim3A_427 = vector.broadcast %jit3A_425 : f32 to vector<1x128xf32>
    %select_n3A_428 = arith.select %eq3A_423, %broadcast_in_dim3A_426, %broadcast_in_dim3A_427 : vector<1x128xi1>, vector<1x128xf32>
    %mul3A_429 = arith.constant 0.315464884 : f32
    %mul3A_430 = vector.broadcast %mul3A_429 : f32 to vector<1x128xf32>
    %mul3A_431 = arith.mulf %mul3A_430, %select_n3A_428 : vector<1x128xf32>
    %add3A_432 = arith.addf %add3A_420, %mul3A_431 : vector<1x128xf32>
    %eq3A_433 = arith.constant 8 : i32
    %eq3A_434 = vector.broadcast %eq3A_433 : i32 to vector<1x128xi32>
    %eq3A_435 = arith.cmpi eq, %iota3A_336, %eq3A_434 : vector<1x128xi32>
    %jit3A_436 = arith.constant 1.000000e+00 : f32
    %jit3A_437 = arith.constant 0.000000e+00 : f32
    %broadcast_in_dim3A_438 = vector.broadcast %jit3A_436 : f32 to vector<1x128xf32>
    %broadcast_in_dim3A_439 = vector.broadcast %jit3A_437 : f32 to vector<1x128xf32>
    %select_n3A_440 = arith.select %eq3A_435, %broadcast_in_dim3A_438, %broadcast_in_dim3A_439 : vector<1x128xi1>, vector<1x128xf32>
    %mul3A_441 = arith.constant 3.010300e-01 : f32
    %mul3A_442 = vector.broadcast %mul3A_441 : f32 to vector<1x128xf32>
    %mul3A_443 = arith.mulf %mul3A_442, %select_n3A_440 : vector<1x128xf32>
    %add3A_444 = arith.addf %add3A_432, %mul3A_443 : vector<1x128xf32>
    %eq3A_445 = arith.constant 9 : i32
    %eq3A_446 = vector.broadcast %eq3A_445 : i32 to vector<1x128xi32>
    %eq3A_447 = arith.cmpi eq, %iota3A_336, %eq3A_446 : vector<1x128xi32>
    %jit3A_448 = arith.constant 1.000000e+00 : f32
    %jit3A_449 = arith.constant 0.000000e+00 : f32
    %broadcast_in_dim3A_450 = vector.broadcast %jit3A_448 : f32 to vector<1x128xf32>
    %broadcast_in_dim3A_451 = vector.broadcast %jit3A_449 : f32 to vector<1x128xf32>
    %select_n3A_452 = arith.select %eq3A_447, %broadcast_in_dim3A_450, %broadcast_in_dim3A_451 : vector<1x128xi1>, vector<1x128xf32>
    %mul3A_453 = arith.constant 0.289064825 : f32
    %mul3A_454 = vector.broadcast %mul3A_453 : f32 to vector<1x128xf32>
    %mul3A_455 = arith.mulf %mul3A_454, %select_n3A_452 : vector<1x128xf32>
    %add3A_456 = arith.addf %add3A_444, %mul3A_455 : vector<1x128xf32>
    %sub3A_457 = vector.broadcast %get3A_35 : vector<256x1xf32> to vector<256x128xf32>
    %sub3A_458 = arith.subf %bitcast_convert_type3A_326, %sub3A_457 : vector<256x128xf32>
    %max3A_459 = arith.constant 0.000000e+00 : f32
    %max3A_460 = vector.broadcast %max3A_459 : f32 to vector<256x128xf32>
    %max3A_461 = arith.maximumf %sub3A_458, %max3A_460 : vector<256x128xf32>
    %abs3A = math.absf %sub3A_458 : vector<256x128xf32>
    %neg3A = arith.constant 0.000000e+00 : f32
    %neg3A_462 = vector.broadcast %neg3A : f32 to vector<256x128xf32>
    %neg3A_463 = arith.subf %neg3A_462, %abs3A : vector<256x128xf32>
    %exp3A = math.exp %neg3A_463 : vector<256x128xf32>
    %log1p3A = math.log1p %exp3A : vector<256x128xf32>
    %add3A_464 = arith.addf %max3A_461, %log1p3A : vector<256x128xf32>
    %lt3A_465 = arith.cmpf olt, %get3A_35, %bitcast_convert_type3A_333 : vector<256x1xf32>
    %jit3A_466 = arith.constant 1.200000e+00 : f32
    %jit3A_467 = arith.constant 1.000000e+00 : f32
    %broadcast_in_dim3A_468 = vector.broadcast %jit3A_466 : f32 to vector<256x1xf32>
    %broadcast_in_dim3A_469 = vector.broadcast %jit3A_467 : f32 to vector<256x1xf32>
    %select_n3A_470 = arith.select %lt3A_465, %broadcast_in_dim3A_468, %broadcast_in_dim3A_469 : vector<256x1xi1>, vector<256x1xf32>
    %mul3A_471 = vector.broadcast %add3A_456 : vector<1x128xf32> to vector<256x128xf32>
    %mul3A_472 = arith.mulf %add3A_464, %mul3A_471 : vector<256x128xf32>
    %reduce_sum3A = arith.constant dense<0.000000e+00> : vector<256xf32>
    %reduce_sum3A_473 = vector.multi_reduction <add>, %mul3A_472, %reduce_sum3A [1] : vector<256x128xf32> to vector<256xf32>
    %broadcast_in_dim3A_474 = vector.shape_cast %reduce_sum3A_473 : vector<256xf32> to vector<256x1xf32>
    %mul3A_475 = arith.mulf %broadcast_in_dim3A_474, %select_n3A_470 : vector<256x1xf32>
    %reduce_sum3A_476 = vector.shape_cast %mul3A_475 : vector<256x1xf32> to vector<1x256x1xf32>
    %reduce_sum3A_477 = arith.constant dense<0.000000e+00> : vector<1xf32>
    %reduce_sum3A_478 = vector.multi_reduction <add>, %reduce_sum3A_476, %reduce_sum3A_477 [1, 2] : vector<1x256x1xf32> to vector<1xf32>
    %reduce_sum3A_479 = vector.shape_cast %reduce_sum3A_478 : vector<1xf32> to vector<1x1x1xf32>
    %reduce_sum3A_480 = vector.extract %reduce_sum3A_479[0, 0, 0] : f32 from vector<1x1x1xf32>
    %eq3A_481 = arith.constant 0 : i32
    %eq3A_482 = arith.cmpi eq, %arg0, %eq3A_481 : i32
    %convert_element_type3A_483 = arith.extui %eq3A_482 : i1 to i32
    %cond3A_484 = arith.constant 0 : i32
    %cond3A_485 = arith.cmpi ne, %convert_element_type3A_483, %cond3A_484 : i32
    scf.if %cond3A_485 {
      %swap3A_492 = arith.constant 0.000000e+00 : f32
      %swap3A_493 = arith.constant 0 : index
      %swap3A_494 = arith.constant 0 : index
      %swap3A_495 = memref.load %arg3[%swap3A_493, %swap3A_494] : memref<1x1xf32, #tpu.memory_space<smem>>
      memref.store %swap3A_492, %arg3[%swap3A_493, %swap3A_494] : memref<1x1xf32, #tpu.memory_space<smem>>
    } else {
    }
    %get3A_486 = arith.constant 0 : index
    %get3A_487 = arith.constant 0 : index
    %get3A_488 = memref.load %arg3[%get3A_486, %get3A_487] : memref<1x1xf32, #tpu.memory_space<smem>>
    %add3A_489 = arith.addf %get3A_488, %reduce_sum3A_480 : f32
    %swap3A = arith.constant 0 : index
    %swap3A_490 = arith.constant 0 : index
    %swap3A_491 = memref.load %arg3[%swap3A, %swap3A_490] : memref<1x1xf32, #tpu.memory_space<smem>>
    memref.store %add3A_489, %arg3[%swap3A, %swap3A_490] : memref<1x1xf32, #tpu.memory_space<smem>>
    return
  }
  func.func @transform_0(%arg0: i32) -> (i32, i32) {
    %add3A = arith.constant 2 : i32
    %add3A_0 = arith.addi %arg0, %add3A : i32
    %c0_i32 = arith.constant 0 : i32
    %c0_i32_1 = arith.constant 0 : i32
    return %add3A_0, %c0_i32 : i32, i32
  }
  func.func @transform_2(%arg0: i32) -> (i32, i32) {
    %c0_i32 = arith.constant 0 : i32
    %c0_i32_0 = arith.constant 0 : i32
    %c0_i32_1 = arith.constant 0 : i32
    return %c0_i32, %c0_i32_0 : i32, i32
  }
}

module attributes {stable_mosaic.version = 14 : i64} {
  func.func @_sc_loss_body(%arg0: memref<512x1xf32, #tpu.memory_space<vmem>>, %arg1: memref<512x16xf32, #tpu.memory_space<vmem>>, %arg2: memref<1x1xf32, #tpu.memory_space<smem>>) attributes {dimension_semantics = [], scalar_prefetch = 0 : i64, scratch_operands = 0 : i64, tpu.core_type = #tpu.core_type<tc>} {
    %get3A = arith.constant 0 : index
    %get3A_0 = arith.constant 0 : index
    %get3A_1 = vector.load %arg1[%get3A, %get3A_0] : memref<512x16xf32, #tpu.memory_space<vmem>>, vector<512x16xf32>
    %get3A_2 = arith.constant 0 : index
    %get3A_3 = arith.constant 0 : index
    %get3A_4 = vector.load %arg0[%get3A_2, %get3A_3] : memref<512x1xf32, #tpu.memory_space<vmem>>, vector<512x1xf32>
    %iota3A = tpu.iota {dimensions = array<i32: 1>} : vector<512x16xi32>
    %lt3A = arith.constant 10 : i32
    %lt3A_5 = vector.broadcast %lt3A : i32 to vector<512x16xi32>
    %lt3A_6 = arith.cmpi slt, %iota3A, %lt3A_5 : vector<512x16xi32>
    %convert_element_type3A = arith.sitofp %iota3A : vector<512x16xi32> to vector<512x16xf32>
    %add3A = arith.constant 2.000000e+00 : f32
    %add3A_7 = vector.broadcast %add3A : f32 to vector<512x16xf32>
    %add3A_8 = arith.addf %convert_element_type3A, %add3A_7 : vector<512x16xf32>
    %log3A = math.log %add3A_8 : vector<512x16xf32>
    %log3A_9 = arith.constant 2.000000e+00 : f32
    %log3A_10 = math.log %log3A_9 : f32
    %div3A = vector.broadcast %log3A_10 : f32 to vector<512x16xf32>
    %div3A_11 = arith.divf %log3A, %div3A : vector<512x16xf32>
    %div3A_12 = arith.constant 1.000000e+00 : f32
    %div3A_13 = vector.broadcast %div3A_12 : f32 to vector<512x16xf32>
    %div3A_14 = arith.divf %div3A_13, %div3A_11 : vector<512x16xf32>
    %jit3A = arith.constant 0.000000e+00 : f32
    %broadcast_in_dim3A = vector.broadcast %jit3A : f32 to vector<512x16xf32>
    %select_n3A = arith.select %lt3A_6, %div3A_14, %broadcast_in_dim3A : vector<512x16xi1>, vector<512x16xf32>
    %sub3A = vector.broadcast %get3A_4 : vector<512x1xf32> to vector<512x16xf32>
    %sub3A_15 = arith.subf %get3A_1, %sub3A : vector<512x16xf32>
    %max3A = arith.constant 0.000000e+00 : f32
    %max3A_16 = vector.broadcast %max3A : f32 to vector<512x16xf32>
    %max3A_17 = arith.maximumf %sub3A_15, %max3A_16 : vector<512x16xf32>
    %abs3A = math.absf %sub3A_15 : vector<512x16xf32>
    %neg3A = arith.constant 0.000000e+00 : f32
    %neg3A_18 = vector.broadcast %neg3A : f32 to vector<512x16xf32>
    %neg3A_19 = arith.subf %neg3A_18, %abs3A : vector<512x16xf32>
    %exp3A = math.exp %neg3A_19 : vector<512x16xf32>
    %log1p3A = math.log1p %exp3A : vector<512x16xf32>
    %add3A_20 = arith.addf %max3A_17, %log1p3A : vector<512x16xf32>
    %reduce_max3A = arith.constant dense<0xFF800000> : vector<512xf32>
    %reduce_max3A_21 = vector.multi_reduction <maximumf>, %get3A_1, %reduce_max3A [1] : vector<512x16xf32> to vector<512xf32>
    %broadcast_in_dim3A_22 = vector.shape_cast %reduce_max3A_21 : vector<512xf32> to vector<512x1xf32>
    %lt3A_23 = arith.cmpf olt, %get3A_4, %broadcast_in_dim3A_22 : vector<512x1xf32>
    %jit3A_24 = arith.constant 1.200000e+00 : f32
    %jit3A_25 = arith.constant 1.000000e+00 : f32
    %broadcast_in_dim3A_26 = vector.broadcast %jit3A_24 : f32 to vector<512x1xf32>
    %broadcast_in_dim3A_27 = vector.broadcast %jit3A_25 : f32 to vector<512x1xf32>
    %select_n3A_28 = arith.select %lt3A_23, %broadcast_in_dim3A_26, %broadcast_in_dim3A_27 : vector<512x1xi1>, vector<512x1xf32>
    %mul3A = arith.mulf %add3A_20, %select_n3A : vector<512x16xf32>
    %mul3A_29 = vector.broadcast %select_n3A_28 : vector<512x1xf32> to vector<512x16xf32>
    %mul3A_30 = arith.mulf %mul3A, %mul3A_29 : vector<512x16xf32>
    %reduce_sum3A = vector.shape_cast %mul3A_30 : vector<512x16xf32> to vector<1x512x16xf32>
    %reduce_sum3A_31 = arith.constant dense<0.000000e+00> : vector<1xf32>
    %reduce_sum3A_32 = vector.multi_reduction <add>, %reduce_sum3A, %reduce_sum3A_31 [1, 2] : vector<1x512x16xf32> to vector<1xf32>
    %reduce_sum3A_33 = vector.shape_cast %reduce_sum3A_32 : vector<1xf32> to vector<1x1x1xf32>
    %reduce_sum3A_34 = vector.extract %reduce_sum3A_33[0, 0, 0] : f32 from vector<1x1x1xf32>
    %swap3A = arith.constant 0 : index
    %swap3A_35 = arith.constant 0 : index
    %swap3A_36 = memref.load %arg2[%swap3A, %swap3A_35] : memref<1x1xf32, #tpu.memory_space<smem>>
    memref.store %reduce_sum3A_34, %arg2[%swap3A, %swap3A_35] : memref<1x1xf32, #tpu.memory_space<smem>>
    return
  }
}

</mosaic_0001>

<sc_bundles>
// kernel: kernel.5.cloned.1.call-start
scs
__scs_entry_jumppad:
0x0: {  	(pc) =	sbr.rel $0x88, $3  }
0x1: {  	(tag) =	ssettag $0x0;
	lr =	simm.s32 $0x1  }
0x2: {  	[smem:$0x3F9F] =	sst lr;
	_ =	strace $0xD0000000  }
0x3: {  	_ = 	snop  }
0x4: {  	_ = 	snop  }
0x5: {  	_ = 	snop  }
0x6: {  	_ = 	snop  }
0x7: {  	_ = 	snop  }
__scs_overlays_trampoline_lowered:
0x8: {  	[smem:$0x3FAE] =	sst s0  }
0x9: {  	[smem:$0x3FAF] =	sst s1  }
0xa: {  	[smem:$0x3FB0] =	sst s2  }
0xb: {  	[smem:$0x3FB1] =	sst s3  }
0xc: {  	[smem:$0x3FB2] =	sst s4  }
0xd: {  	[smem:$0x3FB3] =	sst s5  }
0xe: {  	[smem:$0x3FB4] =	sst s6  }
0xf: {  	[smem:$0x3FB5] =	sst s7  }
0x10: {  	[smem:$0x3FB6] =	sst s8  }
0x11: {  	[smem:$0x3FB7] =	sst s9;
	s0 =	simm.s32 @!p0 $0x0  }
0x12: {  	s1 =	sld [smem:$0x3F9D];
	s0 =	simm.s32 @p0 $0x1  }
0x13: {  	[smem:$0x3FB8] =	sst s0;
	s0 =	simm.s32 @!p1 $0x0  }
0x14: {  	s2 =	sld [smem:$0x3F9C];
	s0 =	simm.s32 @p1 $0x1  }
0x15: {  	[smem:$0x3FB9] =	sst s0;
	s0 =	simm.s32 @!p2 $0x0  }
0x16: {  	s3 =	sld [smem:$0x3FDB];
	s0 =	simm.s32 @p2 $0x1  }
0x17: {  	s4 =	simm.s32 $0x1BF5;
	[smem:$0x3FBB] =	sst s0  }
0x18: {  	s0 =	sld [smem:$0x3F9E];
	_ =	swait.ge [sflag:s4], $0x0  }
0x19: {  	s7 =	sld [smem:$0x3F9F]  }
0x1a: {  	s8 =	sadd.s32 $0xFFFFE003, lr  }
0x1b: {  	s9 =	sadd.s32 $0xFFFFFEF7, lr;
	s5 =	simm.s32 $0xFFFFFFFF;
	p2 =	slt.u32 s8, $0xFFFFF086  }
0x1c: {  	p1 =	slt.u32 s9, $0xF7A;
	s5 =	simm.s32 @!p2 $0x0  }
0x1d: {  	s5 =	simm.s32 @p1 $0x1;
	p0 =	seq.s32 s7, s2  }
0x1e: {  	s7 =	smul.u32 @!p0 $0xF7A, s2;
	p2 =	seq.s32 @!p0 s5, $0x0  }
0x1f: {  	s9 =	smul.u32 $0xF7A, s1;
	s8 =	simm.s32 @!p0 $0x1BF5;
	p2 =	por !p2, p0  }
0x20: {  	[sflag:s8] =	ssyncset.s32 @!p0 $0xFFFFF086;
	s6 =	sadd.s32 @!p0 s3, s7;
	s7 =	simm.s32 @!p0 $0x108  }
0x21: {  	s3 =	sadd.s32 s3, s9;
	s6 =	sadd.s32 @!p0 $0x88, s6;
	s7 =	simm.s32 @p2 $0x1082  }
0x22: {  	[simem:s7], [sflag:s8] =	dma.local @!p0 [hbm:s6], $0xF7A  }
0x23: {  	s9 =	sor.u32 $0xD0000000, s2;
	s6 =	simm.s32 $0x108;
	_ =	swait.ge @!p0 [sflag:s8], $0x0  }
0x24: {  	s3 =	sadd.s32 $0x88, s3;
	s6 =	simm.s32 @!p1 $0x1082;
	[sflag:s4] =	ssyncset.s32 $0xFFFFF086  }
0x25: {  	[simem:s6], [sflag:s4] =	dma.local [hbm:s3], $0xF7A  }
0x26: {  	[smem:$0x3F9F] =	sst s1;
	(tag) =	ssettag s2;
	_ =	strace s9  }
0x27: {  	s1 =	sld [smem:$0x3FAF]  }
0x28: {  	s2 =	sld [smem:$0x3FB0]  }
0x29: {  	s4 =	sld [smem:$0x3FB2]  }
0x2a: {  	p0 =	seq.s32 s5, $0x0;
	s5 =	sld [smem:$0x3FB3]  }
0x2b: {  	s6 =	sld [smem:$0x3FB4]  }
0x2c: {  	s7 =	sld [smem:$0x3FB5]  }
0x2d: {  	s3 =	simm.s32 $0x108;
	s8 =	sld [smem:$0x3FB6]  }
0x2e: {  	s3 =	simm.s32 @!p0 $0x1082;
	s9 =	sld [smem:$0x3FB7]  }
0x2f: {  	lr =	sadd.s32 s0, s3;
	s0 =	sld [smem:$0x3FAE]  }
0x30: {  	s3 =	sld [smem:$0x3FB1]  }
0x31: {  	[smem:$0x3FBA] =	sst s10  }
0x32: {  	s10 =	sld [smem:$0x3FB8];
	_ =	sdelay $0x3  }
0x33: {  	p0 =	seq.s32 s10, $0x1;
	s10 =	sld [smem:$0x3FBA];
	_ =	sdelay $0x3  }
0x34: {  	[smem:$0x3FBA] =	sst s10  }
0x35: {  	s10 =	sld [smem:$0x3FB9];
	_ =	sdelay $0x3  }
0x36: {  	p1 =	seq.s32 s10, $0x1;
	s10 =	sld [smem:$0x3FBA];
	_ =	sdelay $0x3  }
0x37: {  	[smem:$0x3FBA] =	sst s10  }
0x38: {  	s10 =	sld [smem:$0x3FBB]  }
0x39: {  	_ = 	snop;
	(pc) =	sbr.ind lr, $3  }
0x3a: {  	_ = 	snop  }
0x3b: {  	_ = 	snop  }
0x3c: {  	p2 =	seq.s32 s10, $0x1;
	s10 =	sld [smem:$0x3FBA]  }
0x3d: {  	_ =	shalt  }
0x3e: {  	_ =	shalt  }
0x3f: {  	_ =	shalt  }
0x40: {  	_ =	shalt  }
0x41: {  	_ =	shalt  }
0x42: {  	_ =	shalt  }
0x43: {  	_ =	shalt  }
0x44: {  	_ =	shalt  }
0x45: {  	_ =	shalt  }
0x46: {  	_ =	shalt  }
0x47: {  	_ =	shalt  }
0x48: {  	_ =	shalt  }
0x49: {  	_ =	shalt  }
0x4a: {  	_ =	shalt  }
0x4b: {  	_ =	shalt  }
0x4c: {  	_ =	shalt  }
0x4d: {  	_ =	shalt  }
0x4e: {  	_ =	shalt  }
0x4f: {  	_ =	shalt  }
0x50: {  	_ =	shalt  }
0x51: {  	_ =	shalt  }
0x52: {  	_ =	shalt  }
0x53: {  	_ =	shalt  }
0x54: {  	_ =	shalt  }
0x55: {  	_ =	shalt  }
0x56: {  	_ =	shalt  }
0x57: {  	_ =	shalt  }
0x58: {  	_ =	shalt  }
0x59: {  	_ =	shalt  }
0x5a: {  	_ =	shalt  }
0x5b: {  	_ =	shalt  }
0x5c: {  	_ =	shalt  }
0x5d: {  	_ =	shalt  }
0x5e: {  	_ =	shalt  }
0x5f: {  	_ =	shalt  }
0x60: {  	_ =	shalt  }
0x61: {  	_ =	shalt  }
0x62: {  	_ =	shalt  }
0x63: {  	_ =	shalt  }
0x64: {  	_ =	shalt  }
0x65: {  	_ =	shalt  }
0x66: {  	_ =	shalt  }
0x67: {  	_ =	shalt  }
0x68: {  	_ =	shalt  }
0x69: {  	_ =	shalt  }
0x6a: {  	_ =	shalt  }
0x6b: {  	_ =	shalt  }
0x6c: {  	_ =	shalt  }
0x6d: {  	_ =	shalt  }
0x6e: {  	_ =	shalt  }
0x6f: {  	_ =	shalt  }
0x70: {  	_ =	shalt  }
0x71: {  	_ =	shalt  }
0x72: {  	_ =	shalt  }
0x73: {  	_ =	shalt  }
0x74: {  	_ =	shalt  }
0x75: {  	_ =	shalt  }
0x76: {  	_ =	shalt  }
0x77: {  	_ =	shalt  }
0x78: {  	_ =	shalt  }
0x79: {  	_ =	shalt  }
0x7a: {  	_ =	shalt  }
0x7b: {  	_ =	shalt  }
0x7c: {  	_ =	shalt  }
0x7d: {  	_ =	shalt  }
0x7e: {  	_ =	shalt  }
0x7f: {  	_ =	shalt  }
0x80: {  	_ =	shalt  }
0x81: {  	_ =	shalt  }
0x82: {  	_ =	shalt  }
0x83: {  	_ =	shalt  }
0x84: {  	_ =	shalt  }
0x85: {  	_ =	shalt  }
0x86: {  	_ =	shalt  }
0x87: {  	_ =	shalt  }
.Lfunc_end0:
.L_simem_size_0:
called_computation_lowered:
.L_overlay_start_0:
0x88: {  	s2 =	sld [smem:$0x3FD9]  }
0x89: {  	s3 =	sld [smem:$0x3FFE];
	_ =	sdelay $0x1  }
0x8a: {  	s1 =	srdreg.scid  }
0x8b: {  	s0 =	sand.u32 $0x1, s1  }
0x8c: {  	s16 =	sshll.u32 s0, $0xA;
	s2 =	sadd.s32 s3, s2  }
0x8d: {  	s2 =	sadd.s32 s2, s16  }
0x8e: {  	[smem:$0x3FC6] =	sst s2  }
0x8f: {  	_ = 	snop  }
0x90: {  	(tm) =	ssettm $0x1  }
0x91: {  	s17 =	sld [smem:$0x3FFB];
	_ =	sdelay $0x3  }
0x92: {  	_ =	strace s17  }
0x93: {  	s2 =	sld [smem:$0x3FFC];
	_ =	sdelay $0x3  }
0x94: {  	_ =	strace s2  }
0x95: {  	s2 =	sld [smem:$0x3FFD];
	_ =	sdelay $0x3  }
0x96: {  	_ =	strace s2  }
0x97: {  	_ =	strace $0x8FFFFFFF  }
0x98: {  	s18 =	sld [smem:$0x3FDB];
	_ =	sdelay $0x1  }
0x99: {  	s19 =	simm.s32 $_scs_section_size  }
0x9a: {  	s4 =	simm.s32 $_size__tile_overlayer_lowered;
	s5 =	simm.s32 $_tile_overlayer_lowered  }
0x9b: {  	s22 =	simm.s32 $0x1BFF;
	s21 =	sshll.u32 s5, $0x1;
	s2 =	sadd.s32 s19, s18  }
0x9c: {  	s6 =	simm.s32 $0x0;
	s20 =	sshll.u32 s4, $0x1;
	s4 =	sadd.s32 s21, s2  }
0x9d: {  	[timem:s6], [sflag:s22] =	dma.local [hbm:s4], s20  }
0x9e: {  	_ =	swait.ge [sflag:s22], s20  }
0x9f: {  	s3 =	ssub.s32 $0x0, s20;
	[sflag:s22] =	ssyncset.done $0x0  }
0xa0: {  	[sflag:s22] =	ssyncadd.s32 s3;
	_ =	sdelay $0x1  }
0xa1: {  	s23 =	simm.s32 $0x1B8B  }
0xa2: {  	_ =	swait.ge [sflag:s23], $0x1  }
0xa3: {  	[sflag:s23] =	ssyncset.done $0x0  }
0xa4: {  	s25 =	simm.s32 $0x1B8E;
	s24 =	sld [smem:$0x3FFE];
	[sflag:s23] =	ssyncadd.s32 $0xFFFFFFFF  }
0xa5: {  	s26 =	simm.s32 $execute0_lowered;
	[smem:$0x3FD2] =	sst s25  }
0xa6: {  	s4 =	sshll.u32 s26, $0x1;
	_ =	strace $0x80000046;
	[dreg:$0x1] =	wrdreg $0xFFFFFFFF  }
0xa7: {  	s28 =	simm.s32 $_size_execute0_lowered;
	s2 =	sadd.s32 s2, s4;
	[dreg:$0x0] =	wrdreg $0x0  }
0xa8: {  	s4 =	sshll.u32 s28, $0x1;
	[dreg:$0x2] =	wrdreg s2  }
0xa9: {  	[dreg:$0x3] =	wrdreg s4  }
0xaa: {  	[dreg:$0x4] =	wrdreg $0xC0  }
0xab: {  	_ =	task [dreg:s6], $0x5FFFF  }
0xac: {  	[dreg:$0x1] =	wrdreg $0xFFFFFFFF  }
0xad: {  	[dreg:$0x0] =	wrdreg $0x60  }
0xae: {  	[dreg:$0x2] =	wrdreg s24  }
0xaf: {  	[dreg:$0x3] =	wrdreg $0x9  }
0xb0: {  	_ =	task.clear_ibuf [dreg:s6], $0x4FFFF;
	_ =	strace $0x90000046  }
0xb1: {  	s29 =	simm.s32 $0x9;
	_ =	strace $0x80000048  }
0xb2: {  	_ =	swait.ge [sflag:s29], $0x1  }
0xb3: {  	[sflag:s29] =	ssyncadd.s32 $0xFFFFFFFF  }
0xb4: {  	_ =	strace $0x90000048  }
0xb5: {  	_ =	sfence  }
0xb6: {  	s30 =	sld [smem:$0x0];
	_ =	sdelay $0x2  }
0xb7: {  	s31 =	sshll.u32 s1, $0xD;
	s1 =	sshrl.u32 s1, $0x2  }
0xb8: {  	s3 =	sand.u32 $0x4000, s31;
	s1 =	sadd.s32 s1, s30  }
0xb9: {  	s0 =	sor.u32 s3, s0;
	s1 =	sshll.u32 s1, $0x11  }
0xba: {  	s0 =	sor.u32 s1, s0  }
0xbb: {  	s0 =	sadd.s32 $0x8F2B, s0  }
0xbc: {  	[sflag:s0] =	ssyncadd.remote.s32 $0x1  }
0xbd: {  	_ =	sfence.sel $0xFFFF  }
0xbe: {  	[dreg:$0x0] =	wrdreg $0xFFFFFFFF;
	(pc) =	sbr.abs _section_cstart, $3  }
0xbf: {  	[dreg:$0x1] =	wrdreg $0xFFFFFFFF  }
0xc0: {  	_ =	task.clear_ibuf [dreg:s6], $0x2FFFF;
	_ =	strace $0x9FFFFFFF  }
0xc1: {  	(tm) =	ssettm $0x7FFFFFFF  }
tec
execute0_lowered:
.L_overlay_start_1:
0x0: {  	(tag) =	ssettag $0x1  }
0x1: {  	s0 =	rddreg [dreg:$0x0]  }
0x2: {  	s1 =	srdreg.scid;
	s3 =	stileid.u32;
	s2 =	simm.s32 $0x0  }
0x3: {  	s21 =	simm.s32 $0x3720;
	s22 =	simm.s32 $0x3B10;
	s23 =	simm.s32 $0x1  }
0x4: {  	s24 =	simm.s32 $0x3F00;
	s1 =	sand.u32 $0x1, s1;
	s3 =	sshll.u32 s3, $0x1  }
0x5: {  	s25 =	simm.s32 $0x2;
	s26 =	simm.s32 $0x0;
	s3 =	sor.u32 s1, s3  }
0x6: {  	[smem:$0x7FF] =	sst s2;
	s18 =	sadd.s32 $0xC00, s0;
	s16 =	smul.u32 $0x3E80, s3  }
0x7: {  	s1 =	ssub.s32 $0x2, s1;
	s4 =	sshll.u32 s3, $0x5;
	s3 =	smul.u32 $0x7D0, s3  }
0x8: {  	_ =	strace $0x80000047;
	s28 =	sshrl.u32 s1, $0x1;
	s0 =	sadd.s32 s4, s0  }
0x9: {  	s1 =	ssub.s32 s1, s28;
	s5 =	sadd.s32 $0x3E8, s16;
	s3 =	sadd.s32 s18, s3  }
0xa: {  	s30 =	sshrl.u32 s16, $0x3;
	s6 =	sadd.s32 $0xBB8, s16;
	s7 =	sadd.s32 $0x1388, s16  }
0xb: {  	s10 =	sadd.s32 $0x1B58, s16;
	s11 =	sadd.s32 $0x2328, s16;
	s13 =	sadd.s32 $0x2AF8, s16  }
0xc: {  	s19 =	sadd.s32 $0x32C8, s16;
	s20 =	sadd.s32 $0x3A98, s16;
	s29 =	sshrl.u32 s5, $0x3  }
0xd: {  	s17 =	sadd.s32 s18, s30;
	s6 =	sshrl.u32 s6, $0x3;
	s8 =	sshrl.u32 s7, $0x3  }
0xe: {  	s10 =	sshrl.u32 s10, $0x3;
	s12 =	sshrl.u32 s11, $0x3;
	s14 =	sshrl.u32 s13, $0x3  }
0xf: {  	s19 =	sshrl.u32 s19, $0x3;
	s31 =	sshrl.u32 s20, $0x3;
	s20 =	smax.u32 s1, $0x1  }
0x10: {  	s1 =	simm.s32 $0x3330;
	s4 =	sadd.s32 s18, s29;
	s5 =	sadd.s32 $0xFA, s17  }
0x11: {  	s6 =	sadd.s32 s18, s6;
	s7 =	sadd.s32 $0x1F4, s17;
	s8 =	sadd.s32 s18, s8  }
0x12: {  	s9 =	sadd.s32 $0x2EE, s17;
	s10 =	sadd.s32 s18, s10;
	s11 =	sadd.s32 $0x3E8, s17  }
0x13: {  	s12 =	sadd.s32 s18, s12;
	s13 =	sadd.s32 $0x4E2, s17;
	s14 =	sadd.s32 s18, s14  }
0x14: {  	s15 =	sadd.s32 $0x5DC, s17;
	s16 =	sadd.s32 s18, s19;
	s17 =	sadd.s32 $0x6D6, s17  }
0x15: {  	vm0 =	vmmov $0xff;
	s18 =	sadd.s32 s18, s31;
	s19 =	sadd.s32 $0x10600, s0;
	s0 =	simm.s32 $0x2F40  }
.LBB2_1:
0x16: {  	[tilespmem:s2], [sflag:$0x1] =	stream.linear.gather [hbm4b:s3+s2], $0x3E8, $0x38;
	[tilespmem:$0x4000] =	vst v63  }
0x17: {  	s28 =	simm.s32 $0x3F0  }
0x18: {  	[tilespmem:s28], [sflag:$0x1] =	stream.linear.gather [hbm4b:s4+s2], $0x3E8, $0x38;
	[tilespmem:$0x4000] =	vst v63  }
0x19: {  	s29 =	simm.s32 $0x7E0  }
0x1a: {  	[tilespmem:s29], [sflag:$0x1] =	stream.linear.gather [hbm4b:s5+s2], $0x3E8, $0x38;
	[tilespmem:$0x4000] =	vst v63  }
0x1b: {  	s29 =	simm.s32 $0xBD0  }
0x1c: {  	[tilespmem:s29], [sflag:$0x1] =	stream.linear.gather [hbm4b:s6+s2], $0x3E8, $0x38;
	[tilespmem:$0x4000] =	vst v63  }
0x1d: {  	s29 =	simm.s32 $0xFC0  }
0x1e: {  	[tilespmem:s29], [sflag:$0x1] =	stream.linear.gather [hbm4b:s7+s2], $0x3E8, $0x38;
	[tilespmem:$0x4000] =	vst v63  }
0x1f: {  	s29 =	simm.s32 $0x13B0  }
0x20: {  	[tilespmem:s29], [sflag:$0x1] =	stream.linear.gather [hbm4b:s8+s2], $0x3E8, $0x38;
	[tilespmem:$0x4000] =	vst v63  }
0x21: {  	s29 =	simm.s32 $0x17A0  }
0x22: {  	[tilespmem:s29], [sflag:$0x1] =	stream.linear.gather [hbm4b:s9+s2], $0x3E8, $0x38;
	[tilespmem:$0x4000] =	vst v63  }
0x23: {  	s29 =	simm.s32 $0x1B90  }
0x24: {  	[tilespmem:s29], [sflag:$0x1] =	stream.linear.gather [hbm4b:s10+s2], $0x3E8, $0x38;
	[tilespmem:$0x4000] =	vst v63  }
0x25: {  	s29 =	simm.s32 $0x1F80  }
0x26: {  	[tilespmem:s29], [sflag:$0x1] =	stream.linear.gather [hbm4b:s11+s2], $0x3E8, $0x38;
	[tilespmem:$0x4000] =	vst v63  }
0x27: {  	s29 =	simm.s32 $0x2370  }
0x28: {  	[tilespmem:s29], [sflag:$0x1] =	stream.linear.gather [hbm4b:s12+s2], $0x3E8, $0x38;
	[tilespmem:$0x4000] =	vst v63  }
0x29: {  	s29 =	simm.s32 $0x2760  }
0x2a: {  	[tilespmem:s29], [sflag:$0x1] =	stream.linear.gather [hbm4b:s13+s2], $0x3E8, $0x38;
	[tilespmem:$0x4000] =	vst v63  }
0x2b: {  	s29 =	simm.s32 $0x2B50  }
0x2c: {  	[tilespmem:s29], [sflag:$0x1] =	stream.linear.gather [hbm4b:s14+s2], $0x3E8, $0x38;
	[tilespmem:$0x4000] =	vst v63  }
0x2d: {  	_ = 	snop  }
0x2e: {  	[tilespmem:s0], [sflag:$0x1] =	stream.linear.gather [hbm4b:s15+s2], $0x3E8, $0x38;
	[tilespmem:$0x4000] =	vst v63  }
0x2f: {  	_ = 	snop  }
0x30: {  	[tilespmem:s1], [sflag:$0x1] =	stream.linear.gather [hbm4b:s16+s2], $0x3E8, $0x38;
	[tilespmem:$0x4000] =	vst v63  }
0x31: {  	_ = 	snop  }
0x32: {  	[tilespmem:s21], [sflag:$0x1] =	stream.linear.gather [hbm4b:s17+s2], $0x3E8, $0x38;
	[tilespmem:$0x4000] =	vst v63  }
0x33: {  	_ = 	snop  }
0x34: {  	[tilespmem:s22], [sflag:$0x1] =	stream.linear.gather [hbm4b:s18+s2], $0x3E8, $0x38;
	[tilespmem:$0x4000] =	vst v63  }
0x35: {  	_ =	swait.ge [sflag:s23], $0x3E8  }
0x36: {  	[sflag:s23] =	ssyncset.done $0x0  }
0x37: {  	[sflag:s23] =	ssyncadd.s32 $0xFFFFFC18  }
0x38: {  	_ =	swait.ge [sflag:s23], $0x3E8  }
0x39: {  	[sflag:s23] =	ssyncset.done $0x0  }
0x3a: {  	[sflag:s23] =	ssyncadd.s32 $0xFFFFFC18  }
0x3b: {  	_ =	swait.ge [sflag:s23], $0x3E8  }
0x3c: {  	[sflag:s23] =	ssyncset.done $0x0  }
0x3d: {  	[sflag:s23] =	ssyncadd.s32 $0xFFFFFC18  }
0x3e: {  	_ =	swait.ge [sflag:s23], $0x3E8  }
0x3f: {  	[sflag:s23] =	ssyncset.done $0x0  }
0x40: {  	[sflag:s23] =	ssyncadd.s32 $0xFFFFFC18  }
0x41: {  	_ =	swait.ge [sflag:s23], $0x3E8  }
0x42: {  	[sflag:s23] =	ssyncset.done $0x0  }
0x43: {  	[sflag:s23] =	ssyncadd.s32 $0xFFFFFC18  }
0x44: {  	_ =	swait.ge [sflag:s23], $0x3E8  }
0x45: {  	[sflag:s23] =	ssyncset.done $0x0  }
0x46: {  	[sflag:s23] =	ssyncadd.s32 $0xFFFFFC18  }
0x47: {  	_ =	swait.ge [sflag:s23], $0x3E8  }
0x48: {  	[sflag:s23] =	ssyncset.done $0x0  }
0x49: {  	[sflag:s23] =	ssyncadd.s32 $0xFFFFFC18  }
0x4a: {  	_ =	swait.ge [sflag:s23], $0x3E8  }
0x4b: {  	[sflag:s23] =	ssyncset.done $0x0  }
0x4c: {  	[sflag:s23] =	ssyncadd.s32 $0xFFFFFC18  }
0x4d: {  	_ =	swait.ge [sflag:s23], $0x3E8  }
0x4e: {  	[sflag:s23] =	ssyncset.done $0x0  }
0x4f: {  	[sflag:s23] =	ssyncadd.s32 $0xFFFFFC18  }
0x50: {  	_ =	swait.ge [sflag:s23], $0x3E8  }
0x51: {  	[sflag:s23] =	ssyncset.done $0x0  }
0x52: {  	[sflag:s23] =	ssyncadd.s32 $0xFFFFFC18  }
0x53: {  	_ =	swait.ge [sflag:s23], $0x3E8  }
0x54: {  	[sflag:s23] =	ssyncset.done $0x0  }
0x55: {  	[sflag:s23] =	ssyncadd.s32 $0xFFFFFC18  }
0x56: {  	_ =	swait.ge [sflag:s23], $0x3E8  }
0x57: {  	[sflag:s23] =	ssyncset.done $0x0  }
0x58: {  	[sflag:s23] =	ssyncadd.s32 $0xFFFFFC18  }
0x59: {  	_ =	swait.ge [sflag:s23], $0x3E8  }
0x5a: {  	[sflag:s23] =	ssyncset.done $0x0  }
0x5b: {  	[sflag:s23] =	ssyncadd.s32 $0xFFFFFC18  }
0x5c: {  	_ =	swait.ge [sflag:s23], $0x3E8  }
0x5d: {  	[sflag:s23] =	ssyncset.done $0x0  }
0x5e: {  	[sflag:s23] =	ssyncadd.s32 $0xFFFFFC18  }
0x5f: {  	_ =	swait.ge [sflag:s23], $0x3E8  }
0x60: {  	[sflag:s23] =	ssyncset.done $0x0  }
0x61: {  	[sflag:s23] =	ssyncadd.s32 $0xFFFFFC18  }
0x62: {  	_ =	swait.ge [sflag:s23], $0x3E8  }
0x63: {  	[sflag:s23] =	ssyncset.done $0x0  }
0x64: {  	s30 =	simm.s32 $0x0;
	s29 =	simm.s32 $0x3F10;
	[sflag:s23] =	ssyncadd.s32 $0xFFFFFC18  }
.LBB2_2:
0x65: {  	v0 =	vld [tilespmem:s28+$0xFFFFFC10]  }
0x66: {  	v1 =	vld [tilespmem:s28+$0xFFFFFC20]  }
0x67: {  	v2 =	vld [tilespmem:s28+$0xFFFFFC30];
	_ =	sdelay $0x2  }
0x68: {  	(xrf1) =	vsort.ascd.msk.f32 $0xffff, v0, v0  }
0x69: {  	(xrf1) =	vsort.ascd.msk.f32 $0xffff, v1, v1  }
0x6a: {  	(xrf1) =	vsort.dscd.msk.f32 $0xffff, v2, v2;
	_ =	sdelay $0xb  }
0x6b: {  	v0, _, _ =	vpop (xrf1)  }
0x6c: {  	v1, _, _ =	vpop (xrf1)  }
0x6d: {  	v2, _, _ =	vpop (xrf1)  }
0x6e: {  	v1 =	vmax.f32 v1, v2  }
0x6f: {  	(xrf1) =	vsort.dscd.msk.f32 $0xffff, v1, v1;
	_ =	sdelay $0xb  }
0x70: {  	v36 =	vld [tilespmem:s28+$0xFFFFFC40]  }
0x71: {  	v37 =	vld [tilespmem:s28+$0xFFFFFC50]  }
0x72: {  	v3, _, _ =	vpop (xrf1)  }
0x73: {  	v0 =	vmax.f32 v0, v3  }
0x74: {  	(xrf1) =	vsort.ascd.msk.f32 $0xffff, v0, v0  }
0x75: {  	(xrf1) =	vsort.ascd.msk.f32 $0xffff, v36, v36  }
0x76: {  	(xrf1) =	vsort.dscd.msk.f32 $0xffff, v37, v37;
	_ =	sdelay $0xb  }
0x77: {  	v38 =	vld [tilespmem:s28+$0xFFFFFC60];
	v39, _, _ =	vpop (xrf1)  }
0x78: {  	v40 =	vld [tilespmem:s28+$0xFFFFFC70];
	v41, _, _ =	vpop (xrf1)  }
0x79: {  	v4, _, _ =	vpop (xrf1)  }
0x7a: {  	v3 =	vmax.f32 v41, v4  }
0x7b: {  	(xrf1) =	vsort.ascd.msk.f32 $0xffff, v3, v3  }
0x7c: {  	(xrf1) =	vsort.ascd.msk.f32 $0xffff, v38, v38  }
0x7d: {  	(xrf1) =	vsort.dscd.msk.f32 $0xffff, v40, v40;
	_ =	sdelay $0xb  }
0x7e: {  	v42, _, _ =	vpop (xrf1)  }
0x7f: {  	v43, _, _ =	vpop (xrf1)  }
0x80: {  	v44, _, _ =	vpop (xrf1)  }
0x81: {  	v2 =	vmax.f32 v43, v44  }
0x82: {  	(xrf1) =	vsort.dscd.msk.f32 $0xffff, v2, v2;
	_ =	sdelay $0xd  }
0x83: {  	v2, _, _ =	vpop (xrf1)  }
0x84: {  	v0 =	vmax.f32 v42, v2  }
0x85: {  	(xrf1) =	vsort.dscd.msk.f32 $0xffff, v0, v0;
	_ =	sdelay $0xb  }
0x86: {  	v45 =	vld [tilespmem:s28+$0xFFFFFC80];
	s31 =	sand.u32 $0x3FE0, s30  }
0x87: {  	v46 =	vld [tilespmem:s31+$0x80]  }
0x88: {  	v47, _, _ =	vpop (xrf1)  }
0x89: {  	v1 =	vmax.f32 v39, v47  }
0x8a: {  	(xrf1) =	vsort.ascd.msk.f32 $0xffff, v1, v1  }
0x8b: {  	(xrf1) =	vsort.ascd.msk.f32 $0xffff, v45, v45  }
0x8c: {  	(xrf1) =	vsort.dscd.msk.f32 $0xffff, v46, v46;
	_ =	sdelay $0xb  }
0x8d: {  	v48 =	vld [tilespmem:s28+$0xFFFFFCA0];
	v1, _, _ =	vpop (xrf1)  }
0x8e: {  	v49 =	vld [tilespmem:s28+$0xFFFFFCB0];
	v50, _, _ =	vpop (xrf1)  }
0x8f: {  	v51, _, _ =	vpop (xrf1)  }
0x90: {  	v3 =	vmax.f32 v50, v51  }
0x91: {  	(xrf1) =	vsort.ascd.msk.f32 $0xffff, v3, v3  }
0x92: {  	(xrf1) =	vsort.ascd.msk.f32 $0xffff, v48, v48  }
0x93: {  	(xrf1) =	vsort.dscd.msk.f32 $0xffff, v49, v49;
	_ =	sdelay $0xb  }
0x94: {  	v52, _, _ =	vpop (xrf1)  }
0x95: {  	v53, _, _ =	vpop (xrf1)  }
0x96: {  	v54, _, _ =	vpop (xrf1)  }
0x97: {  	v2 =	vmax.f32 v53, v54  }
0x98: {  	(xrf1) =	vsort.dscd.msk.f32 $0xffff, v2, v2;
	_ =	sdelay $0xb  }
0x99: {  	v55 =	vld [tilespmem:s28+$0xFFFFFCC0]  }
0x9a: {  	v56 =	vld [tilespmem:s28+$0xFFFFFCD0]  }
0x9b: {  	v57, _, _ =	vpop (xrf1)  }
0x9c: {  	v0 =	vmax.f32 v52, v57  }
0x9d: {  	(xrf1) =	vsort.ascd.msk.f32 $0xffff, v0, v0  }
0x9e: {  	(xrf1) =	vsort.ascd.msk.f32 $0xffff, v55, v55  }
0x9f: {  	(xrf1) =	vsort.dscd.msk.f32 $0xffff, v56, v56;
	_ =	sdelay $0xb  }
0xa0: {  	v58 =	vld [tilespmem:s28+$0xFFFFFCE0];
	v59, _, _ =	vpop (xrf1)  }
0xa1: {  	v60 =	vld [tilespmem:s28+$0xFFFFFCF0];
	v61, _, _ =	vpop (xrf1)  }
0xa2: {  	v5, _, _ =	vpop (xrf1)  }
0xa3: {  	v4 =	vmax.f32 v61, v5  }
0xa4: {  	(xrf1) =	vsort.ascd.msk.f32 $0xffff, v4, v4  }
0xa5: {  	(xrf1) =	vsort.ascd.msk.f32 $0xffff, v58, v58  }
0xa6: {  	(xrf1) =	vsort.dscd.msk.f32 $0xffff, v60, v60;
	_ =	sdelay $0xb  }
0xa7: {  	v62, _, _ =	vpop (xrf1)  }
0xa8: {  	v63, _, _ =	vpop (xrf1)  }
0xa9: {  	v8, _, _ =	vpop (xrf1)  }
0xaa: {  	v3 =	vmax.f32 v63, v8  }
0xab: {  	(xrf1) =	vsort.dscd.msk.f32 $0xffff, v3, v3;
	_ =	sdelay $0xd  }
0xac: {  	v3, _, _ =	vpop (xrf1)  }
0xad: {  	v0 =	vmax.f32 v62, v3  }
0xae: {  	(xrf1) =	vsort.dscd.msk.f32 $0xffff, v0, v0;
	_ =	sdelay $0xd  }
0xaf: {  	v0, _, _ =	vpop (xrf1)  }
0xb0: {  	v0 =	vmax.f32 v59, v0  }
0xb1: {  	(xrf1) =	vsort.dscd.msk.f32 $0xffff, v0, v0;
	_ =	sdelay $0x1  }
0xb2: {  	v9 =	vld [tilespmem:s28+$0xFFFFFD00]  }
0xb3: {  	v11 =	vld [tilespmem:s28+$0xFFFFFD20]  }
0xb4: {  	v16 =	vld [tilespmem:s28+$0xFFFFFD30]  }
0xb5: {  	v25 =	vld [tilespmem:s28+$0xFFFFFD40]  }
0xb6: {  	v26 =	vld [tilespmem:s28+$0xFFFFFD50]  }
0xb7: {  	v27 =	vld [tilespmem:s28+$0xFFFFFD60]  }
0xb8: {  	v28 =	vld [tilespmem:s28+$0xFFFFFD70]  }
0xb9: {  	v29 =	vld [tilespmem:s28+$0xFFFFFD80]  }
0xba: {  	v31 =	vld [tilespmem:s28+$0xFFFFFDA0]  }
0xbb: {  	v32 =	vld [tilespmem:s28+$0xFFFFFDB0]  }
0xbc: {  	v33 =	vld [tilespmem:s28+$0xFFFFFDC0]  }
0xbd: {  	v10 =	vld [tilespmem:s31+$0x100]  }
0xbe: {  	v34 =	vld [tilespmem:s28+$0xFFFFFDD0];
	v48, _, _ =	vpop (xrf1)  }
0xbf: {  	v35 =	vld [tilespmem:s28+$0xFFFFFDE0];
	v1 =	vmax.f32 v1, v48  }
0xc0: {  	v23 =	vld [tilespmem:s28+$0xFFFFFE80];
	(xrf1) =	vsort.ascd.msk.f32 $0xffff, v1, v1  }
0xc1: {  	v21 =	vld [tilespmem:s28+$0xFFFFFEA0];
	(xrf1) =	vsort.ascd.msk.f32 $0xffff, v9, v9  }
0xc2: {  	v22 =	vld [tilespmem:s28+$0xFFFFFEB0];
	(xrf1) =	vsort.dscd.msk.f32 $0xffff, v10, v10  }
0xc3: {  	v19 =	vld [tilespmem:s28+$0xFFFFFEC0]  }
0xc4: {  	v20 =	vld [tilespmem:s28+$0xFFFFFED0]  }
0xc5: {  	v17 =	vld [tilespmem:s28+$0xFFFFFEE0]  }
0xc6: {  	v18 =	vld [tilespmem:s28+$0xFFFFFEF0]  }
0xc7: {  	v14 =	vld [tilespmem:s28+$0xFFFFFF00]  }
0xc8: {  	v12 =	vld [tilespmem:s28+$0xFFFFFF20]  }
0xc9: {  	v13 =	vld [tilespmem:s28+$0xFFFFFF30]  }
0xca: {  	v6 =	vld [tilespmem:s28+$0xFFFFFF80]  }
0xcb: {  	v30 =	vld [tilespmem:s31+$0x180]  }
0xcc: {  	v24 =	vld [tilespmem:s31+$0x280]  }
0xcd: {  	v15 =	vld [tilespmem:s31+$0x300]  }
0xce: {  	v7 =	vld [tilespmem:s31+$0x380];
	v45, _, _ =	vpop (xrf1)  }
0xcf: {  	v36 =	vld [tilespmem:s28+$0xFFFFFDF0];
	v0, _, _ =	vpop (xrf1)  }
0xd0: {  	v37 =	vld [tilespmem:s28+$0xFFFFFE00];
	v49, _, _ =	vpop (xrf1)  }
0xd1: {  	v41 =	vld [tilespmem:s28+$0xFFFFFE40];
	v0 =	vmax.f32 v0, v49  }
0xd2: {  	v38 =	vld [tilespmem:s31+$0x200];
	(xrf1) =	vsort.ascd.msk.f32 $0xffff, v0, v0  }
0xd3: {  	v40 =	vld [tilespmem:s28+$0xFFFFFE30];
	(xrf1) =	vsort.ascd.msk.f32 $0xffff, v11, v11  }
0xd4: {  	v43 =	vld [tilespmem:s28+$0xFFFFFE60]  }
0xd5: {  	v44 =	vld [tilespmem:s28+$0xFFFFFE70]  }
0xd6: {  	v42 =	vld [tilespmem:s28+$0xFFFFFE50]  }
0xd7: {  	v39 =	vld [tilespmem:s28+$0xFFFFFE20]  }
0xd8: {  	v2 =	vld [tilespmem:s28+$0xFFFFFFC0]  }
0xd9: {  	v5 =	vld [tilespmem:s28+$0xFFFFFFB0]  }
0xda: {  	v4 =	vld [tilespmem:s28+$0xFFFFFFA0]  }
0xdb: {  	v8 =	vld [tilespmem:s28+$0xFFFFFF60]  }
0xdc: {  	v3 =	vld [tilespmem:s28+$0xFFFFFFD0]  }
0xdd: {  	v1 =	vld [tilespmem:s28+$0xFFFFFFF0]  }
0xde: {  	v9 =	vld [tilespmem:s28+$0xFFFFFF70]  }
0xdf: {  	v10 =	vld [tilespmem:s28+$0xFFFFFF40]  }
0xe0: {  	v0 =	vld [tilespmem:s28+$0xFFFFFFE0];
	v46, _, _ =	vpop (xrf1)  }
0xe1: {  	v11 =	vld [tilespmem:s28+$0xFFFFFF50];
	v47, _, _ =	vpop (xrf1)  }
0xe2: {  	(xrf1) =	vsort.dscd.msk.f32 $0xffff, v16, v16;
	_ =	sdelay $0xd  }
0xe3: {  	v16, _, _ =	vpop (xrf1)  }
0xe4: {  	v16 =	vmax.f32 v47, v16  }
0xe5: {  	(xrf1) =	vsort.dscd.msk.f32 $0xffff, v16, v16;
	_ =	sdelay $0xd  }
0xe6: {  	v16, _, _ =	vpop (xrf1)  }
0xe7: {  	v16 =	vmax.f32 v46, v16  }
0xe8: {  	(xrf1) =	vsort.ascd.msk.f32 $0xffff, v16, v16  }
0xe9: {  	(xrf1) =	vsort.ascd.msk.f32 $0xffff, v25, v25  }
0xea: {  	(xrf1) =	vsort.dscd.msk.f32 $0xffff, v26, v26;
	_ =	sdelay $0xb  }
0xeb: {  	v16, _, _ =	vpop (xrf1)  }
0xec: {  	v25, _, _ =	vpop (xrf1)  }
0xed: {  	v26, _, _ =	vpop (xrf1)  }
0xee: {  	v25 =	vmax.f32 v25, v26  }
0xef: {  	(xrf1) =	vsort.ascd.msk.f32 $0xffff, v25, v25  }
0xf0: {  	(xrf1) =	vsort.ascd.msk.f32 $0xffff, v27, v27  }
0xf1: {  	(xrf1) =	vsort.dscd.msk.f32 $0xffff, v28, v28;
	_ =	sdelay $0xb  }
0xf2: {  	v25, _, _ =	vpop (xrf1)  }
0xf3: {  	v50, _, _ =	vpop (xrf1)  }
0xf4: {  	v51, _, _ =	vpop (xrf1)  }
0xf5: {  	v26 =	vmax.f32 v50, v51  }
0xf6: {  	(xrf1) =	vsort.dscd.msk.f32 $0xffff, v26, v26;
	_ =	sdelay $0xd  }
0xf7: {  	v26, _, _ =	vpop (xrf1)  }
0xf8: {  	v25 =	vmax.f32 v25, v26  }
0xf9: {  	(xrf1) =	vsort.dscd.msk.f32 $0xffff, v25, v25;
	_ =	sdelay $0xd  }
0xfa: {  	v25, _, _ =	vpop (xrf1)  }
0xfb: {  	v16 =	vmax.f32 v16, v25  }
0xfc: {  	(xrf1) =	vsort.ascd.msk.f32 $0xffff, v16, v16  }
0xfd: {  	(xrf1) =	vsort.ascd.msk.f32 $0xffff, v29, v29  }
0xfe: {  	(xrf1) =	vsort.dscd.msk.f32 $0xffff, v30, v30;
	_ =	sdelay $0xb  }
0xff: {  	v16, _, _ =	vpop (xrf1)  }
0x100: {  	v52, _, _ =	vpop (xrf1)  }
0x101: {  	v53, _, _ =	vpop (xrf1)  }
0x102: {  	v25 =	vmax.f32 v52, v53  }
0x103: {  	(xrf1) =	vsort.ascd.msk.f32 $0xffff, v25, v25  }
0x104: {  	(xrf1) =	vsort.ascd.msk.f32 $0xffff, v31, v31  }
0x105: {  	(xrf1) =	vsort.dscd.msk.f32 $0xffff, v32, v32;
	_ =	sdelay $0xb  }
0x106: {  	v25, _, _ =	vpop (xrf1)  }
0x107: {  	v54, _, _ =	vpop (xrf1)  }
0x108: {  	v55, _, _ =	vpop (xrf1)  }
0x109: {  	v26 =	vmax.f32 v54, v55  }
0x10a: {  	(xrf1) =	vsort.dscd.msk.f32 $0xffff, v26, v26;
	_ =	sdelay $0xd  }
0x10b: {  	v26, _, _ =	vpop (xrf1)  }
0x10c: {  	v25 =	vmax.f32 v25, v26  }
0x10d: {  	(xrf1) =	vsort.ascd.msk.f32 $0xffff, v25, v25  }
0x10e: {  	(xrf1) =	vsort.ascd.msk.f32 $0xffff, v33, v33  }
0x10f: {  	(xrf1) =	vsort.dscd.msk.f32 $0xffff, v34, v34;
	_ =	sdelay $0xb  }
0x110: {  	v25, _, _ =	vpop (xrf1)  }
0x111: {  	v56, _, _ =	vpop (xrf1)  }
0x112: {  	v57, _, _ =	vpop (xrf1)  }
0x113: {  	v26 =	vmax.f32 v56, v57  }
0x114: {  	(xrf1) =	vsort.ascd.msk.f32 $0xffff, v26, v26  }
0x115: {  	(xrf1) =	vsort.ascd.msk.f32 $0xffff, v35, v35  }
0x116: {  	(xrf1) =	vsort.dscd.msk.f32 $0xffff, v36, v36;
	_ =	sdelay $0xb  }
0x117: {  	v26, _, _ =	vpop (xrf1)  }
0x118: {  	v58, _, _ =	vpop (xrf1)  }
0x119: {  	v59, _, _ =	vpop (xrf1)  }
0x11a: {  	v27 =	vmax.f32 v58, v59  }
0x11b: {  	(xrf1) =	vsort.dscd.msk.f32 $0xffff, v27, v27;
	_ =	sdelay $0xd  }
0x11c: {  	v27, _, _ =	vpop (xrf1)  }
0x11d: {  	v26 =	vmax.f32 v26, v27  }
0x11e: {  	(xrf1) =	vsort.dscd.msk.f32 $0xffff, v26, v26;
	_ =	sdelay $0xd  }
0x11f: {  	v26, _, _ =	vpop (xrf1)  }
0x120: {  	v25 =	vmax.f32 v25, v26  }
0x121: {  	(xrf1) =	vsort.dscd.msk.f32 $0xffff, v25, v25;
	_ =	sdelay $0xd  }
0x122: {  	v25, _, _ =	vpop (xrf1)  }
0x123: {  	v16 =	vmax.f32 v16, v25  }
0x124: {  	(xrf1) =	vsort.dscd.msk.f32 $0xffff, v16, v16;
	_ =	sdelay $0xd  }
0x125: {  	v16, _, _ =	vpop (xrf1)  }
0x126: {  	v16 =	vmax.f32 v45, v16  }
0x127: {  	(xrf1) =	vsort.ascd.msk.f32 $0xffff, v16, v16  }
0x128: {  	(xrf1) =	vsort.ascd.msk.f32 $0xffff, v37, v37  }
0x129: {  	(xrf1) =	vsort.dscd.msk.f32 $0xffff, v38, v38;
	_ =	sdelay $0xb  }
0x12a: {  	v16, _, _ =	vpop (xrf1)  }
0x12b: {  	v60, _, _ =	vpop (xrf1)  }
0x12c: {  	v61, _, _ =	vpop (xrf1)  }
0x12d: {  	v25 =	vmax.f32 v60, v61  }
0x12e: {  	(xrf1) =	vsort.ascd.msk.f32 $0xffff, v25, v25  }
0x12f: {  	(xrf1) =	vsort.ascd.msk.f32 $0xffff, v39, v39  }
0x130: {  	(xrf1) =	vsort.dscd.msk.f32 $0xffff, v40, v40;
	_ =	sdelay $0xb  }
0x131: {  	v25, _, _ =	vpop (xrf1)  }
0x132: {  	v62, _, _ =	vpop (xrf1)  }
0x133: {  	v63, _, _ =	vpop (xrf1)  }
0x134: {  	v26 =	vmax.f32 v62, v63  }
0x135: {  	(xrf1) =	vsort.dscd.msk.f32 $0xffff, v26, v26;
	_ =	sdelay $0xd  }
0x136: {  	v26, _, _ =	vpop (xrf1)  }
0x137: {  	v25 =	vmax.f32 v25, v26  }
0x138: {  	(xrf1) =	vsort.ascd.msk.f32 $0xffff, v25, v25  }
0x139: {  	(xrf1) =	vsort.ascd.msk.f32 $0xffff, v41, v41  }
0x13a: {  	(xrf1) =	vsort.dscd.msk.f32 $0xffff, v42, v42;
	_ =	sdelay $0xb  }
0x13b: {  	v25, _, _ =	vpop (xrf1)  }
0x13c: {  	v30, _, _ =	vpop (xrf1)  }
0x13d: {  	v31, _, _ =	vpop (xrf1)  }
0x13e: {  	v26 =	vmax.f32 v30, v31  }
0x13f: {  	(xrf1) =	vsort.ascd.msk.f32 $0xffff, v26, v26  }
0x140: {  	(xrf1) =	vsort.ascd.msk.f32 $0xffff, v43, v43  }
0x141: {  	(xrf1) =	vsort.dscd.msk.f32 $0xffff, v44, v44;
	_ =	sdelay $0xb  }
0x142: {  	v26, _, _ =	vpop (xrf1)  }
0x143: {  	v32, _, _ =	vpop (xrf1)  }
0x144: {  	v33, _, _ =	vpop (xrf1)  }
0x145: {  	v27 =	vmax.f32 v32, v33  }
0x146: {  	(xrf1) =	vsort.dscd.msk.f32 $0xffff, v27, v27;
	_ =	sdelay $0xd  }
0x147: {  	v27, _, _ =	vpop (xrf1)  }
0x148: {  	v26 =	vmax.f32 v26, v27  }
0x149: {  	(xrf1) =	vsort.dscd.msk.f32 $0xffff, v26, v26;
	_ =	sdelay $0xd  }
0x14a: {  	v26, _, _ =	vpop (xrf1)  }
0x14b: {  	v25 =	vmax.f32 v25, v26  }
0x14c: {  	(xrf1) =	vsort.ascd.msk.f32 $0xffff, v25, v25  }
0x14d: {  	(xrf1) =	vsort.ascd.msk.f32 $0xffff, v23, v23  }
0x14e: {  	(xrf1) =	vsort.dscd.msk.f32 $0xffff, v24, v24;
	_ =	sdelay $0xb  }
0x14f: {  	v34, _, _ =	vpop (xrf1)  }
0x150: {  	v35, _, _ =	vpop (xrf1)  }
0x151: {  	v36, _, _ =	vpop (xrf1)  }
0x152: {  	v24 =	vmax.f32 v35, v36  }
0x153: {  	(xrf1) =	vsort.ascd.msk.f32 $0xffff, v24, v24  }
0x154: {  	(xrf1) =	vsort.ascd.msk.f32 $0xffff, v21, v21  }
0x155: {  	(xrf1) =	vsort.dscd.msk.f32 $0xffff, v22, v22;
	_ =	sdelay $0xb  }
0x156: {  	v37, _, _ =	vpop (xrf1)  }
0x157: {  	v38, _, _ =	vpop (xrf1)  }
0x158: {  	v39, _, _ =	vpop (xrf1)  }
0x159: {  	v22 =	vmax.f32 v38, v39  }
0x15a: {  	(xrf1) =	vsort.dscd.msk.f32 $0xffff, v22, v22;
	_ =	sdelay $0xd  }
0x15b: {  	v22, _, _ =	vpop (xrf1)  }
0x15c: {  	v21 =	vmax.f32 v37, v22  }
0x15d: {  	(xrf1) =	vsort.ascd.msk.f32 $0xffff, v21, v21  }
0x15e: {  	(xrf1) =	vsort.ascd.msk.f32 $0xffff, v19, v19  }
0x15f: {  	(xrf1) =	vsort.dscd.msk.f32 $0xffff, v20, v20;
	_ =	sdelay $0xb  }
0x160: {  	v40, _, _ =	vpop (xrf1)  }
0x161: {  	v41, _, _ =	vpop (xrf1)  }
0x162: {  	v42, _, _ =	vpop (xrf1)  }
0x163: {  	v20 =	vmax.f32 v41, v42  }
0x164: {  	(xrf1) =	vsort.ascd.msk.f32 $0xffff, v20, v20  }
0x165: {  	(xrf1) =	vsort.ascd.msk.f32 $0xffff, v17, v17  }
0x166: {  	(xrf1) =	vsort.dscd.msk.f32 $0xffff, v18, v18;
	_ =	sdelay $0xb  }
0x167: {  	v43, _, _ =	vpop (xrf1)  }
0x168: {  	v44, _, _ =	vpop (xrf1)  }
0x169: {  	v45, _, _ =	vpop (xrf1)  }
0x16a: {  	v18 =	vmax.f32 v44, v45  }
0x16b: {  	(xrf1) =	vsort.dscd.msk.f32 $0xffff, v18, v18;
	_ =	sdelay $0xd  }
0x16c: {  	v18, _, _ =	vpop (xrf1)  }
0x16d: {  	v17 =	vmax.f32 v43, v18  }
0x16e: {  	(xrf1) =	vsort.dscd.msk.f32 $0xffff, v17, v17;
	_ =	sdelay $0xd  }
0x16f: {  	v17, _, _ =	vpop (xrf1)  }
0x170: {  	v17 =	vmax.f32 v40, v17  }
0x171: {  	(xrf1) =	vsort.dscd.msk.f32 $0xffff, v17, v17;
	_ =	sdelay $0xd  }
0x172: {  	v17, _, _ =	vpop (xrf1)  }
0x173: {  	v17 =	vmax.f32 v34, v17  }
0x174: {  	(xrf1) =	vsort.ascd.msk.f32 $0xffff, v17, v17  }
0x175: {  	(xrf1) =	vsort.ascd.msk.f32 $0xffff, v14, v14  }
0x176: {  	(xrf1) =	vsort.dscd.msk.f32 $0xffff, v15, v15;
	_ =	sdelay $0xb  }
0x177: {  	v46, _, _ =	vpop (xrf1)  }
0x178: {  	v47, _, _ =	vpop (xrf1)  }
0x179: {  	v48, _, _ =	vpop (xrf1)  }
0x17a: {  	v15 =	vmax.f32 v47, v48  }
0x17b: {  	(xrf1) =	vsort.ascd.msk.f32 $0xffff, v15, v15  }
0x17c: {  	(xrf1) =	vsort.ascd.msk.f32 $0xffff, v12, v12  }
0x17d: {  	(xrf1) =	vsort.dscd.msk.f32 $0xffff, v13, v13;
	_ =	sdelay $0xb  }
0x17e: {  	v49, _, _ =	vpop (xrf1)  }
0x17f: {  	v50, _, _ =	vpop (xrf1)  }
0x180: {  	v51, _, _ =	vpop (xrf1)  }
0x181: {  	v13 =	vmax.f32 v50, v51  }
0x182: {  	(xrf1) =	vsort.dscd.msk.f32 $0xffff, v13, v13;
	_ =	sdelay $0xd  }
0x183: {  	v13, _, _ =	vpop (xrf1)  }
0x184: {  	v12 =	vmax.f32 v49, v13  }
0x185: {  	(xrf1) =	vsort.ascd.msk.f32 $0xffff, v12, v12  }
0x186: {  	(xrf1) =	vsort.ascd.msk.f32 $0xffff, v10, v10  }
0x187: {  	(xrf1) =	vsort.dscd.msk.f32 $0xffff, v11, v11;
	_ =	sdelay $0xb  }
0x188: {  	v52, _, _ =	vpop (xrf1)  }
0x189: {  	v53, _, _ =	vpop (xrf1)  }
0x18a: {  	v54, _, _ =	vpop (xrf1)  }
0x18b: {  	v11 =	vmax.f32 v53, v54  }
0x18c: {  	(xrf1) =	vsort.ascd.msk.f32 $0xffff, v11, v11  }
0x18d: {  	(xrf1) =	vsort.ascd.msk.f32 $0xffff, v8, v8  }
0x18e: {  	(xrf1) =	vsort.dscd.msk.f32 $0xffff, v9, v9;
	_ =	sdelay $0xb  }
0x18f: {  	v55, _, _ =	vpop (xrf1)  }
0x190: {  	v56, _, _ =	vpop (xrf1)  }
0x191: {  	v57, _, _ =	vpop (xrf1)  }
0x192: {  	v9 =	vmax.f32 v56, v57  }
0x193: {  	(xrf1) =	vsort.dscd.msk.f32 $0xffff, v9, v9;
	_ =	sdelay $0xd  }
0x194: {  	v9, _, _ =	vpop (xrf1)  }
0x195: {  	v8 =	vmax.f32 v55, v9  }
0x196: {  	(xrf1) =	vsort.dscd.msk.f32 $0xffff, v8, v8;
	_ =	sdelay $0xd  }
0x197: {  	v8, _, _ =	vpop (xrf1)  }
0x198: {  	v8 =	vmax.f32 v52, v8  }
0x199: {  	(xrf1) =	vsort.ascd.msk.f32 $0xffff, v8, v8  }
0x19a: {  	(xrf1) =	vsort.ascd.msk.f32 $0xffff, v6, v6  }
0x19b: {  	(xrf1) =	vsort.dscd.msk.f32 $0xffff, v7, v7;
	_ =	sdelay $0xb  }
0x19c: {  	v58, _, _ =	vpop (xrf1)  }
0x19d: {  	v59, _, _ =	vpop (xrf1)  }
0x19e: {  	v60, _, _ =	vpop (xrf1)  }
0x19f: {  	v7 =	vmax.f32 v59, v60  }
0x1a0: {  	(xrf1) =	vsort.ascd.msk.f32 $0xffff, v7, v7  }
0x1a1: {  	(xrf1) =	vsort.ascd.msk.f32 $0xffff, v4, v4  }
0x1a2: {  	(xrf1) =	vsort.dscd.msk.f32 $0xffff, v5, v5;
	_ =	sdelay $0xb  }
0x1a3: {  	v61, _, _ =	vpop (xrf1)  }
0x1a4: {  	v62, _, _ =	vpop (xrf1)  }
0x1a5: {  	v63, _, _ =	vpop (xrf1)  }
0x1a6: {  	v5 =	vmax.f32 v62, v63  }
0x1a7: {  	(xrf1) =	vsort.dscd.msk.f32 $0xffff, v5, v5;
	_ =	sdelay $0xd  }
0x1a8: {  	v5, _, _ =	vpop (xrf1)  }
0x1a9: {  	v4 =	vmax.f32 v61, v5  }
0x1aa: {  	(xrf1) =	vsort.ascd.msk.f32 $0xffff, v4, v4  }
0x1ab: {  	(xrf1) =	vsort.ascd.msk.f32 $0xffff, v2, v2  }
0x1ac: {  	(xrf1) =	vsort.dscd.msk.f32 $0xffff, v3, v3;
	_ =	sdelay $0xb  }
0x1ad: {  	v9, _, _ =	vpop (xrf1)  }
0x1ae: {  	v10, _, _ =	vpop (xrf1)  }
0x1af: {  	v11, _, _ =	vpop (xrf1)  }
0x1b0: {  	v3 =	vmax.f32 v10, v11  }
0x1b1: {  	(xrf1) =	vsort.ascd.msk.f32 $0xffff, v3, v3  }
0x1b2: {  	v1 =	vnsel vm0, $0xFF800000, v1;
	(xrf1) =	vsort.ascd.msk.f32 $0xffff, v0, v0  }
0x1b3: {  	(xrf1) =	vsort.dscd.msk.f32 $0xffff, v1, v1;
	_ =	sdelay $0xb  }
0x1b4: {  	v12, _, _ =	vpop (xrf1)  }
0x1b5: {  	v13, _, _ =	vpop (xrf1)  }
0x1b6: {  	v15, _, _ =	vpop (xrf1)  }
0x1b7: {  	v1 =	vmax.f32 v13, v15  }
0x1b8: {  	(xrf1) =	vsort.dscd.msk.f32 $0xffff, v1, v1;
	_ =	sdelay $0xd  }
0x1b9: {  	v1, _, _ =	vpop (xrf1)  }
0x1ba: {  	v0 =	vmax.f32 v12, v1  }
0x1bb: {  	(xrf1) =	vsort.dscd.msk.f32 $0xffff, v0, v0;
	_ =	sdelay $0xd  }
0x1bc: {  	v0, _, _ =	vpop (xrf1)  }
0x1bd: {  	v0 =	vmax.f32 v9, v0  }
0x1be: {  	(xrf1) =	vsort.dscd.msk.f32 $0xffff, v0, v0;
	_ =	sdelay $0xd  }
0x1bf: {  	v0, _, _ =	vpop (xrf1)  }
0x1c0: {  	v0 =	vmax.f32 v58, v0  }
0x1c1: {  	(xrf1) =	vsort.dscd.msk.f32 $0xffff, v0, v0;
	_ =	sdelay $0xd  }
0x1c2: {  	v0, _, _ =	vpop (xrf1)  }
0x1c3: {  	v0 =	vmax.f32 v46, v0  }
0x1c4: {  	(xrf1) =	vsort.dscd.msk.f32 $0xffff, v0, v0;
	_ =	sdelay $0xd  }
0x1c5: {  	v0, _, _ =	vpop (xrf1)  }
0x1c6: {  	v0 =	vmax.f32 v16, v0  }
0x1c7: {  	(xrf1) =	vsort.dscd.msk.f32 $0xffff, v0, v0;
	_ =	sdelay $0xd  }
0x1c8: {  	v0, _, _ =	vpop (xrf1)  }
0x1c9: {  	[tilespmem:s29+$0xFFFFFFF0] =	vst v0  }
0x1ca: {  	v0 =	vld [tilespmem:s28+$0x0]  }
0x1cb: {  	v16 =	vld [tilespmem:s28+$0x10]  }
0x1cc: {  	v17 =	vld [tilespmem:s28+$0x20];
	_ =	sdelay $0x2  }
0x1cd: {  	(xrf1) =	vsort.ascd.msk.f32 $0xffff, v0, v0  }
0x1ce: {  	(xrf1) =	vsort.ascd.msk.f32 $0xffff, v16, v16  }
0x1cf: {  	(xrf1) =	vsort.dscd.msk.f32 $0xffff, v17, v17;
	_ =	sdelay $0xb  }
0x1d0: {  	v0, _, _ =	vpop (xrf1)  }
0x1d1: {  	v1, _, _ =	vpop (xrf1)  }
0x1d2: {  	v2, _, _ =	vpop (xrf1)  }
0x1d3: {  	v1 =	vmax.f32 v1, v2  }
0x1d4: {  	(xrf1) =	vsort.dscd.msk.f32 $0xffff, v1, v1;
	_ =	sdelay $0xb  }
0x1d5: {  	v18 =	vld [tilespmem:s28+$0x30]  }
0x1d6: {  	v19 =	vld [tilespmem:s28+$0x40]  }
0x1d7: {  	v20, _, _ =	vpop (xrf1)  }
0x1d8: {  	v0 =	vmax.f32 v0, v20  }
0x1d9: {  	(xrf1) =	vsort.ascd.msk.f32 $0xffff, v0, v0  }
0x1da: {  	(xrf1) =	vsort.ascd.msk.f32 $0xffff, v18, v18  }
0x1db: {  	(xrf1) =	vsort.dscd.msk.f32 $0xffff, v19, v19;
	_ =	sdelay $0xb  }
0x1dc: {  	v21 =	vld [tilespmem:s28+$0x50];
	v22, _, _ =	vpop (xrf1)  }
0x1dd: {  	v23 =	vld [tilespmem:s28+$0x60];
	v24, _, _ =	vpop (xrf1)  }
0x1de: {  	v25, _, _ =	vpop (xrf1)  }
0x1df: {  	v3 =	vmax.f32 v24, v25  }
0x1e0: {  	(xrf1) =	vsort.ascd.msk.f32 $0xffff, v3, v3  }
0x1e1: {  	(xrf1) =	vsort.ascd.msk.f32 $0xffff, v21, v21  }
0x1e2: {  	(xrf1) =	vsort.dscd.msk.f32 $0xffff, v23, v23;
	_ =	sdelay $0xb  }
0x1e3: {  	v26, _, _ =	vpop (xrf1)  }
0x1e4: {  	v27, _, _ =	vpop (xrf1)  }
0x1e5: {  	v28, _, _ =	vpop (xrf1)  }
0x1e6: {  	v2 =	vmax.f32 v27, v28  }
0x1e7: {  	(xrf1) =	vsort.dscd.msk.f32 $0xffff, v2, v2;
	_ =	sdelay $0xd  }
0x1e8: {  	v2, _, _ =	vpop (xrf1)  }
0x1e9: {  	v0 =	vmax.f32 v26, v2  }
0x1ea: {  	(xrf1) =	vsort.dscd.msk.f32 $0xffff, v0, v0;
	_ =	sdelay $0xa  }
0x1eb: {  	s31 =	sadd.s32 $0x3F0, s30  }
0x1ec: {  	s31 =	sand.u32 $0x3FF0, s31;
	v29 =	vld [tilespmem:s28+$0x70]  }
0x1ed: {  	v30 =	vld [tilespmem:s31+$0x80]  }
0x1ee: {  	v31, _, _ =	vpop (xrf1)  }
0x1ef: {  	v1 =	vmax.f32 v22, v31  }
0x1f0: {  	(xrf1) =	vsort.ascd.msk.f32 $0xffff, v1, v1  }
0x1f1: {  	(xrf1) =	vsort.ascd.msk.f32 $0xffff, v29, v29  }
0x1f2: {  	(xrf1) =	vsort.dscd.msk.f32 $0xffff, v30, v30;
	_ =	sdelay $0xb  }
0x1f3: {  	v32 =	vld [tilespmem:s28+$0x90];
	v1, _, _ =	vpop (xrf1)  }
0x1f4: {  	v33 =	vld [tilespmem:s28+$0xA0];
	v34, _, _ =	vpop (xrf1)  }
0x1f5: {  	v35, _, _ =	vpop (xrf1)  }
0x1f6: {  	v3 =	vmax.f32 v34, v35  }
0x1f7: {  	(xrf1) =	vsort.ascd.msk.f32 $0xffff, v3, v3  }
0x1f8: {  	(xrf1) =	vsort.ascd.msk.f32 $0xffff, v32, v32  }
0x1f9: {  	(xrf1) =	vsort.dscd.msk.f32 $0xffff, v33, v33;
	_ =	sdelay $0xb  }
0x1fa: {  	v36, _, _ =	vpop (xrf1)  }
0x1fb: {  	v37, _, _ =	vpop (xrf1)  }
0x1fc: {  	v38, _, _ =	vpop (xrf1)  }
0x1fd: {  	v2 =	vmax.f32 v37, v38  }
0x1fe: {  	(xrf1) =	vsort.dscd.msk.f32 $0xffff, v2, v2;
	_ =	sdelay $0xb  }
0x1ff: {  	v39 =	vld [tilespmem:s28+$0xB0]  }
0x200: {  	v40 =	vld [tilespmem:s28+$0xC0]  }
0x201: {  	v41, _, _ =	vpop (xrf1)  }
0x202: {  	v0 =	vmax.f32 v36, v41  }
0x203: {  	(xrf1) =	vsort.ascd.msk.f32 $0xffff, v0, v0  }
0x204: {  	(xrf1) =	vsort.ascd.msk.f32 $0xffff, v39, v39  }
0x205: {  	(xrf1) =	vsort.dscd.msk.f32 $0xffff, v40, v40;
	_ =	sdelay $0xb  }
0x206: {  	v42 =	vld [tilespmem:s28+$0xD0];
	v43, _, _ =	vpop (xrf1)  }
0x207: {  	v44 =	vld [tilespmem:s28+$0xE0];
	v45, _, _ =	vpop (xrf1)  }
0x208: {  	v46, _, _ =	vpop (xrf1)  }
0x209: {  	v4 =	vmax.f32 v45, v46  }
0x20a: {  	(xrf1) =	vsort.ascd.msk.f32 $0xffff, v4, v4  }
0x20b: {  	(xrf1) =	vsort.ascd.msk.f32 $0xffff, v42, v42  }
0x20c: {  	(xrf1) =	vsort.dscd.msk.f32 $0xffff, v44, v44;
	_ =	sdelay $0xb  }
0x20d: {  	v47, _, _ =	vpop (xrf1)  }
0x20e: {  	v48, _, _ =	vpop (xrf1)  }
0x20f: {  	v49, _, _ =	vpop (xrf1)  }
0x210: {  	v3 =	vmax.f32 v48, v49  }
0x211: {  	(xrf1) =	vsort.dscd.msk.f32 $0xffff, v3, v3;
	_ =	sdelay $0xd  }
0x212: {  	v3, _, _ =	vpop (xrf1)  }
0x213: {  	v0 =	vmax.f32 v47, v3  }
0x214: {  	(xrf1) =	vsort.dscd.msk.f32 $0xffff, v0, v0;
	_ =	sdelay $0xd  }
0x215: {  	v0, _, _ =	vpop (xrf1)  }
0x216: {  	v0 =	vmax.f32 v43, v0  }
0x217: {  	(xrf1) =	vsort.dscd.msk.f32 $0xffff, v0, v0;
	_ =	sdelay $0xb  }
0x218: {  	v50 =	vld [tilespmem:s28+$0xF0]  }
0x219: {  	v51 =	vld [tilespmem:s31+$0x100]  }
0x21a: {  	v52, _, _ =	vpop (xrf1)  }
0x21b: {  	v1 =	vmax.f32 v1, v52  }
0x21c: {  	(xrf1) =	vsort.ascd.msk.f32 $0xffff, v1, v1  }
0x21d: {  	(xrf1) =	vsort.ascd.msk.f32 $0xffff, v50, v50  }
0x21e: {  	(xrf1) =	vsort.dscd.msk.f32 $0xffff, v51, v51;
	_ =	sdelay $0xb  }
0x21f: {  	v53 =	vld [tilespmem:s28+$0x110];
	v1, _, _ =	vpop (xrf1)  }
0x220: {  	v54 =	vld [tilespmem:s28+$0x120];
	v55, _, _ =	vpop (xrf1)  }
0x221: {  	v56, _, _ =	vpop (xrf1)  }
0x222: {  	v3 =	vmax.f32 v55, v56  }
0x223: {  	(xrf1) =	vsort.ascd.msk.f32 $0xffff, v3, v3  }
0x224: {  	(xrf1) =	vsort.ascd.msk.f32 $0xffff, v53, v53  }
0x225: {  	(xrf1) =	vsort.dscd.msk.f32 $0xffff, v54, v54;
	_ =	sdelay $0xb  }
0x226: {  	v57, _, _ =	vpop (xrf1)  }
0x227: {  	v58, _, _ =	vpop (xrf1)  }
0x228: {  	v59, _, _ =	vpop (xrf1)  }
0x229: {  	v2 =	vmax.f32 v58, v59  }
0x22a: {  	(xrf1) =	vsort.dscd.msk.f32 $0xffff, v2, v2;
	_ =	sdelay $0xb  }
0x22b: {  	v60 =	vld [tilespmem:s28+$0x130]  }
0x22c: {  	v61 =	vld [tilespmem:s28+$0x140]  }
0x22d: {  	v62, _, _ =	vpop (xrf1)  }
0x22e: {  	v0 =	vmax.f32 v57, v62  }
0x22f: {  	(xrf1) =	vsort.ascd.msk.f32 $0xffff, v0, v0  }
0x230: {  	(xrf1) =	vsort.ascd.msk.f32 $0xffff, v60, v60  }
0x231: {  	(xrf1) =	vsort.dscd.msk.f32 $0xffff, v61, v61;
	_ =	sdelay $0xb  }
0x232: {  	v63 =	vld [tilespmem:s28+$0x150];
	v8, _, _ =	vpop (xrf1)  }
0x233: {  	v9 =	vld [tilespmem:s28+$0x160];
	v10, _, _ =	vpop (xrf1)  }
0x234: {  	v11, _, _ =	vpop (xrf1)  }
0x235: {  	v4 =	vmax.f32 v10, v11  }
0x236: {  	(xrf1) =	vsort.ascd.msk.f32 $0xffff, v4, v4  }
0x237: {  	(xrf1) =	vsort.ascd.msk.f32 $0xffff, v63, v63  }
0x238: {  	(xrf1) =	vsort.dscd.msk.f32 $0xffff, v9, v9;
	_ =	sdelay $0xb  }
0x239: {  	v12, _, _ =	vpop (xrf1)  }
0x23a: {  	v13, _, _ =	vpop (xrf1)  }
0x23b: {  	v14, _, _ =	vpop (xrf1)  }
0x23c: {  	v3 =	vmax.f32 v13, v14  }
0x23d: {  	(xrf1) =	vsort.dscd.msk.f32 $0xffff, v3, v3;
	_ =	sdelay $0xd  }
0x23e: {  	v3, _, _ =	vpop (xrf1)  }
0x23f: {  	v0 =	vmax.f32 v12, v3  }
0x240: {  	(xrf1) =	vsort.dscd.msk.f32 $0xffff, v0, v0;
	_ =	sdelay $0xb  }
0x241: {  	v15 =	vld [tilespmem:s28+$0x170]  }
0x242: {  	v16 =	vld [tilespmem:s31+$0x180]  }
0x243: {  	v17, _, _ =	vpop (xrf1)  }
0x244: {  	v2 =	vmax.f32 v8, v17  }
0x245: {  	(xrf1) =	vsort.ascd.msk.f32 $0xffff, v2, v2  }
0x246: {  	(xrf1) =	vsort.ascd.msk.f32 $0xffff, v15, v15  }
0x247: {  	(xrf1) =	vsort.dscd.msk.f32 $0xffff, v16, v16;
	_ =	sdelay $0xb  }
0x248: {  	v18 =	vld [tilespmem:s28+$0x190];
	v2, _, _ =	vpop (xrf1)  }
0x249: {  	v19 =	vld [tilespmem:s28+$0x1A0];
	v20, _, _ =	vpop (xrf1)  }
0x24a: {  	v21, _, _ =	vpop (xrf1)  }
0x24b: {  	v4 =	vmax.f32 v20, v21  }
0x24c: {  	(xrf1) =	vsort.ascd.msk.f32 $0xffff, v4, v4  }
0x24d: {  	(xrf1) =	vsort.ascd.msk.f32 $0xffff, v18, v18  }
0x24e: {  	(xrf1) =	vsort.dscd.msk.f32 $0xffff, v19, v19;
	_ =	sdelay $0xb  }
0x24f: {  	v22, _, _ =	vpop (xrf1)  }
0x250: {  	v23, _, _ =	vpop (xrf1)  }
0x251: {  	v24, _, _ =	vpop (xrf1)  }
0x252: {  	v3 =	vmax.f32 v23, v24  }
0x253: {  	(xrf1) =	vsort.dscd.msk.f32 $0xffff, v3, v3;
	_ =	sdelay $0xb  }
0x254: {  	v25 =	vld [tilespmem:s28+$0x1B0]  }
0x255: {  	v26 =	vld [tilespmem:s28+$0x1C0]  }
0x256: {  	v27, _, _ =	vpop (xrf1)  }
0x257: {  	v0 =	vmax.f32 v22, v27  }
0x258: {  	(xrf1) =	vsort.ascd.msk.f32 $0xffff, v0, v0  }
0x259: {  	(xrf1) =	vsort.ascd.msk.f32 $0xffff, v25, v25  }
0x25a: {  	(xrf1) =	vsort.dscd.msk.f32 $0xffff, v26, v26;
	_ =	sdelay $0xb  }
0x25b: {  	v28 =	vld [tilespmem:s28+$0x1D0];
	v29, _, _ =	vpop (xrf1)  }
0x25c: {  	v30 =	vld [tilespmem:s28+$0x1E0];
	v31, _, _ =	vpop (xrf1)  }
0x25d: {  	v32, _, _ =	vpop (xrf1)  }
0x25e: {  	v5 =	vmax.f32 v31, v32  }
0x25f: {  	(xrf1) =	vsort.ascd.msk.f32 $0xffff, v5, v5  }
0x260: {  	(xrf1) =	vsort.ascd.msk.f32 $0xffff, v28, v28  }
0x261: {  	(xrf1) =	vsort.dscd.msk.f32 $0xffff, v30, v30;
	_ =	sdelay $0xb  }
0x262: {  	v33, _, _ =	vpop (xrf1)  }
0x263: {  	v34, _, _ =	vpop (xrf1)  }
0x264: {  	v35, _, _ =	vpop (xrf1)  }
0x265: {  	v4 =	vmax.f32 v34, v35  }
0x266: {  	(xrf1) =	vsort.dscd.msk.f32 $0xffff, v4, v4;
	_ =	sdelay $0xd  }
0x267: {  	v4, _, _ =	vpop (xrf1)  }
0x268: {  	v0 =	vmax.f32 v33, v4  }
0x269: {  	(xrf1) =	vsort.dscd.msk.f32 $0xffff, v0, v0;
	_ =	sdelay $0xd  }
0x26a: {  	v0, _, _ =	vpop (xrf1)  }
0x26b: {  	v0 =	vmax.f32 v29, v0  }
0x26c: {  	(xrf1) =	vsort.dscd.msk.f32 $0xffff, v0, v0;
	_ =	sdelay $0xd  }
0x26d: {  	v0, _, _ =	vpop (xrf1)  }
0x26e: {  	v0 =	vmax.f32 v2, v0  }
0x26f: {  	(xrf1) =	vsort.dscd.msk.f32 $0xffff, v0, v0;
	_ =	sdelay $0xb  }
0x270: {  	v36 =	vld [tilespmem:s28+$0x1F0]  }
0x271: {  	v37 =	vld [tilespmem:s31+$0x200]  }
0x272: {  	v38, _, _ =	vpop (xrf1)  }
0x273: {  	v1 =	vmax.f32 v1, v38  }
0x274: {  	(xrf1) =	vsort.ascd.msk.f32 $0xffff, v1, v1  }
0x275: {  	(xrf1) =	vsort.ascd.msk.f32 $0xffff, v36, v36  }
0x276: {  	(xrf1) =	vsort.dscd.msk.f32 $0xffff, v37, v37;
	_ =	sdelay $0xb  }
0x277: {  	v39 =	vld [tilespmem:s28+$0x210];
	v0, _, _ =	vpop (xrf1)  }
0x278: {  	v40 =	vld [tilespmem:s28+$0x220];
	v41, _, _ =	vpop (xrf1)  }
0x279: {  	v42, _, _ =	vpop (xrf1)  }
0x27a: {  	v3 =	vmax.f32 v41, v42  }
0x27b: {  	(xrf1) =	vsort.ascd.msk.f32 $0xffff, v3, v3  }
0x27c: {  	(xrf1) =	vsort.ascd.msk.f32 $0xffff, v39, v39  }
0x27d: {  	(xrf1) =	vsort.dscd.msk.f32 $0xffff, v40, v40;
	_ =	sdelay $0xb  }
0x27e: {  	v43, _, _ =	vpop (xrf1)  }
0x27f: {  	v44, _, _ =	vpop (xrf1)  }
0x280: {  	v45, _, _ =	vpop (xrf1)  }
0x281: {  	v2 =	vmax.f32 v44, v45  }
0x282: {  	(xrf1) =	vsort.dscd.msk.f32 $0xffff, v2, v2;
	_ =	sdelay $0xb  }
0x283: {  	v46 =	vld [tilespmem:s28+$0x230]  }
0x284: {  	v47 =	vld [tilespmem:s28+$0x240]  }
0x285: {  	v48, _, _ =	vpop (xrf1)  }
0x286: {  	v1 =	vmax.f32 v43, v48  }
0x287: {  	(xrf1) =	vsort.ascd.msk.f32 $0xffff, v1, v1  }
0x288: {  	(xrf1) =	vsort.ascd.msk.f32 $0xffff, v46, v46  }
0x289: {  	(xrf1) =	vsort.dscd.msk.f32 $0xffff, v47, v47;
	_ =	sdelay $0xb  }
0x28a: {  	v49 =	vld [tilespmem:s28+$0x250];
	v50, _, _ =	vpop (xrf1)  }
0x28b: {  	v51 =	vld [tilespmem:s28+$0x260];
	v52, _, _ =	vpop (xrf1)  }
0x28c: {  	v53, _, _ =	vpop (xrf1)  }
0x28d: {  	v4 =	vmax.f32 v52, v53  }
0x28e: {  	(xrf1) =	vsort.ascd.msk.f32 $0xffff, v4, v4  }
0x28f: {  	(xrf1) =	vsort.ascd.msk.f32 $0xffff, v49, v49  }
0x290: {  	(xrf1) =	vsort.dscd.msk.f32 $0xffff, v51, v51;
	_ =	sdelay $0xb  }
0x291: {  	v54, _, _ =	vpop (xrf1)  }
0x292: {  	v55, _, _ =	vpop (xrf1)  }
0x293: {  	v56, _, _ =	vpop (xrf1)  }
0x294: {  	v3 =	vmax.f32 v55, v56  }
0x295: {  	(xrf1) =	vsort.dscd.msk.f32 $0xffff, v3, v3;
	_ =	sdelay $0xd  }
0x296: {  	v3, _, _ =	vpop (xrf1)  }
0x297: {  	v1 =	vmax.f32 v54, v3  }
0x298: {  	(xrf1) =	vsort.dscd.msk.f32 $0xffff, v1, v1;
	_ =	sdelay $0xb  }
0x299: {  	v57 =	vld [tilespmem:s28+$0x270]  }
0x29a: {  	v58 =	vld [tilespmem:s31+$0x280]  }
0x29b: {  	v59, _, _ =	vpop (xrf1)  }
0x29c: {  	v2 =	vmax.f32 v50, v59  }
0x29d: {  	(xrf1) =	vsort.ascd.msk.f32 $0xffff, v2, v2  }
0x29e: {  	(xrf1) =	vsort.ascd.msk.f32 $0xffff, v57, v57  }
0x29f: {  	(xrf1) =	vsort.dscd.msk.f32 $0xffff, v58, v58;
	_ =	sdelay $0xb  }
0x2a0: {  	v60 =	vld [tilespmem:s28+$0x290];
	v2, _, _ =	vpop (xrf1)  }
0x2a1: {  	v61 =	vld [tilespmem:s28+$0x2A0];
	v62, _, _ =	vpop (xrf1)  }
0x2a2: {  	v63, _, _ =	vpop (xrf1)  }
0x2a3: {  	v4 =	vmax.f32 v62, v63  }
0x2a4: {  	(xrf1) =	vsort.ascd.msk.f32 $0xffff, v4, v4  }
0x2a5: {  	(xrf1) =	vsort.ascd.msk.f32 $0xffff, v60, v60  }
0x2a6: {  	(xrf1) =	vsort.dscd.msk.f32 $0xffff, v61, v61;
	_ =	sdelay $0xb  }
0x2a7: {  	v8, _, _ =	vpop (xrf1)  }
0x2a8: {  	v9, _, _ =	vpop (xrf1)  }
0x2a9: {  	v10, _, _ =	vpop (xrf1)  }
0x2aa: {  	v3 =	vmax.f32 v9, v10  }
0x2ab: {  	(xrf1) =	vsort.dscd.msk.f32 $0xffff, v3, v3;
	_ =	sdelay $0xb  }
0x2ac: {  	v11 =	vld [tilespmem:s28+$0x2B0]  }
0x2ad: {  	v12 =	vld [tilespmem:s28+$0x2C0]  }
0x2ae: {  	v13, _, _ =	vpop (xrf1)  }
0x2af: {  	v1 =	vmax.f32 v8, v13  }
0x2b0: {  	(xrf1) =	vsort.ascd.msk.f32 $0xffff, v1, v1  }
0x2b1: {  	(xrf1) =	vsort.ascd.msk.f32 $0xffff, v11, v11  }
0x2b2: {  	(xrf1) =	vsort.dscd.msk.f32 $0xffff, v12, v12;
	_ =	sdelay $0xb  }
0x2b3: {  	v14 =	vld [tilespmem:s28+$0x2D0];
	v15, _, _ =	vpop (xrf1)  }
0x2b4: {  	v16 =	vld [tilespmem:s28+$0x2E0];
	v17, _, _ =	vpop (xrf1)  }
0x2b5: {  	v18, _, _ =	vpop (xrf1)  }
0x2b6: {  	v5 =	vmax.f32 v17, v18  }
0x2b7: {  	(xrf1) =	vsort.ascd.msk.f32 $0xffff, v5, v5  }
0x2b8: {  	(xrf1) =	vsort.ascd.msk.f32 $0xffff, v14, v14  }
0x2b9: {  	(xrf1) =	vsort.dscd.msk.f32 $0xffff, v16, v16;
	_ =	sdelay $0xb  }
0x2ba: {  	v19, _, _ =	vpop (xrf1)  }
0x2bb: {  	v20, _, _ =	vpop (xrf1)  }
0x2bc: {  	v21, _, _ =	vpop (xrf1)  }
0x2bd: {  	v4 =	vmax.f32 v20, v21  }
0x2be: {  	(xrf1) =	vsort.dscd.msk.f32 $0xffff, v4, v4;
	_ =	sdelay $0xd  }
0x2bf: {  	v4, _, _ =	vpop (xrf1)  }
0x2c0: {  	v1 =	vmax.f32 v19, v4  }
0x2c1: {  	(xrf1) =	vsort.dscd.msk.f32 $0xffff, v1, v1;
	_ =	sdelay $0xd  }
0x2c2: {  	v1, _, _ =	vpop (xrf1)  }
0x2c3: {  	v1 =	vmax.f32 v15, v1  }
0x2c4: {  	(xrf1) =	vsort.dscd.msk.f32 $0xffff, v1, v1;
	_ =	sdelay $0xb  }
0x2c5: {  	v22 =	vld [tilespmem:s28+$0x2F0]  }
0x2c6: {  	v23 =	vld [tilespmem:s31+$0x300]  }
0x2c7: {  	v24, _, _ =	vpop (xrf1)  }
0x2c8: {  	v2 =	vmax.f32 v2, v24  }
0x2c9: {  	(xrf1) =	vsort.ascd.msk.f32 $0xffff, v2, v2  }
0x2ca: {  	(xrf1) =	vsort.ascd.msk.f32 $0xffff, v22, v22  }
0x2cb: {  	(xrf1) =	vsort.dscd.msk.f32 $0xffff, v23, v23;
	_ =	sdelay $0xb  }
0x2cc: {  	v25 =	vld [tilespmem:s28+$0x310];
	v2, _, _ =	vpop (xrf1)  }
0x2cd: {  	v26 =	vld [tilespmem:s28+$0x320];
	v27, _, _ =	vpop (xrf1)  }
0x2ce: {  	v28, _, _ =	vpop (xrf1)  }
0x2cf: {  	v4 =	vmax.f32 v27, v28  }
0x2d0: {  	(xrf1) =	vsort.ascd.msk.f32 $0xffff, v4, v4  }
0x2d1: {  	(xrf1) =	vsort.ascd.msk.f32 $0xffff, v25, v25  }
0x2d2: {  	(xrf1) =	vsort.dscd.msk.f32 $0xffff, v26, v26;
	_ =	sdelay $0xb  }
0x2d3: {  	v29, _, _ =	vpop (xrf1)  }
0x2d4: {  	v30, _, _ =	vpop (xrf1)  }
0x2d5: {  	v31, _, _ =	vpop (xrf1)  }
0x2d6: {  	v3 =	vmax.f32 v30, v31  }
0x2d7: {  	(xrf1) =	vsort.dscd.msk.f32 $0xffff, v3, v3;
	_ =	sdelay $0xb  }
0x2d8: {  	v32 =	vld [tilespmem:s28+$0x330]  }
0x2d9: {  	v33 =	vld [tilespmem:s28+$0x340]  }
0x2da: {  	v34, _, _ =	vpop (xrf1)  }
0x2db: {  	v1 =	vmax.f32 v29, v34  }
0x2dc: {  	(xrf1) =	vsort.ascd.msk.f32 $0xffff, v1, v1  }
0x2dd: {  	(xrf1) =	vsort.ascd.msk.f32 $0xffff, v32, v32  }
0x2de: {  	(xrf1) =	vsort.dscd.msk.f32 $0xffff, v33, v33;
	_ =	sdelay $0xb  }
0x2df: {  	v35 =	vld [tilespmem:s28+$0x350];
	v36, _, _ =	vpop (xrf1)  }
0x2e0: {  	v37 =	vld [tilespmem:s28+$0x360];
	v38, _, _ =	vpop (xrf1)  }
0x2e1: {  	v39, _, _ =	vpop (xrf1)  }
0x2e2: {  	v5 =	vmax.f32 v38, v39  }
0x2e3: {  	(xrf1) =	vsort.ascd.msk.f32 $0xffff, v5, v5  }
0x2e4: {  	(xrf1) =	vsort.ascd.msk.f32 $0xffff, v35, v35  }
0x2e5: {  	(xrf1) =	vsort.dscd.msk.f32 $0xffff, v37, v37;
	_ =	sdelay $0xb  }
0x2e6: {  	v40, _, _ =	vpop (xrf1)  }
0x2e7: {  	v41, _, _ =	vpop (xrf1)  }
0x2e8: {  	v42, _, _ =	vpop (xrf1)  }
0x2e9: {  	v4 =	vmax.f32 v41, v42  }
0x2ea: {  	(xrf1) =	vsort.dscd.msk.f32 $0xffff, v4, v4;
	_ =	sdelay $0xd  }
0x2eb: {  	v4, _, _ =	vpop (xrf1)  }
0x2ec: {  	v1 =	vmax.f32 v40, v4  }
0x2ed: {  	(xrf1) =	vsort.dscd.msk.f32 $0xffff, v1, v1;
	_ =	sdelay $0xb  }
0x2ee: {  	v43 =	vld [tilespmem:s28+$0x370]  }
0x2ef: {  	v44 =	vld [tilespmem:s31+$0x380]  }
0x2f0: {  	v45, _, _ =	vpop (xrf1)  }
0x2f1: {  	v3 =	vmax.f32 v36, v45  }
0x2f2: {  	(xrf1) =	vsort.ascd.msk.f32 $0xffff, v3, v3  }
0x2f3: {  	(xrf1) =	vsort.ascd.msk.f32 $0xffff, v43, v43  }
0x2f4: {  	(xrf1) =	vsort.dscd.msk.f32 $0xffff, v44, v44;
	_ =	sdelay $0xb  }
0x2f5: {  	v46 =	vld [tilespmem:s28+$0x390];
	v3, _, _ =	vpop (xrf1)  }
0x2f6: {  	v47 =	vld [tilespmem:s28+$0x3A0];
	v48, _, _ =	vpop (xrf1)  }
0x2f7: {  	v49, _, _ =	vpop (xrf1)  }
0x2f8: {  	v5 =	vmax.f32 v48, v49  }
0x2f9: {  	(xrf1) =	vsort.ascd.msk.f32 $0xffff, v5, v5  }
0x2fa: {  	(xrf1) =	vsort.ascd.msk.f32 $0xffff, v46, v46  }
0x2fb: {  	(xrf1) =	vsort.dscd.msk.f32 $0xffff, v47, v47;
	_ =	sdelay $0xb  }
0x2fc: {  	v50, _, _ =	vpop (xrf1)  }
0x2fd: {  	v51, _, _ =	vpop (xrf1)  }
0x2fe: {  	v52, _, _ =	vpop (xrf1)  }
0x2ff: {  	v4 =	vmax.f32 v51, v52  }
0x300: {  	(xrf1) =	vsort.dscd.msk.f32 $0xffff, v4, v4;
	_ =	sdelay $0xb  }
0x301: {  	v53 =	vld [tilespmem:s28+$0x3B0]  }
0x302: {  	v54 =	vld [tilespmem:s28+$0x3C0]  }
0x303: {  	v55, _, _ =	vpop (xrf1)  }
0x304: {  	v1 =	vmax.f32 v50, v55  }
0x305: {  	(xrf1) =	vsort.ascd.msk.f32 $0xffff, v1, v1  }
0x306: {  	(xrf1) =	vsort.ascd.msk.f32 $0xffff, v53, v53  }
0x307: {  	(xrf1) =	vsort.dscd.msk.f32 $0xffff, v54, v54;
	_ =	sdelay $0xa  }
0x308: {  	v56 =	vld [tilespmem:s28+$0x3D0]  }
0x309: {  	v57 =	vld [tilespmem:s28+$0x3E0];
	v58, _, _ =	vpop (xrf1)  }
0x30a: {  	v59, _, _ =	vpop (xrf1)  }
0x30b: {  	v60, _, _ =	vpop (xrf1)  }
0x30c: {  	v6 =	vmax.f32 v59, v60  }
0x30d: {  	(xrf1) =	vsort.ascd.msk.f32 $0xffff, v6, v6  }
0x30e: {  	v4 =	vnsel vm0, $0xFF800000, v57;
	(xrf1) =	vsort.ascd.msk.f32 $0xffff, v56, v56  }
0x30f: {  	(xrf1) =	vsort.dscd.msk.f32 $0xffff, v4, v4;
	_ =	sdelay $0xb  }
0x310: {  	v61, _, _ =	vpop (xrf1)  }
0x311: {  	v62, _, _ =	vpop (xrf1)  }
0x312: {  	v63, _, _ =	vpop (xrf1)  }
0x313: {  	v4 =	vmax.f32 v62, v63  }
0x314: {  	(xrf1) =	vsort.dscd.msk.f32 $0xffff, v4, v4;
	_ =	sdelay $0xd  }
0x315: {  	v4, _, _ =	vpop (xrf1)  }
0x316: {  	v1 =	vmax.f32 v61, v4  }
0x317: {  	(xrf1) =	vsort.dscd.msk.f32 $0xffff, v1, v1;
	_ =	sdelay $0xd  }
0x318: {  	v1, _, _ =	vpop (xrf1)  }
0x319: {  	v1 =	vmax.f32 v58, v1  }
0x31a: {  	(xrf1) =	vsort.dscd.msk.f32 $0xffff, v1, v1;
	_ =	sdelay $0xd  }
0x31b: {  	v1, _, _ =	vpop (xrf1)  }
0x31c: {  	v1 =	vmax.f32 v3, v1  }
0x31d: {  	(xrf1) =	vsort.dscd.msk.f32 $0xffff, v1, v1;
	_ =	sdelay $0xd  }
0x31e: {  	v1, _, _ =	vpop (xrf1)  }
0x31f: {  	v1 =	vmax.f32 v2, v1  }
0x320: {  	(xrf1) =	vsort.dscd.msk.f32 $0xffff, v1, v1;
	_ =	sdelay $0xd  }
0x321: {  	v1, _, _ =	vpop (xrf1)  }
0x322: {  	v0 =	vmax.f32 v0, v1  }
0x323: {  	(xrf1) =	vsort.dscd.msk.f32 $0xffff, v0, v0;
	_ =	sdelay $0x9  }
0x324: {  	p0 =	sne.s32 s30, $0x3720  }
.Ltmp0:
0x325: {  	_ = 	snop;
	(pc) =	sbr.rel @p0 .LBB2_2-.Ltmp0, $3  }
0x326: {  	_ =	sdelay $0x1  }
0x327: {  	v0, _, _ =	vpop (xrf1)  }
0x328: {  	s30 =	sadd.s32 $0x7E0, s30;
	s28 =	sadd.s32 $0x7E0, s28;
	[tilespmem:s29+$0x0] =	vst v0;
	s29 =	sadd.s32 $0x20, s29  }
0x329: {  	s26 =	sadd.s32 $0x1, s26  }
0x32a: {  	p0 =	sne.s32 s26, s20  }
.Ltmp1:
0x32b: {  	_ = 	snop;
	(pc) =	sbr.rel @p0 .LBB2_1-.Ltmp1, $4  }
0x32c: {  	[hbm4b:s19+s2] =	stream.linear.scatter [tilespmem:s24], [sflag:$0x2], $0x100, $0x38;
	[tilespmem:$0x4000] =	vst v63  }
0x32d: {  	_ =	swait.ge [sflag:s25], $0x100  }
0x32e: {  	[sflag:s25] =	ssyncset.done $0x0  }
0x32f: {  	[sflag:s25] =	ssyncadd.s32 $0xFFFFFF00  }
0x330: {  	_ =	sfence.sel $0x180000  }
0x331: {  	[bflag:$0x0] =	sbarrier.arrive $0xFFFF  }
0x332: {  	_ =	strace $0x90000047  }
0x333: {  	s0 =	stileid.u32;
	[bflag:$0x2] =	sbarrier.arrive $0xFFFF  }
0x334: {  	p0 =	sne.s32 s0, $0x0;
	s0 =	rddreg [dreg:$0x1]  }
0x335: {  	s0 =	sadd.s32 @!p0 $0x100000, s0  }
0x336: {  	[sflag:s0] =	ssyncadd.tile.s32 @!p0 $0x1;
	_ =	shalt  }
.Lfunc_end2:
_tile_overlayer_lowered:
.L_overlay_start_2:
0x337: {  	(tag) =	ssettag $0x2  }
0x338: {  	s0 =	rddreg [dreg:$0x0];
	s2 =	stileid.u32  }
0x339: {  	s1 =	rddreg [dreg:$0x1];
	p0 =	sne.s32 s2, $0x0  }
0x33a: {  	s3 =	rddreg [dreg:$0x2];
	[bflag:$0x3] =	sbarrier.arrive $0xFFFF;
	s2 =	simm.s32 @!p0 $0x1C02  }
0x33b: {  	[timem:s3], [sflag:s2] =	dma.local @!p0 [hbm:s0], s1  }
0x33c: {  	s0 =	simm.s32 @!p0 $0x2  }
0x33d: {  	_ =	swait.ge @!p0 [sflag:s0], s1  }
0x33e: {  	s1 =	ssub.s32 @!p0 $0x0, s1;
	[sflag:s0] =	ssyncset.done @!p0 $0x0  }
0x33f: {  	[sflag:s0] =	ssyncadd.s32 @!p0 s1  }
0x340: {  	[bflag:$0x3] =	sbarrier.arrive $0xFFFF  }
0x341: {  	_ =	shalt  }

</sc_bundles>
